<compile_context>
chip_gen: v7x
topology: tpu7x:2x2x1
jax: 0.10.2.dev20260603
libtpu: 0.0.44.dev20260713+nightly
codegen_flags: <defaults>
</compile_context>

<pallas_src>
import functools

import jax
import jax.numpy as jnp
from jax import lax
from jax.experimental import pallas as pl
from jax.experimental.pallas import tpu as pltpu
from jax.experimental.pallas import tpu_sc as plsc

K = 20
EPS = 1e-5
NEG = -1e30


def _bdot(a, b):
    return lax.dot_general(a.astype(jnp.bfloat16), b.astype(jnp.bfloat16),
                           (((1,), (0,)), ((), ())),
                           preferred_element_type=jnp.float32)



def _knn_body(xr_ref, xa_ref, xt_ref, out_ref, ds, acc):
    b = pl.program_id(0)
    R, N = ds.shape
    g = _bdot(xr_ref[0], xt_ref[0])
    xat = xt_ref[0]
    cn = jnp.sum(xat * xat, axis=0, keepdims=True)
    ds[...] = 2.0 * g - cn
    acc[...] = jnp.zeros_like(acc)

    iota = lax.broadcasted_iota(jnp.int32, (R, N), 1).astype(jnp.float32)
    iota_k = lax.broadcasted_iota(jnp.int32, (1, K), 1).astype(jnp.float32)

    def body(j, _):
        d = ds[...]
        m = jnp.max(d, axis=1, keepdims=True)
        cand = jnp.where(d == m, iota, 3000.0)
        ix = jnp.min(cand, axis=1, keepdims=True)
        ds[...] = jnp.where(iota == ix, NEG, d)
        acc[...] = acc[...] + ix * ((iota_k == j).astype(jnp.float32))
        return 0

    lax.fori_loop(0, K, body, 0)
    del b
    out_ref[0] = acc[...].astype(jnp.int32)


def _knn(x):
    B, N, C = x.shape
    xT = jnp.transpose(x, (0, 2, 1))
    R = 256
    return pl.pallas_call(
        _knn_body,
        grid=(B, N // R),
        in_specs=[
            pl.BlockSpec((1, R, C), lambda b, r: (b, r, 0)),
            pl.BlockSpec((1, N, C), lambda b, r: (b, 0, 0)),
            pl.BlockSpec((1, C, N), lambda b, r: (b, 0, 0)),
        ],
        out_specs=pl.BlockSpec((1, R, K), lambda b, r: (b, r, 0)),
        out_shape=jax.ShapeDtypeStruct((B, N, K), jnp.int32),
        scratch_shapes=[
            pltpu.VMEM((R, N), jnp.float32),
            pltpu.VMEM((R, K), jnp.float32),
        ],
    )(x, x, xT)



_CH = 128
_NBUF = 4


def _sc_gather(table, idx2d):
    n_rows, _ = idx2d.shape
    T = n_rows * _CH
    D = table.shape[1]
    info = plsc.get_sparse_core_info()
    NW = info.num_cores * info.num_subcores
    rows_w = n_rows // NW
    n_rounds = rows_w // _NBUF
    assert rows_w % _NBUF == 0
    mesh = plsc.VectorSubcoreMesh(core_axis_name="c", subcore_axis_name="s")

    @functools.partial(
        pl.kernel,
        mesh=mesh,
        out_type=jax.ShapeDtypeStruct((T, D), jnp.float32),
        scratch_types=(
            [pltpu.VMEM((rows_w, _CH), jnp.int32)]
            + [pltpu.VMEM((_CH, D), jnp.float32) for _ in range(_NBUF)]
            + [pltpu.SemaphoreType.DMA, pltpu.SemaphoreType.DMA]
        ),
    )
    def k(table_hbm, idx_hbm, out_hbm, idx_v, *rest):
        rows = rest[:_NBUF]
        gsem, osem = rest[_NBUF], rest[_NBUF + 1]
        wid = lax.axis_index("s") * info.num_cores + lax.axis_index("c")
        base = wid * rows_w
        pltpu.sync_copy(idx_hbm.at[pl.ds(base, rows_w)], idx_v)

        def round_body(r, _):
            hs = []
            for t in range(_NBUF):
                c = r * _NBUF + t
                hs.append(pltpu.async_copy(
                    table_hbm.at[idx_v.at[c]], rows[t], gsem))
            os = []
            for t in range(_NBUF):
                c = r * _NBUF + t
                hs[t].wait()
                os.append(pltpu.async_copy(
                    rows[t], out_hbm.at[pl.ds((base + c) * _CH, _CH)], osem))
            for t in range(_NBUF):
                os[t].wait()
            return 0

        lax.fori_loop(0, n_rounds, round_body, 0)

    return k(table, idx2d)


def _gather3(xpad, idx_bnk):
    M = xpad.shape[0]
    B, N, _ = idx_bnk.shape
    idxf = idx_bnk + (jnp.arange(B, dtype=jnp.int32) * N)[:, None, None]
    idx2d = jnp.transpose(idxf.reshape(M, K)).reshape(-1, _CH)
    G = _sc_gather(xpad, idx2d)
    return G.reshape(K, M, xpad.shape[1])



def _lrelu(z):
    return jnp.maximum(z, 0.2 * z)


def _bn_apply(y, stats_ref, g_ref, b_ref, cnt):
    m = stats_ref[0:1, :] / cnt
    msq = stats_ref[1:2, :] / cnt
    var = msq - m * m
    r = jnp.sqrt(var + EPS)
    return (y - m) / r * g_ref[...] + b_ref[...]


def _bn_apply_mv(y, mv_ref, g_ref, b_ref):
    m = mv_ref[0:1, :]
    var = mv_ref[1:2, :]
    r = jnp.sqrt(var + EPS)
    return (y - m) / r * g_ref[...] + b_ref[...]


def _edge_feat(g_ref, x_ref, C):
    gx = g_ref[...][:, :, :C]
    xn = x_ref[...][None]
    d = gx - jnp.broadcast_to(xn, gx.shape)
    feat = jnp.concatenate([d, jnp.broadcast_to(xn, gx.shape)], axis=2)
    Kk, P, C2 = feat.shape
    return feat.reshape(Kk * P, C2)



def _mv8(m, v):
    m = m.reshape(1, -1)
    return jnp.concatenate([m, v.reshape(1, -1),
                            jnp.zeros((6, m.shape[1]), jnp.float32)])


def _xla_block_stats(xt_bcn, idx_local, W1, g1, b1, W2):
    B, C, N = xt_bcn.shape
    xtt = jnp.transpose(xt_bcn, (0, 2, 1))
    nb = xtt[jnp.arange(B)[:, None, None], idx_local]
    xc = jnp.broadcast_to(xtt[:, :, None, :], (B, N, K, C))
    feat = jnp.concatenate([nb - xc, xc], axis=3)
    h = jnp.transpose(feat, (0, 3, 1, 2))
    y = jnp.einsum('oc,bcnk->bonk', W1, h)
    m1 = jnp.mean(y, axis=(0, 2, 3), keepdims=True)
    v1 = jnp.var(y, axis=(0, 2, 3), keepdims=True)
    if W2 is None:
        return _mv8(m1, v1), None
    h1 = (y - m1) / jnp.sqrt(v1 + EPS) * g1[None, :, None, None] \
        + b1[None, :, None, None]
    h1 = jnp.where(h1 > 0, h1, 0.2 * h1)
    y2 = jnp.einsum('oc,bcnk->bonk', W2, h1)
    m2 = jnp.mean(y2, axis=(0, 2, 3), keepdims=True)
    v2 = jnp.var(y2, axis=(0, 2, 3), keepdims=True)
    return _mv8(m1, v1), _mv8(m2, v2)


def _block_main_body(g_ref, x_ref, w1_ref, mv_ref, ga_ref, be_ref, w2_ref,
                     mx_ref, C):
    feat = _edge_feat(g_ref, x_ref, C)
    y1 = _bdot(feat, w1_ref[...])
    h1 = _lrelu(_bn_apply_mv(y1, mv_ref, ga_ref, be_ref))
    y2 = _bdot(h1, w2_ref[...])
    Co = y2.shape[1]
    P = x_ref.shape[0]
    mx_ref[...] = jnp.max(y2.reshape(K, P, Co), axis=0)


def _block_main(G3, X, W1T, mv1, g1, b1, W2T):
    _, M, Dp = G3.shape
    C = X.shape[1]
    C1 = W1T.shape[1]
    C2 = W2T.shape[1]
    P = 256
    return pl.pallas_call(
        functools.partial(_block_main_body, C=C),
        grid=(M // P,),
        in_specs=[
            pl.BlockSpec((K, P, Dp), lambda i: (0, i, 0)),
            pl.BlockSpec((P, C), lambda i: (i, 0)),
            pl.BlockSpec((2 * C, C1), lambda i: (0, 0)),
            pl.BlockSpec((8, C1), lambda i: (0, 0)),
            pl.BlockSpec((1, C1), lambda i: (0, 0)),
            pl.BlockSpec((1, C1), lambda i: (0, 0)),
            pl.BlockSpec((C1, C2), lambda i: (0, 0)),
        ],
        out_specs=pl.BlockSpec((P, C2), lambda i: (i, 0)),
        out_shape=jax.ShapeDtypeStruct((M, C2), jnp.float32),
    )(G3, X, W1T, mv1, g1, b1, W2T)


def _block3_body(g_ref, x_ref, w_ref, mx_ref, st_ref, acc, C):
    i = pl.program_id(0)

    @pl.when(i == 0)
    def _():
        acc[...] = jnp.zeros_like(acc)

    feat = _edge_feat(g_ref, x_ref, C)
    y = _bdot(feat, w_ref[...])
    acc[0:1, :] = acc[0:1, :] + jnp.sum(y, axis=0, keepdims=True)
    acc[1:2, :] = acc[1:2, :] + jnp.sum(y * y, axis=0, keepdims=True)
    Co = y.shape[1]
    P = x_ref.shape[0]
    mx_ref[...] = jnp.max(y.reshape(K, P, Co), axis=0)

    @pl.when(i == pl.num_programs(0) - 1)
    def _():
        st_ref[...] = acc[...]


def _block3(G3, X, WT):
    _, M, Dp = G3.shape
    C = X.shape[1]
    Co = WT.shape[1]
    P = 256
    return pl.pallas_call(
        functools.partial(_block3_body, C=C),
        grid=(M // P,),
        in_specs=[
            pl.BlockSpec((K, P, Dp), lambda i: (0, i, 0)),
            pl.BlockSpec((P, C), lambda i: (i, 0)),
            pl.BlockSpec((2 * C, Co), lambda i: (0, 0)),
        ],
        out_specs=[
            pl.BlockSpec((P, Co), lambda i: (i, 0)),
            pl.BlockSpec((8, Co), lambda i: (0, 0)),
        ],
        out_shape=[
            jax.ShapeDtypeStruct((M, Co), jnp.float32),
            jax.ShapeDtypeStruct((8, Co), jnp.float32),
        ],
        scratch_shapes=[pltpu.VMEM((8, Co), jnp.float32)],
    )(G3, X, WT)


def _act_cnt_body(m_ref, st_ref, g_ref, b_ref, x_ref, cnt):
    x_ref[...] = _lrelu(_bn_apply(m_ref[...], st_ref, g_ref, b_ref, cnt))


def _act_cnt(Mx, st, g, b, cnt):
    M, C = Mx.shape
    P = 1024
    return pl.pallas_call(
        functools.partial(_act_cnt_body, cnt=cnt),
        grid=(M // P,),
        in_specs=[
            pl.BlockSpec((P, C), lambda i: (i, 0)),
            pl.BlockSpec((8, C), lambda i: (0, 0)),
            pl.BlockSpec((1, C), lambda i: (0, 0)),
            pl.BlockSpec((1, C), lambda i: (0, 0)),
        ],
        out_specs=pl.BlockSpec((P, C), lambda i: (i, 0)),
        out_shape=jax.ShapeDtypeStruct((M, C), jnp.float32),
    )(Mx, st, g, b)


def _act_body(m_ref, mv_ref, g_ref, b_ref, x_ref):
    x_ref[...] = _lrelu(_bn_apply_mv(m_ref[...], mv_ref, g_ref, b_ref))


def _act(Mx, mv, g, b):
    M, C = Mx.shape
    P = 1024
    return pl.pallas_call(
        _act_body,
        grid=(M // P,),
        in_specs=[
            pl.BlockSpec((P, C), lambda i: (i, 0)),
            pl.BlockSpec((8, C), lambda i: (0, 0)),
            pl.BlockSpec((1, C), lambda i: (0, 0)),
            pl.BlockSpec((1, C), lambda i: (0, 0)),
        ],
        out_specs=pl.BlockSpec((P, C), lambda i: (i, 0)),
        out_shape=jax.ShapeDtypeStruct((M, C), jnp.float32),
    )(Mx, mv, g, b)



def _t1_body(x1_ref, x2_ref, x3_ref, w_ref, mx_ref, st_ref, acc, bmax,
             n_tiles):
    b = pl.program_id(0)
    t = pl.program_id(1)

    @pl.when((b == 0) & (t == 0))
    def _():
        acc[...] = jnp.zeros_like(acc)

    feat = jnp.concatenate([x1_ref[...], x2_ref[...], x3_ref[...]], axis=1)
    y = _bdot(feat, w_ref[...])
    acc[0:1, :] = acc[0:1, :] + jnp.sum(y, axis=0, keepdims=True)
    acc[1:2, :] = acc[1:2, :] + jnp.sum(y * y, axis=0, keepdims=True)
    tile_max = jnp.max(y, axis=0, keepdims=True)

    @pl.when(t == 0)
    def _():
        bmax[pl.ds(b, 1), :] = jnp.full_like(tile_max, NEG)

    bmax[pl.ds(b, 1), :] = jnp.maximum(bmax[pl.ds(b, 1), :], tile_max)

    @pl.when((b == pl.num_programs(0) - 1) & (t == n_tiles - 1))
    def _():
        st_ref[...] = acc[...]
        mx_ref[...] = bmax[...]


def _t1(x1, x2, x3, W6T, B, N):
    M, C = x1.shape
    Co = W6T.shape[1]
    P = 512
    n_tiles = N // P
    return pl.pallas_call(
        functools.partial(_t1_body, n_tiles=n_tiles),
        grid=(B, n_tiles),
        in_specs=[
            pl.BlockSpec((P, C), lambda b, t: (b * n_tiles + t, 0)),
            pl.BlockSpec((P, C), lambda b, t: (b * n_tiles + t, 0)),
            pl.BlockSpec((P, C), lambda b, t: (b * n_tiles + t, 0)),
            pl.BlockSpec((3 * C, Co), lambda b, t: (0, 0)),
        ],
        out_specs=[
            pl.BlockSpec((B, Co), lambda b, t: (0, 0)),
            pl.BlockSpec((8, Co), lambda b, t: (0, 0)),
        ],
        out_shape=[
            jax.ShapeDtypeStruct((B, Co), jnp.float32),
            jax.ShapeDtypeStruct((8, Co), jnp.float32),
        ],
        scratch_shapes=[
            pltpu.VMEM((8, Co), jnp.float32),
            pltpu.VMEM((B, Co), jnp.float32),
        ],
    )(x1, x2, x3, W6T)


def _hg_body(mx_ref, st_ref, g_ref, b_ref, w_ref, c7_ref, cnt):
    hg = _lrelu(_bn_apply(mx_ref[...], st_ref, g_ref, b_ref, cnt))
    c7_ref[...] = _bdot(hg, w_ref[...])


def _hg_c7(mx6, stats6, g6, b6, W7hT, cnt):
    B, C = mx6.shape
    Co = W7hT.shape[1]
    return pl.pallas_call(
        functools.partial(_hg_body, cnt=cnt),
        grid=(1,),
        in_specs=[
            pl.BlockSpec((B, C), lambda i: (0, 0)),
            pl.BlockSpec((8, C), lambda i: (0, 0)),
            pl.BlockSpec((1, C), lambda i: (0, 0)),
            pl.BlockSpec((1, C), lambda i: (0, 0)),
            pl.BlockSpec((C, Co), lambda i: (0, 0)),
        ],
        out_specs=pl.BlockSpec((B, Co), lambda i: (0, 0)),
        out_shape=jax.ShapeDtypeStruct((B, Co), jnp.float32),
    )(mx6, stats6, g6, b6, W7hT)


def _t2_body(x1_ref, x2_ref, x3_ref, c7_ref, w_ref, y_ref, st_ref, acc,
             tiles_per_b):
    i = pl.program_id(0)
    b = i // tiles_per_b

    @pl.when(i == 0)
    def _():
        acc[...] = jnp.zeros_like(acc)

    feat = jnp.concatenate([x1_ref[...], x2_ref[...], x3_ref[...]], axis=1)
    y = _bdot(feat, w_ref[...]) + c7_ref[pl.ds(b, 1), :]
    acc[0:1, :] = acc[0:1, :] + jnp.sum(y, axis=0, keepdims=True)
    acc[1:2, :] = acc[1:2, :] + jnp.sum(y * y, axis=0, keepdims=True)
    y_ref[...] = y

    @pl.when(i == pl.num_programs(0) - 1)
    def _():
        st_ref[...] = acc[...]


def _t2(x1, x2, x3, c7, W7xT, N):
    M, C = x1.shape
    B = M // N
    Co = W7xT.shape[1]
    P = 256
    tiles_per_b = N // P
    return pl.pallas_call(
        functools.partial(_t2_body, tiles_per_b=tiles_per_b),
        grid=(M // P,),
        in_specs=[
            pl.BlockSpec((P, C), lambda i: (i, 0)),
            pl.BlockSpec((P, C), lambda i: (i, 0)),
            pl.BlockSpec((P, C), lambda i: (i, 0)),
            pl.BlockSpec((B, Co), lambda i: (0, 0)),
            pl.BlockSpec((3 * C, Co), lambda i: (0, 0)),
        ],
        out_specs=[
            pl.BlockSpec((P, Co), lambda i: (i, 0)),
            pl.BlockSpec((8, Co), lambda i: (0, 0)),
        ],
        out_shape=[
            jax.ShapeDtypeStruct((M, Co), jnp.float32),
            jax.ShapeDtypeStruct((8, Co), jnp.float32),
        ],
        scratch_shapes=[pltpu.VMEM((8, Co), jnp.float32)],
    )(x1, x2, x3, c7, W7xT)


def _t3_body(y_ref, st_ref, g_ref, b_ref, w_ref, o_ref, st2_ref, acc, cnt):
    i = pl.program_id(0)

    @pl.when(i == 0)
    def _():
        acc[...] = jnp.zeros_like(acc)

    h = _lrelu(_bn_apply(y_ref[...], st_ref, g_ref, b_ref, cnt))
    y2 = _bdot(h, w_ref[...])
    acc[0:1, :] = acc[0:1, :] + jnp.sum(y2, axis=0, keepdims=True)
    acc[1:2, :] = acc[1:2, :] + jnp.sum(y2 * y2, axis=0, keepdims=True)
    o_ref[...] = y2

    @pl.when(i == pl.num_programs(0) - 1)
    def _():
        st2_ref[...] = acc[...]


def _t3(y7, stats7, g7, b7, W8T, cnt):
    M, C = y7.shape
    Co = W8T.shape[1]
    P = 256
    return pl.pallas_call(
        functools.partial(_t3_body, cnt=cnt),
        grid=(M // P,),
        in_specs=[
            pl.BlockSpec((P, C), lambda i: (i, 0)),
            pl.BlockSpec((8, C), lambda i: (0, 0)),
            pl.BlockSpec((1, C), lambda i: (0, 0)),
            pl.BlockSpec((1, C), lambda i: (0, 0)),
            pl.BlockSpec((C, Co), lambda i: (0, 0)),
        ],
        out_specs=[
            pl.BlockSpec((P, Co), lambda i: (i, 0)),
            pl.BlockSpec((8, Co), lambda i: (0, 0)),
        ],
        out_shape=[
            jax.ShapeDtypeStruct((M, Co), jnp.float32),
            jax.ShapeDtypeStruct((8, Co), jnp.float32),
        ],
        scratch_shapes=[pltpu.VMEM((8, Co), jnp.float32)],
    )(y7, stats7, g7, b7, W8T)


def _t4_body(y_ref, st_ref, g_ref, b_ref, w9_ref, bias_ref, o_ref, cnt):
    h = _lrelu(_bn_apply(y_ref[...], st_ref, g_ref, b_ref, cnt))
    ot = lax.dot_general(w9_ref[...].astype(jnp.bfloat16),
                         h.astype(jnp.bfloat16), (((1,), (1,)), ((), ())),
                         preferred_element_type=jnp.float32)
    o_ref[0] = ot + bias_ref[...]


def _t4(y8, stats8, g8, b8, W9, bias9col, B, N, cnt):
    M, C = y8.shape
    O = W9.shape[0]
    P = 256
    tiles_per_b = N // P
    return pl.pallas_call(
        functools.partial(_t4_body, cnt=cnt),
        grid=(B, tiles_per_b),
        in_specs=[
            pl.BlockSpec((P, C), lambda b, t: (b * tiles_per_b + t, 0)),
            pl.BlockSpec((8, C), lambda b, t: (0, 0)),
            pl.BlockSpec((1, C), lambda b, t: (0, 0)),
            pl.BlockSpec((1, C), lambda b, t: (0, 0)),
            pl.BlockSpec((O, C), lambda b, t: (0, 0)),
            pl.BlockSpec((O, 1), lambda b, t: (0, 0)),
        ],
        out_specs=pl.BlockSpec((1, O, P), lambda b, t: (b, 0, t)),
        out_shape=jax.ShapeDtypeStruct((B, O, N), jnp.float32),
    )(y8, stats8, g8, b8, W9, bias9col)



def _row2(v):
    return v.reshape(1, -1).astype(jnp.float32)


def _pad128(a):
    return jnp.pad(a, ((0, 0), (0, 128 - a.shape[1]))) if a.shape[1] < 128 else a


def kernel(x, W1, g1, b1, W2, g2, b2, W3, g3, b3, W4, g4, b4, W5, g5, b5,
           W6, g6, b6, W7, g7, b7, W8, g8, b8, W9, bias9):
    B, N, _ = x.shape
    M = B * N
    cnt2 = float(M * K)
    cnt1 = float(M)
    xf = x.reshape(M, 6)

    idx1 = _knn(x)
    G1 = _gather3(_pad128(xf), idx1)
    mv1, mv2 = _xla_block_stats(jnp.transpose(x, (0, 2, 1)), idx1,
                                W1, g1, b1, W2)
    Mx1 = _block_main(G1, xf, W1.T, mv1, _row2(g1), _row2(b1), W2.T)
    x1 = _act(Mx1, mv2, _row2(g2), _row2(b2))

    x1_bcn = jnp.transpose(x1.reshape(B, N, 64), (0, 2, 1))
    idx2 = _knn(x1.reshape(B, N, 64))
    G2 = _gather3(_pad128(x1), idx2)
    mv3, mv4 = _xla_block_stats(x1_bcn, idx2, W3, g3, b3, W4)
    Mx2 = _block_main(G2, x1, W3.T, mv3, _row2(g3), _row2(b3), W4.T)
    x2 = _act(Mx2, mv4, _row2(g4), _row2(b4))

    idx3 = _knn(x2.reshape(B, N, 64))
    G3 = _gather3(_pad128(x2), idx3)
    Mx3, st5 = _block3(G3, x2, W5.T)
    x3 = _act_cnt(Mx3, st5, _row2(g5), _row2(b5), cnt2)

    mx6, stats6 = _t1(x1, x2, x3, W6.T, B, N)
    W7T = W7.T
    c7 = _hg_c7(mx6, stats6, _row2(g6), _row2(b6), W7T[:1024], cnt1)
    y7, stats7 = _t2(x1, x2, x3, c7, W7T[1024:], N)
    y8, stats8 = _t3(y7, stats7, _row2(g7), _row2(b7), W8.T, cnt1)
    out = _t4(y8, stats8, _row2(g8), _row2(b8), W9,
              bias9.reshape(-1, 1).astype(jnp.float32), B, N, cnt1)
    return out

# --- scband reference (transcript-rebuilt; emitter-appended) ---
"""Pipeline reference for scband-dgcnnseg-3899830304781 (READ-ONLY COPY).

The authoritative reference and input builder live on the scoring server;
editing this copy changes nothing except your own understanding.
"""

import jax, jax.numpy as jnp
import numpy as np

K = 20

def knn(x, k):
    inner = -2.0 * jnp.einsum('bcn,bcm->bnm', x, x)
    xx = jnp.sum(x * x, axis=1, keepdims=True)
    pd = -xx - inner - jnp.transpose(xx, (0, 2, 1))
    return jax.lax.top_k(pd, k)[1]

def get_graph_feature(x, k):
    B, C, N = x.shape
    idx = knn(x, k)
    xt = jnp.transpose(x, (0, 2, 1))
    nb = xt[jnp.arange(B)[:, None, None], idx]
    xc = jnp.broadcast_to(xt[:, :, None, :], (B, N, k, C))
    feat = jnp.concatenate([nb - xc, xc], axis=3)
    return jnp.transpose(feat, (0, 3, 1, 2))

def conv_bn2(x, W, g, b):
    y = jnp.einsum('oc,bcnk->bonk', W, x)
    m = jnp.mean(y, axis=(0, 2, 3), keepdims=True)
    v = jnp.var(y, axis=(0, 2, 3), keepdims=True)
    y = (y - m) / jnp.sqrt(v + 1e-5) * g[None, :, None, None] + b[None, :, None, None]
    return jnp.where(y > 0, y, 0.2 * y)

def conv_bn1(x, W, g, b):
    y = jnp.einsum('oc,bcn->bon', W, x)
    m = jnp.mean(y, axis=(0, 2), keepdims=True)
    v = jnp.var(y, axis=(0, 2), keepdims=True)
    y = (y - m) / jnp.sqrt(v + 1e-5) * g[None, :, None] + b[None, :, None]
    return jnp.where(y > 0, y, 0.2 * y)

def setup_inputs(seed: int = 0):
    key = jax.random.key(seed)
    ks = jax.random.split(key, 12)
    def w(k_, o, c):
        return jax.random.normal(k_, (o, c), dtype=jnp.float32) * (1.0 / np.sqrt(c))
    d = {}
    d['x'] = jax.random.normal(ks[0], (8, 2048, 6), dtype=jnp.float32)
    d['W1'] = w(ks[1], 64, 12);   d['g1'] = jnp.ones(64);  d['b1'] = jnp.zeros(64)
    d['W2'] = w(ks[2], 64, 64);   d['g2'] = jnp.ones(64);  d['b2'] = jnp.zeros(64)
    d['W3'] = w(ks[3], 64, 128);  d['g3'] = jnp.ones(64);  d['b3'] = jnp.zeros(64)
    d['W4'] = w(ks[4], 64, 64);   d['g4'] = jnp.ones(64);  d['b4'] = jnp.zeros(64)
    d['W5'] = w(ks[5], 64, 128);  d['g5'] = jnp.ones(64);  d['b5'] = jnp.zeros(64)
    d['W6'] = w(ks[6], 1024, 192); d['g6'] = jnp.ones(1024); d['b6'] = jnp.zeros(1024)
    d['W7'] = w(ks[7], 512, 1216); d['g7'] = jnp.ones(512);  d['b7'] = jnp.zeros(512)
    d['W8'] = w(ks[8], 256, 512);  d['g8'] = jnp.ones(256);  d['b8'] = jnp.zeros(256)
    d['W9'] = w(ks[9], 50, 256);   d['bias9'] = jnp.zeros(50)
    return d

def reference(x, W1, g1, b1, W2, g2, b2, W3, g3, b3, W4, g4, b4, W5, g5, b5, W6, g6, b6, W7, g7, b7, W8, g8, b8, W9, bias9):
    n_pts = x.shape[1]
    xt = jnp.transpose(x, (0, 2, 1))
    h = get_graph_feature(xt, K)
    h = conv_bn2(h, W1, g1, b1)
    h = conv_bn2(h, W2, g2, b2)
    x1 = jnp.max(h, axis=-1)
    h = get_graph_feature(x1, K)
    h = conv_bn2(h, W3, g3, b3)
    h = conv_bn2(h, W4, g4, b4)
    x2 = jnp.max(h, axis=-1)
    h = get_graph_feature(x2, K)
    h = conv_bn2(h, W5, g5, b5)
    x3 = jnp.max(h, axis=-1)
    h = jnp.concatenate([x1, x2, x3], axis=1)
    h = conv_bn1(h, W6, g6, b6)
    hg = jnp.max(h, axis=-1, keepdims=True)
    hg = jnp.broadcast_to(hg, (hg.shape[0], hg.shape[1], n_pts))
    h = jnp.concatenate([hg, x1, x2, x3], axis=1)
    h = conv_bn1(h, W7, g7, b7)
    h = conv_bn1(h, W8, g8, b8)
    out = jnp.einsum('oc,bcn->bon', W9, h) + bias9[None, :, None]
    return out

if __name__ == "__main__":
    import jax
    _d = setup_inputs()
    print(jax.jit(kernel)(*tuple(_d.values())))

</pallas_src>

<mosaic_0001>
#map = affine_map<(d0, d1) -> (0, 0)>
module attributes {stable_mosaic.version = 14 : i64} {
  func.func @k(%arg0: i32, %arg1: i32, %arg2: memref<16384x128xf32, #tpu.memory_space<hbm>>, %arg3: memref<2560x128xi32, #tpu.memory_space<hbm>>, %arg4: memref<327680x128xf32, #tpu.memory_space<hbm>>, %arg5: memref<80x128xi32, #tpu.memory_space<vmem>>, %arg6: memref<128x128xf32, #tpu.memory_space<vmem>>, %arg7: memref<128x128xf32, #tpu.memory_space<vmem>>, %arg8: memref<128x128xf32, #tpu.memory_space<vmem>>, %arg9: memref<128x128xf32, #tpu.memory_space<vmem>>, %arg10: memref<!tpu.dma_semaphore, #tpu.memory_space<semaphore_mem>>, %arg11: memref<!tpu.dma_semaphore, #tpu.memory_space<semaphore_mem>>) attributes {dimension_semantics = [#tpu.dimension_semantics<core_parallel>, #tpu.dimension_semantics<subcore_parallel>], iteration_bounds = array<i64: 2, 16>, scalar_prefetch = 0 : i64, scratch_operands = 7 : i64, tpu.core_type = #tpu.core_type<sc_vector_subcore>, window_params = [{transform_indices = #map}, {transform_indices = #map}, {transform_indices = #map}]} {
    %mul3A = arith.constant 2 : i32
    %mul3A_0 = arith.muli %arg1, %mul3A : i32
    %add3A = arith.addi %mul3A_0, %arg0 : i32
    %mul3A_1 = arith.constant 80 : i32
    %mul3A_2 = arith.muli %add3A, %mul3A_1 : i32
    "tpu.region"() ({
      %run_scoped3A = tpu.sem_alloc : memref<!tpu.dma_semaphore, #tpu.memory_space<semaphore_mem>>
      %dma_start3A = arith.constant 0 : i32
      %dma_start3A_9 = tpu.memref_slice %arg3[%mul3A_2, %dma_start3A] : memref<2560x128xi32, #tpu.memory_space<hbm>> -> memref<80x128xi32, #tpu.memory_space<hbm>>
      %dma_start3A_10 = arith.constant 0 : i32
      %dma_start3A_11 = tpu.memref_slice %arg3[%mul3A_2, %dma_start3A_10] : memref<2560x128xi32, #tpu.memory_space<hbm>> -> memref<80x128xi32, #tpu.memory_space<hbm>>
      tpu.enqueue_dma source(%dma_start3A_11 : memref<80x128xi32, #tpu.memory_space<hbm>>) target(%arg5 : memref<80x128xi32, #tpu.memory_space<vmem>>) target_semaphore(%run_scoped3A : memref<!tpu.dma_semaphore, #tpu.memory_space<semaphore_mem>>)
      %dma_wait3A = arith.constant 0 : i32
      %dma_wait3A_12 = tpu.memref_slice %arg3[%mul3A_2, %dma_wait3A] : memref<2560x128xi32, #tpu.memory_space<hbm>> -> memref<80x128xi32, #tpu.memory_space<hbm>>
      %dma_wait3A_13 = arith.constant 0 : i32
      %dma_wait3A_14 = tpu.memref_slice %arg3[%mul3A_2, %dma_wait3A_13] : memref<2560x128xi32, #tpu.memory_space<hbm>> -> memref<80x128xi32, #tpu.memory_space<hbm>>
      tpu.wait_dma2 semaphore(%run_scoped3A : memref<!tpu.dma_semaphore, #tpu.memory_space<semaphore_mem>>) src(%dma_wait3A_14 : memref<80x128xi32, #tpu.memory_space<hbm>>) dst(%arg5 : memref<80x128xi32, #tpu.memory_space<vmem>>)
      tpu.yield
    }) : () -> ()
    %scan3A = arith.constant 0 : i32
    %scan3A_3 = arith.constant 0 : i32
    %scan3A_4 = arith.constant 20 : i32
    %scan3A_5 = arith.addi %scan3A_3, %scan3A_4 : i32
    %scan3A_6 = arith.constant 1 : i32
    %scan3A_7 = scf.for %scan3A_9 = %scan3A_3 to %scan3A_5 step %scan3A_6 iter_args(%scan3A_10 = %scan3A) -> (i32)  : i32 {
      %mul3A_11 = arith.constant 4 : i32
      %mul3A_12 = arith.muli %scan3A_9, %mul3A_11 : i32
      %add3A_13 = arith.constant 0 : i32
      %add3A_14 = arith.addi %mul3A_12, %add3A_13 : i32
      %dma_start3A = arith.constant 0 : i32
      %dma_start3A_15 = tpu.memref_slice %arg5[%add3A_14, %dma_start3A] : memref<80x128xi32, #tpu.memory_space<vmem>> -> memref<1x128xi32, #tpu.memory_space<vmem>>
      %dma_start3A_16 = tpu.memref_squeeze %dma_start3A_15 : memref<1x128xi32, #tpu.memory_space<vmem>> -> memref<128xi32, #tpu.memory_space<vmem>>
      %dma_start3A_17 = arith.constant 0 : i32
      %dma_start3A_18 = arith.constant 0 : i32
      %dma_start3A_19 = tpu.memref_slice %arg2[%dma_start3A_17, %dma_start3A_18] : memref<16384x128xf32, #tpu.memory_space<hbm>> -> memref<16384x128xf32, #tpu.memory_space<hbm>>
      tpu.enqueue_indirect_dma source(%dma_start3A_19 : memref<16384x128xf32, #tpu.memory_space<hbm>>) target(%arg6 : memref<128x128xf32, #tpu.memory_space<vmem>>) offsets(%dma_start3A_16 : memref<128xi32, #tpu.memory_space<vmem>>) semaphore(%arg10 : memref<!tpu.dma_semaphore, #tpu.memory_space<semaphore_mem>>)
      %mul3A_20 = arith.constant 4 : i32
      %mul3A_21 = arith.muli %scan3A_9, %mul3A_20 : i32
      %add3A_22 = arith.constant 1 : i32
      %add3A_23 = arith.addi %mul3A_21, %add3A_22 : i32
      %dma_start3A_24 = arith.constant 0 : i32
      %dma_start3A_25 = tpu.memref_slice %arg5[%add3A_23, %dma_start3A_24] : memref<80x128xi32, #tpu.memory_space<vmem>> -> memref<1x128xi32, #tpu.memory_space<vmem>>
      %dma_start3A_26 = tpu.memref_squeeze %dma_start3A_25 : memref<1x128xi32, #tpu.memory_space<vmem>> -> memref<128xi32, #tpu.memory_space<vmem>>
      %dma_start3A_27 = arith.constant 0 : i32
      %dma_start3A_28 = arith.constant 0 : i32
      %dma_start3A_29 = tpu.memref_slice %arg2[%dma_start3A_27, %dma_start3A_28] : memref<16384x128xf32, #tpu.memory_space<hbm>> -> memref<16384x128xf32, #tpu.memory_space<hbm>>
      tpu.enqueue_indirect_dma source(%dma_start3A_29 : memref<16384x128xf32, #tpu.memory_space<hbm>>) target(%arg7 : memref<128x128xf32, #tpu.memory_space<vmem>>) offsets(%dma_start3A_26 : memref<128xi32, #tpu.memory_space<vmem>>) semaphore(%arg10 : memref<!tpu.dma_semaphore, #tpu.memory_space<semaphore_mem>>)
      %mul3A_30 = arith.constant 4 : i32
      %mul3A_31 = arith.muli %scan3A_9, %mul3A_30 : i32
      %add3A_32 = arith.constant 2 : i32
      %add3A_33 = arith.addi %mul3A_31, %add3A_32 : i32
      %dma_start3A_34 = arith.constant 0 : i32
      %dma_start3A_35 = tpu.memref_slice %arg5[%add3A_33, %dma_start3A_34] : memref<80x128xi32, #tpu.memory_space<vmem>> -> memref<1x128xi32, #tpu.memory_space<vmem>>
      %dma_start3A_36 = tpu.memref_squeeze %dma_start3A_35 : memref<1x128xi32, #tpu.memory_space<vmem>> -> memref<128xi32, #tpu.memory_space<vmem>>
      %dma_start3A_37 = arith.constant 0 : i32
      %dma_start3A_38 = arith.constant 0 : i32
      %dma_start3A_39 = tpu.memref_slice %arg2[%dma_start3A_37, %dma_start3A_38] : memref<16384x128xf32, #tpu.memory_space<hbm>> -> memref<16384x128xf32, #tpu.memory_space<hbm>>
      tpu.enqueue_indirect_dma source(%dma_start3A_39 : memref<16384x128xf32, #tpu.memory_space<hbm>>) target(%arg8 : memref<128x128xf32, #tpu.memory_space<vmem>>) offsets(%dma_start3A_36 : memref<128xi32, #tpu.memory_space<vmem>>) semaphore(%arg10 : memref<!tpu.dma_semaphore, #tpu.memory_space<semaphore_mem>>)
      %mul3A_40 = arith.constant 4 : i32
      %mul3A_41 = arith.muli %scan3A_9, %mul3A_40 : i32
      %add3A_42 = arith.constant 3 : i32
      %add3A_43 = arith.addi %mul3A_41, %add3A_42 : i32
      %dma_start3A_44 = arith.constant 0 : i32
      %dma_start3A_45 = tpu.memref_slice %arg5[%add3A_43, %dma_start3A_44] : memref<80x128xi32, #tpu.memory_space<vmem>> -> memref<1x128xi32, #tpu.memory_space<vmem>>
      %dma_start3A_46 = tpu.memref_squeeze %dma_start3A_45 : memref<1x128xi32, #tpu.memory_space<vmem>> -> memref<128xi32, #tpu.memory_space<vmem>>
      %dma_start3A_47 = arith.constant 0 : i32
      %dma_start3A_48 = arith.constant 0 : i32
      %dma_start3A_49 = tpu.memref_slice %arg2[%dma_start3A_47, %dma_start3A_48] : memref<16384x128xf32, #tpu.memory_space<hbm>> -> memref<16384x128xf32, #tpu.memory_space<hbm>>
      tpu.enqueue_indirect_dma source(%dma_start3A_49 : memref<16384x128xf32, #tpu.memory_space<hbm>>) target(%arg9 : memref<128x128xf32, #tpu.memory_space<vmem>>) offsets(%dma_start3A_46 : memref<128xi32, #tpu.memory_space<vmem>>) semaphore(%arg10 : memref<!tpu.dma_semaphore, #tpu.memory_space<semaphore_mem>>)
      %mul3A_50 = arith.constant 4 : i32
      %mul3A_51 = arith.muli %scan3A_9, %mul3A_50 : i32
      %add3A_52 = arith.constant 0 : i32
      %add3A_53 = arith.addi %mul3A_51, %add3A_52 : i32
      %dma_wait3A = arith.constant 0 : i32
      %dma_wait3A_54 = tpu.memref_slice %arg5[%add3A_14, %dma_wait3A] : memref<80x128xi32, #tpu.memory_space<vmem>> -> memref<1x128xi32, #tpu.memory_space<vmem>>
      %dma_wait3A_55 = tpu.memref_squeeze %dma_wait3A_54 : memref<1x128xi32, #tpu.memory_space<vmem>> -> memref<128xi32, #tpu.memory_space<vmem>>
      %dma_wait3A_56 = arith.constant 0 : i32
      %dma_wait3A_57 = arith.constant 0 : i32
      %dma_wait3A_58 = tpu.memref_slice %arg2[%dma_wait3A_56, %dma_wait3A_57] : memref<16384x128xf32, #tpu.memory_space<hbm>> -> memref<16384x128xf32, #tpu.memory_space<hbm>>
      tpu.wait_indirect_dma semaphore(%arg10 : memref<!tpu.dma_semaphore, #tpu.memory_space<semaphore_mem>>) src(%dma_wait3A_58 : memref<16384x128xf32, #tpu.memory_space<hbm>>) dst(%arg6 : memref<128x128xf32, #tpu.memory_space<vmem>>)
      %add3A_59 = arith.addi %mul3A_2, %add3A_53 : i32
      %mul3A_60 = arith.constant 128 : i32
      %mul3A_61 = arith.muli %add3A_59, %mul3A_60 : i32
      %dma_start3A_62 = arith.constant 0 : i32
      %dma_start3A_63 = tpu.memref_slice %arg4[%mul3A_61, %dma_start3A_62] : memref<327680x128xf32, #tpu.memory_space<hbm>> -> memref<128x128xf32, #tpu.memory_space<hbm>>
      %dma_start3A_64 = arith.constant 0 : i32
      %dma_start3A_65 = tpu.memref_slice %arg4[%mul3A_61, %dma_start3A_64] : memref<327680x128xf32, #tpu.memory_space<hbm>> -> memref<128x128xf32, #tpu.memory_space<hbm>>
      tpu.enqueue_dma source(%arg6 : memref<128x128xf32, #tpu.memory_space<vmem>>) target(%dma_start3A_65 : memref<128x128xf32, #tpu.memory_space<hbm>>) target_semaphore(%arg11 : memref<!tpu.dma_semaphore, #tpu.memory_space<semaphore_mem>>)
      %mul3A_66 = arith.constant 4 : i32
      %mul3A_67 = arith.muli %scan3A_9, %mul3A_66 : i32
      %add3A_68 = arith.constant 1 : i32
      %add3A_69 = arith.addi %mul3A_67, %add3A_68 : i32
      %dma_wait3A_70 = arith.constant 0 : i32
      %dma_wait3A_71 = tpu.memref_slice %arg5[%add3A_23, %dma_wait3A_70] : memref<80x128xi32, #tpu.memory_space<vmem>> -> memref<1x128xi32, #tpu.memory_space<vmem>>
      %dma_wait3A_72 = tpu.memref_squeeze %dma_wait3A_71 : memref<1x128xi32, #tpu.memory_space<vmem>> -> memref<128xi32, #tpu.memory_space<vmem>>
      %dma_wait3A_73 = arith.constant 0 : i32
      %dma_wait3A_74 = arith.constant 0 : i32
      %dma_wait3A_75 = tpu.memref_slice %arg2[%dma_wait3A_73, %dma_wait3A_74] : memref<16384x128xf32, #tpu.memory_space<hbm>> -> memref<16384x128xf32, #tpu.memory_space<hbm>>
      tpu.wait_indirect_dma semaphore(%arg10 : memref<!tpu.dma_semaphore, #tpu.memory_space<semaphore_mem>>) src(%dma_wait3A_75 : memref<16384x128xf32, #tpu.memory_space<hbm>>) dst(%arg7 : memref<128x128xf32, #tpu.memory_space<vmem>>)
      %add3A_76 = arith.addi %mul3A_2, %add3A_69 : i32
      %mul3A_77 = arith.constant 128 : i32
      %mul3A_78 = arith.muli %add3A_76, %mul3A_77 : i32
      %dma_start3A_79 = arith.constant 0 : i32
      %dma_start3A_80 = tpu.memref_slice %arg4[%mul3A_78, %dma_start3A_79] : memref<327680x128xf32, #tpu.memory_space<hbm>> -> memref<128x128xf32, #tpu.memory_space<hbm>>
      %dma_start3A_81 = arith.constant 0 : i32
      %dma_start3A_82 = tpu.memref_slice %arg4[%mul3A_78, %dma_start3A_81] : memref<327680x128xf32, #tpu.memory_space<hbm>> -> memref<128x128xf32, #tpu.memory_space<hbm>>
      tpu.enqueue_dma source(%arg7 : memref<128x128xf32, #tpu.memory_space<vmem>>) target(%dma_start3A_82 : memref<128x128xf32, #tpu.memory_space<hbm>>) target_semaphore(%arg11 : memref<!tpu.dma_semaphore, #tpu.memory_space<semaphore_mem>>)
      %mul3A_83 = arith.constant 4 : i32
      %mul3A_84 = arith.muli %scan3A_9, %mul3A_83 : i32
      %add3A_85 = arith.constant 2 : i32
      %add3A_86 = arith.addi %mul3A_84, %add3A_85 : i32
      %dma_wait3A_87 = arith.constant 0 : i32
      %dma_wait3A_88 = tpu.memref_slice %arg5[%add3A_33, %dma_wait3A_87] : memref<80x128xi32, #tpu.memory_space<vmem>> -> memref<1x128xi32, #tpu.memory_space<vmem>>
      %dma_wait3A_89 = tpu.memref_squeeze %dma_wait3A_88 : memref<1x128xi32, #tpu.memory_space<vmem>> -> memref<128xi32, #tpu.memory_space<vmem>>
      %dma_wait3A_90 = arith.constant 0 : i32
      %dma_wait3A_91 = arith.constant 0 : i32
      %dma_wait3A_92 = tpu.memref_slice %arg2[%dma_wait3A_90, %dma_wait3A_91] : memref<16384x128xf32, #tpu.memory_space<hbm>> -> memref<16384x128xf32, #tpu.memory_space<hbm>>
      tpu.wait_indirect_dma semaphore(%arg10 : memref<!tpu.dma_semaphore, #tpu.memory_space<semaphore_mem>>) src(%dma_wait3A_92 : memref<16384x128xf32, #tpu.memory_space<hbm>>) dst(%arg8 : memref<128x128xf32, #tpu.memory_space<vmem>>)
      %add3A_93 = arith.addi %mul3A_2, %add3A_86 : i32
      %mul3A_94 = arith.constant 128 : i32
      %mul3A_95 = arith.muli %add3A_93, %mul3A_94 : i32
      %dma_start3A_96 = arith.constant 0 : i32
      %dma_start3A_97 = tpu.memref_slice %arg4[%mul3A_95, %dma_start3A_96] : memref<327680x128xf32, #tpu.memory_space<hbm>> -> memref<128x128xf32, #tpu.memory_space<hbm>>
      %dma_start3A_98 = arith.constant 0 : i32
      %dma_start3A_99 = tpu.memref_slice %arg4[%mul3A_95, %dma_start3A_98] : memref<327680x128xf32, #tpu.memory_space<hbm>> -> memref<128x128xf32, #tpu.memory_space<hbm>>
      tpu.enqueue_dma source(%arg8 : memref<128x128xf32, #tpu.memory_space<vmem>>) target(%dma_start3A_99 : memref<128x128xf32, #tpu.memory_space<hbm>>) target_semaphore(%arg11 : memref<!tpu.dma_semaphore, #tpu.memory_space<semaphore_mem>>)
      %mul3A_100 = arith.constant 4 : i32
      %mul3A_101 = arith.muli %scan3A_9, %mul3A_100 : i32
      %add3A_102 = arith.constant 3 : i32
      %add3A_103 = arith.addi %mul3A_101, %add3A_102 : i32
      %dma_wait3A_104 = arith.constant 0 : i32
      %dma_wait3A_105 = tpu.memref_slice %arg5[%add3A_43, %dma_wait3A_104] : memref<80x128xi32, #tpu.memory_space<vmem>> -> memref<1x128xi32, #tpu.memory_space<vmem>>
      %dma_wait3A_106 = tpu.memref_squeeze %dma_wait3A_105 : memref<1x128xi32, #tpu.memory_space<vmem>> -> memref<128xi32, #tpu.memory_space<vmem>>
      %dma_wait3A_107 = arith.constant 0 : i32
      %dma_wait3A_108 = arith.constant 0 : i32
      %dma_wait3A_109 = tpu.memref_slice %arg2[%dma_wait3A_107, %dma_wait3A_108] : memref<16384x128xf32, #tpu.memory_space<hbm>> -> memref<16384x128xf32, #tpu.memory_space<hbm>>
      tpu.wait_indirect_dma semaphore(%arg10 : memref<!tpu.dma_semaphore, #tpu.memory_space<semaphore_mem>>) src(%dma_wait3A_109 : memref<16384x128xf32, #tpu.memory_space<hbm>>) dst(%arg9 : memref<128x128xf32, #tpu.memory_space<vmem>>)
      %add3A_110 = arith.addi %mul3A_2, %add3A_103 : i32
      %mul3A_111 = arith.constant 128 : i32
      %mul3A_112 = arith.muli %add3A_110, %mul3A_111 : i32
      %dma_start3A_113 = arith.constant 0 : i32
      %dma_start3A_114 = tpu.memref_slice %arg4[%mul3A_112, %dma_start3A_113] : memref<327680x128xf32, #tpu.memory_space<hbm>> -> memref<128x128xf32, #tpu.memory_space<hbm>>
      %dma_start3A_115 = arith.constant 0 : i32
      %dma_start3A_116 = tpu.memref_slice %arg4[%mul3A_112, %dma_start3A_115] : memref<327680x128xf32, #tpu.memory_space<hbm>> -> memref<128x128xf32, #tpu.memory_space<hbm>>
      tpu.enqueue_dma source(%arg9 : memref<128x128xf32, #tpu.memory_space<vmem>>) target(%dma_start3A_116 : memref<128x128xf32, #tpu.memory_space<hbm>>) target_semaphore(%arg11 : memref<!tpu.dma_semaphore, #tpu.memory_space<semaphore_mem>>)
      %dma_wait3A_117 = arith.constant 0 : i32
      %dma_wait3A_118 = tpu.memref_slice %arg4[%mul3A_61, %dma_wait3A_117] : memref<327680x128xf32, #tpu.memory_space<hbm>> -> memref<128x128xf32, #tpu.memory_space<hbm>>
      %dma_wait3A_119 = arith.constant 0 : i32
      %dma_wait3A_120 = tpu.memref_slice %arg4[%mul3A_61, %dma_wait3A_119] : memref<327680x128xf32, #tpu.memory_space<hbm>> -> memref<128x128xf32, #tpu.memory_space<hbm>>
      tpu.wait_dma2 semaphore(%arg11 : memref<!tpu.dma_semaphore, #tpu.memory_space<semaphore_mem>>) src(%arg6 : memref<128x128xf32, #tpu.memory_space<vmem>>) dst(%dma_wait3A_120 : memref<128x128xf32, #tpu.memory_space<hbm>>)
      %dma_wait3A_121 = arith.constant 0 : i32
      %dma_wait3A_122 = tpu.memref_slice %arg4[%mul3A_78, %dma_wait3A_121] : memref<327680x128xf32, #tpu.memory_space<hbm>> -> memref<128x128xf32, #tpu.memory_space<hbm>>
      %dma_wait3A_123 = arith.constant 0 : i32
      %dma_wait3A_124 = tpu.memref_slice %arg4[%mul3A_78, %dma_wait3A_123] : memref<327680x128xf32, #tpu.memory_space<hbm>> -> memref<128x128xf32, #tpu.memory_space<hbm>>
      tpu.wait_dma2 semaphore(%arg11 : memref<!tpu.dma_semaphore, #tpu.memory_space<semaphore_mem>>) src(%arg7 : memref<128x128xf32, #tpu.memory_space<vmem>>) dst(%dma_wait3A_124 : memref<128x128xf32, #tpu.memory_space<hbm>>)
      %dma_wait3A_125 = arith.constant 0 : i32
      %dma_wait3A_126 = tpu.memref_slice %arg4[%mul3A_95, %dma_wait3A_125] : memref<327680x128xf32, #tpu.memory_space<hbm>> -> memref<128x128xf32, #tpu.memory_space<hbm>>
      %dma_wait3A_127 = arith.constant 0 : i32
      %dma_wait3A_128 = tpu.memref_slice %arg4[%mul3A_95, %dma_wait3A_127] : memref<327680x128xf32, #tpu.memory_space<hbm>> -> memref<128x128xf32, #tpu.memory_space<hbm>>
      tpu.wait_dma2 semaphore(%arg11 : memref<!tpu.dma_semaphore, #tpu.memory_space<semaphore_mem>>) src(%arg8 : memref<128x128xf32, #tpu.memory_space<vmem>>) dst(%dma_wait3A_128 : memref<128x128xf32, #tpu.memory_space<hbm>>)
      %dma_wait3A_129 = arith.constant 0 : i32
      %dma_wait3A_130 = tpu.memref_slice %arg4[%mul3A_112, %dma_wait3A_129] : memref<327680x128xf32, #tpu.memory_space<hbm>> -> memref<128x128xf32, #tpu.memory_space<hbm>>
      %dma_wait3A_131 = arith.constant 0 : i32
      %dma_wait3A_132 = tpu.memref_slice %arg4[%mul3A_112, %dma_wait3A_131] : memref<327680x128xf32, #tpu.memory_space<hbm>> -> memref<128x128xf32, #tpu.memory_space<hbm>>
      tpu.wait_dma2 semaphore(%arg11 : memref<!tpu.dma_semaphore, #tpu.memory_space<semaphore_mem>>) src(%arg9 : memref<128x128xf32, #tpu.memory_space<vmem>>) dst(%dma_wait3A_132 : memref<128x128xf32, #tpu.memory_space<hbm>>)
      %scan3A_133 = arith.constant 0 : i32
      scf.yield %scan3A_133 : i32
    }
    %scan3A_8 = arith.constant 20 : i32
    return
  }
}

#map = affine_map<(d0, d1) -> (0, 0)>
module attributes {stable_mosaic.version = 14 : i64} {
  func.func @k(%arg0: i32, %arg1: i32, %arg2: memref<16384x128xf32, #tpu.memory_space<hbm>>, %arg3: memref<2560x128xi32, #tpu.memory_space<hbm>>, %arg4: memref<327680x128xf32, #tpu.memory_space<hbm>>, %arg5: memref<80x128xi32, #tpu.memory_space<vmem>>, %arg6: memref<128x128xf32, #tpu.memory_space<vmem>>, %arg7: memref<128x128xf32, #tpu.memory_space<vmem>>, %arg8: memref<128x128xf32, #tpu.memory_space<vmem>>, %arg9: memref<128x128xf32, #tpu.memory_space<vmem>>, %arg10: memref<!tpu.dma_semaphore, #tpu.memory_space<semaphore_mem>>, %arg11: memref<!tpu.dma_semaphore, #tpu.memory_space<semaphore_mem>>) attributes {dimension_semantics = [#tpu.dimension_semantics<core_parallel>, #tpu.dimension_semantics<subcore_parallel>], iteration_bounds = array<i64: 2, 16>, scalar_prefetch = 0 : i64, scratch_operands = 7 : i64, tpu.core_type = #tpu.core_type<sc_vector_subcore>, window_params = [{transform_indices = #map}, {transform_indices = #map}, {transform_indices = #map}]} {
    %mul3A = arith.constant 2 : i32
    %mul3A_0 = arith.muli %arg1, %mul3A : i32
    %add3A = arith.addi %mul3A_0, %arg0 : i32
    %mul3A_1 = arith.constant 80 : i32
    %mul3A_2 = arith.muli %add3A, %mul3A_1 : i32
    "tpu.region"() ({
      %run_scoped3A = tpu.sem_alloc : memref<!tpu.dma_semaphore, #tpu.memory_space<semaphore_mem>>
      %dma_start3A = arith.constant 0 : i32
      %dma_start3A_9 = tpu.memref_slice %arg3[%mul3A_2, %dma_start3A] : memref<2560x128xi32, #tpu.memory_space<hbm>> -> memref<80x128xi32, #tpu.memory_space<hbm>>
      %dma_start3A_10 = arith.constant 0 : i32
      %dma_start3A_11 = tpu.memref_slice %arg3[%mul3A_2, %dma_start3A_10] : memref<2560x128xi32, #tpu.memory_space<hbm>> -> memref<80x128xi32, #tpu.memory_space<hbm>>
      tpu.enqueue_dma source(%dma_start3A_11 : memref<80x128xi32, #tpu.memory_space<hbm>>) target(%arg5 : memref<80x128xi32, #tpu.memory_space<vmem>>) target_semaphore(%run_scoped3A : memref<!tpu.dma_semaphore, #tpu.memory_space<semaphore_mem>>)
      %dma_wait3A = arith.constant 0 : i32
      %dma_wait3A_12 = tpu.memref_slice %arg3[%mul3A_2, %dma_wait3A] : memref<2560x128xi32, #tpu.memory_space<hbm>> -> memref<80x128xi32, #tpu.memory_space<hbm>>
      %dma_wait3A_13 = arith.constant 0 : i32
      %dma_wait3A_14 = tpu.memref_slice %arg3[%mul3A_2, %dma_wait3A_13] : memref<2560x128xi32, #tpu.memory_space<hbm>> -> memref<80x128xi32, #tpu.memory_space<hbm>>
      tpu.wait_dma2 semaphore(%run_scoped3A : memref<!tpu.dma_semaphore, #tpu.memory_space<semaphore_mem>>) src(%dma_wait3A_14 : memref<80x128xi32, #tpu.memory_space<hbm>>) dst(%arg5 : memref<80x128xi32, #tpu.memory_space<vmem>>)
      tpu.yield
    }) : () -> ()
    %scan3A = arith.constant 0 : i32
    %scan3A_3 = arith.constant 0 : i32
    %scan3A_4 = arith.constant 20 : i32
    %scan3A_5 = arith.addi %scan3A_3, %scan3A_4 : i32
    %scan3A_6 = arith.constant 1 : i32
    %scan3A_7 = scf.for %scan3A_9 = %scan3A_3 to %scan3A_5 step %scan3A_6 iter_args(%scan3A_10 = %scan3A) -> (i32)  : i32 {
      %mul3A_11 = arith.constant 4 : i32
      %mul3A_12 = arith.muli %scan3A_9, %mul3A_11 : i32
      %add3A_13 = arith.constant 0 : i32
      %add3A_14 = arith.addi %mul3A_12, %add3A_13 : i32
      %dma_start3A = arith.constant 0 : i32
      %dma_start3A_15 = tpu.memref_slice %arg5[%add3A_14, %dma_start3A] : memref<80x128xi32, #tpu.memory_space<vmem>> -> memref<1x128xi32, #tpu.memory_space<vmem>>
      %dma_start3A_16 = tpu.memref_squeeze %dma_start3A_15 : memref<1x128xi32, #tpu.memory_space<vmem>> -> memref<128xi32, #tpu.memory_space<vmem>>
      %dma_start3A_17 = arith.constant 0 : i32
      %dma_start3A_18 = arith.constant 0 : i32
      %dma_start3A_19 = tpu.memref_slice %arg2[%dma_start3A_17, %dma_start3A_18] : memref<16384x128xf32, #tpu.memory_space<hbm>> -> memref<16384x128xf32, #tpu.memory_space<hbm>>
      tpu.enqueue_indirect_dma source(%dma_start3A_19 : memref<16384x128xf32, #tpu.memory_space<hbm>>) target(%arg6 : memref<128x128xf32, #tpu.memory_space<vmem>>) offsets(%dma_start3A_16 : memref<128xi32, #tpu.memory_space<vmem>>) semaphore(%arg10 : memref<!tpu.dma_semaphore, #tpu.memory_space<semaphore_mem>>)
      %mul3A_20 = arith.constant 4 : i32
      %mul3A_21 = arith.muli %scan3A_9, %mul3A_20 : i32
      %add3A_22 = arith.constant 1 : i32
      %add3A_23 = arith.addi %mul3A_21, %add3A_22 : i32
      %dma_start3A_24 = arith.constant 0 : i32
      %dma_start3A_25 = tpu.memref_slice %arg5[%add3A_23, %dma_start3A_24] : memref<80x128xi32, #tpu.memory_space<vmem>> -> memref<1x128xi32, #tpu.memory_space<vmem>>
      %dma_start3A_26 = tpu.memref_squeeze %dma_start3A_25 : memref<1x128xi32, #tpu.memory_space<vmem>> -> memref<128xi32, #tpu.memory_space<vmem>>
      %dma_start3A_27 = arith.constant 0 : i32
      %dma_start3A_28 = arith.constant 0 : i32
      %dma_start3A_29 = tpu.memref_slice %arg2[%dma_start3A_27, %dma_start3A_28] : memref<16384x128xf32, #tpu.memory_space<hbm>> -> memref<16384x128xf32, #tpu.memory_space<hbm>>
      tpu.enqueue_indirect_dma source(%dma_start3A_29 : memref<16384x128xf32, #tpu.memory_space<hbm>>) target(%arg7 : memref<128x128xf32, #tpu.memory_space<vmem>>) offsets(%dma_start3A_26 : memref<128xi32, #tpu.memory_space<vmem>>) semaphore(%arg10 : memref<!tpu.dma_semaphore, #tpu.memory_space<semaphore_mem>>)
      %mul3A_30 = arith.constant 4 : i32
      %mul3A_31 = arith.muli %scan3A_9, %mul3A_30 : i32
      %add3A_32 = arith.constant 2 : i32
      %add3A_33 = arith.addi %mul3A_31, %add3A_32 : i32
      %dma_start3A_34 = arith.constant 0 : i32
      %dma_start3A_35 = tpu.memref_slice %arg5[%add3A_33, %dma_start3A_34] : memref<80x128xi32, #tpu.memory_space<vmem>> -> memref<1x128xi32, #tpu.memory_space<vmem>>
      %dma_start3A_36 = tpu.memref_squeeze %dma_start3A_35 : memref<1x128xi32, #tpu.memory_space<vmem>> -> memref<128xi32, #tpu.memory_space<vmem>>
      %dma_start3A_37 = arith.constant 0 : i32
      %dma_start3A_38 = arith.constant 0 : i32
      %dma_start3A_39 = tpu.memref_slice %arg2[%dma_start3A_37, %dma_start3A_38] : memref<16384x128xf32, #tpu.memory_space<hbm>> -> memref<16384x128xf32, #tpu.memory_space<hbm>>
      tpu.enqueue_indirect_dma source(%dma_start3A_39 : memref<16384x128xf32, #tpu.memory_space<hbm>>) target(%arg8 : memref<128x128xf32, #tpu.memory_space<vmem>>) offsets(%dma_start3A_36 : memref<128xi32, #tpu.memory_space<vmem>>) semaphore(%arg10 : memref<!tpu.dma_semaphore, #tpu.memory_space<semaphore_mem>>)
      %mul3A_40 = arith.constant 4 : i32
      %mul3A_41 = arith.muli %scan3A_9, %mul3A_40 : i32
      %add3A_42 = arith.constant 3 : i32
      %add3A_43 = arith.addi %mul3A_41, %add3A_42 : i32
      %dma_start3A_44 = arith.constant 0 : i32
      %dma_start3A_45 = tpu.memref_slice %arg5[%add3A_43, %dma_start3A_44] : memref<80x128xi32, #tpu.memory_space<vmem>> -> memref<1x128xi32, #tpu.memory_space<vmem>>
      %dma_start3A_46 = tpu.memref_squeeze %dma_start3A_45 : memref<1x128xi32, #tpu.memory_space<vmem>> -> memref<128xi32, #tpu.memory_space<vmem>>
      %dma_start3A_47 = arith.constant 0 : i32
      %dma_start3A_48 = arith.constant 0 : i32
      %dma_start3A_49 = tpu.memref_slice %arg2[%dma_start3A_47, %dma_start3A_48] : memref<16384x128xf32, #tpu.memory_space<hbm>> -> memref<16384x128xf32, #tpu.memory_space<hbm>>
      tpu.enqueue_indirect_dma source(%dma_start3A_49 : memref<16384x128xf32, #tpu.memory_space<hbm>>) target(%arg9 : memref<128x128xf32, #tpu.memory_space<vmem>>) offsets(%dma_start3A_46 : memref<128xi32, #tpu.memory_space<vmem>>) semaphore(%arg10 : memref<!tpu.dma_semaphore, #tpu.memory_space<semaphore_mem>>)
      %mul3A_50 = arith.constant 4 : i32
      %mul3A_51 = arith.muli %scan3A_9, %mul3A_50 : i32
      %add3A_52 = arith.constant 0 : i32
      %add3A_53 = arith.addi %mul3A_51, %add3A_52 : i32
      %dma_wait3A = arith.constant 0 : i32
      %dma_wait3A_54 = tpu.memref_slice %arg5[%add3A_14, %dma_wait3A] : memref<80x128xi32, #tpu.memory_space<vmem>> -> memref<1x128xi32, #tpu.memory_space<vmem>>
      %dma_wait3A_55 = tpu.memref_squeeze %dma_wait3A_54 : memref<1x128xi32, #tpu.memory_space<vmem>> -> memref<128xi32, #tpu.memory_space<vmem>>
      %dma_wait3A_56 = arith.constant 0 : i32
      %dma_wait3A_57 = arith.constant 0 : i32
      %dma_wait3A_58 = tpu.memref_slice %arg2[%dma_wait3A_56, %dma_wait3A_57] : memref<16384x128xf32, #tpu.memory_space<hbm>> -> memref<16384x128xf32, #tpu.memory_space<hbm>>
      tpu.wait_indirect_dma semaphore(%arg10 : memref<!tpu.dma_semaphore, #tpu.memory_space<semaphore_mem>>) src(%dma_wait3A_58 : memref<16384x128xf32, #tpu.memory_space<hbm>>) dst(%arg6 : memref<128x128xf32, #tpu.memory_space<vmem>>)
      %add3A_59 = arith.addi %mul3A_2, %add3A_53 : i32
      %mul3A_60 = arith.constant 128 : i32
      %mul3A_61 = arith.muli %add3A_59, %mul3A_60 : i32
      %dma_start3A_62 = arith.constant 0 : i32
      %dma_start3A_63 = tpu.memref_slice %arg4[%mul3A_61, %dma_start3A_62] : memref<327680x128xf32, #tpu.memory_space<hbm>> -> memref<128x128xf32, #tpu.memory_space<hbm>>
      %dma_start3A_64 = arith.constant 0 : i32
      %dma_start3A_65 = tpu.memref_slice %arg4[%mul3A_61, %dma_start3A_64] : memref<327680x128xf32, #tpu.memory_space<hbm>> -> memref<128x128xf32, #tpu.memory_space<hbm>>
      tpu.enqueue_dma source(%arg6 : memref<128x128xf32, #tpu.memory_space<vmem>>) target(%dma_start3A_65 : memref<128x128xf32, #tpu.memory_space<hbm>>) target_semaphore(%arg11 : memref<!tpu.dma_semaphore, #tpu.memory_space<semaphore_mem>>)
      %mul3A_66 = arith.constant 4 : i32
      %mul3A_67 = arith.muli %scan3A_9, %mul3A_66 : i32
      %add3A_68 = arith.constant 1 : i32
      %add3A_69 = arith.addi %mul3A_67, %add3A_68 : i32
      %dma_wait3A_70 = arith.constant 0 : i32
      %dma_wait3A_71 = tpu.memref_slice %arg5[%add3A_23, %dma_wait3A_70] : memref<80x128xi32, #tpu.memory_space<vmem>> -> memref<1x128xi32, #tpu.memory_space<vmem>>
      %dma_wait3A_72 = tpu.memref_squeeze %dma_wait3A_71 : memref<1x128xi32, #tpu.memory_space<vmem>> -> memref<128xi32, #tpu.memory_space<vmem>>
      %dma_wait3A_73 = arith.constant 0 : i32
      %dma_wait3A_74 = arith.constant 0 : i32
      %dma_wait3A_75 = tpu.memref_slice %arg2[%dma_wait3A_73, %dma_wait3A_74] : memref<16384x128xf32, #tpu.memory_space<hbm>> -> memref<16384x128xf32, #tpu.memory_space<hbm>>
      tpu.wait_indirect_dma semaphore(%arg10 : memref<!tpu.dma_semaphore, #tpu.memory_space<semaphore_mem>>) src(%dma_wait3A_75 : memref<16384x128xf32, #tpu.memory_space<hbm>>) dst(%arg7 : memref<128x128xf32, #tpu.memory_space<vmem>>)
      %add3A_76 = arith.addi %mul3A_2, %add3A_69 : i32
      %mul3A_77 = arith.constant 128 : i32
      %mul3A_78 = arith.muli %add3A_76, %mul3A_77 : i32
      %dma_start3A_79 = arith.constant 0 : i32
      %dma_start3A_80 = tpu.memref_slice %arg4[%mul3A_78, %dma_start3A_79] : memref<327680x128xf32, #tpu.memory_space<hbm>> -> memref<128x128xf32, #tpu.memory_space<hbm>>
      %dma_start3A_81 = arith.constant 0 : i32
      %dma_start3A_82 = tpu.memref_slice %arg4[%mul3A_78, %dma_start3A_81] : memref<327680x128xf32, #tpu.memory_space<hbm>> -> memref<128x128xf32, #tpu.memory_space<hbm>>
      tpu.enqueue_dma source(%arg7 : memref<128x128xf32, #tpu.memory_space<vmem>>) target(%dma_start3A_82 : memref<128x128xf32, #tpu.memory_space<hbm>>) target_semaphore(%arg11 : memref<!tpu.dma_semaphore, #tpu.memory_space<semaphore_mem>>)
      %mul3A_83 = arith.constant 4 : i32
      %mul3A_84 = arith.muli %scan3A_9, %mul3A_83 : i32
      %add3A_85 = arith.constant 2 : i32
      %add3A_86 = arith.addi %mul3A_84, %add3A_85 : i32
      %dma_wait3A_87 = arith.constant 0 : i32
      %dma_wait3A_88 = tpu.memref_slice %arg5[%add3A_33, %dma_wait3A_87] : memref<80x128xi32, #tpu.memory_space<vmem>> -> memref<1x128xi32, #tpu.memory_space<vmem>>
      %dma_wait3A_89 = tpu.memref_squeeze %dma_wait3A_88 : memref<1x128xi32, #tpu.memory_space<vmem>> -> memref<128xi32, #tpu.memory_space<vmem>>
      %dma_wait3A_90 = arith.constant 0 : i32
      %dma_wait3A_91 = arith.constant 0 : i32
      %dma_wait3A_92 = tpu.memref_slice %arg2[%dma_wait3A_90, %dma_wait3A_91] : memref<16384x128xf32, #tpu.memory_space<hbm>> -> memref<16384x128xf32, #tpu.memory_space<hbm>>
      tpu.wait_indirect_dma semaphore(%arg10 : memref<!tpu.dma_semaphore, #tpu.memory_space<semaphore_mem>>) src(%dma_wait3A_92 : memref<16384x128xf32, #tpu.memory_space<hbm>>) dst(%arg8 : memref<128x128xf32, #tpu.memory_space<vmem>>)
      %add3A_93 = arith.addi %mul3A_2, %add3A_86 : i32
      %mul3A_94 = arith.constant 128 : i32
      %mul3A_95 = arith.muli %add3A_93, %mul3A_94 : i32
      %dma_start3A_96 = arith.constant 0 : i32
      %dma_start3A_97 = tpu.memref_slice %arg4[%mul3A_95, %dma_start3A_96] : memref<327680x128xf32, #tpu.memory_space<hbm>> -> memref<128x128xf32, #tpu.memory_space<hbm>>
      %dma_start3A_98 = arith.constant 0 : i32
      %dma_start3A_99 = tpu.memref_slice %arg4[%mul3A_95, %dma_start3A_98] : memref<327680x128xf32, #tpu.memory_space<hbm>> -> memref<128x128xf32, #tpu.memory_space<hbm>>
      tpu.enqueue_dma source(%arg8 : memref<128x128xf32, #tpu.memory_space<vmem>>) target(%dma_start3A_99 : memref<128x128xf32, #tpu.memory_space<hbm>>) target_semaphore(%arg11 : memref<!tpu.dma_semaphore, #tpu.memory_space<semaphore_mem>>)
      %mul3A_100 = arith.constant 4 : i32
      %mul3A_101 = arith.muli %scan3A_9, %mul3A_100 : i32
      %add3A_102 = arith.constant 3 : i32
      %add3A_103 = arith.addi %mul3A_101, %add3A_102 : i32
      %dma_wait3A_104 = arith.constant 0 : i32
      %dma_wait3A_105 = tpu.memref_slice %arg5[%add3A_43, %dma_wait3A_104] : memref<80x128xi32, #tpu.memory_space<vmem>> -> memref<1x128xi32, #tpu.memory_space<vmem>>
      %dma_wait3A_106 = tpu.memref_squeeze %dma_wait3A_105 : memref<1x128xi32, #tpu.memory_space<vmem>> -> memref<128xi32, #tpu.memory_space<vmem>>
      %dma_wait3A_107 = arith.constant 0 : i32
      %dma_wait3A_108 = arith.constant 0 : i32
      %dma_wait3A_109 = tpu.memref_slice %arg2[%dma_wait3A_107, %dma_wait3A_108] : memref<16384x128xf32, #tpu.memory_space<hbm>> -> memref<16384x128xf32, #tpu.memory_space<hbm>>
      tpu.wait_indirect_dma semaphore(%arg10 : memref<!tpu.dma_semaphore, #tpu.memory_space<semaphore_mem>>) src(%dma_wait3A_109 : memref<16384x128xf32, #tpu.memory_space<hbm>>) dst(%arg9 : memref<128x128xf32, #tpu.memory_space<vmem>>)
      %add3A_110 = arith.addi %mul3A_2, %add3A_103 : i32
      %mul3A_111 = arith.constant 128 : i32
      %mul3A_112 = arith.muli %add3A_110, %mul3A_111 : i32
      %dma_start3A_113 = arith.constant 0 : i32
      %dma_start3A_114 = tpu.memref_slice %arg4[%mul3A_112, %dma_start3A_113] : memref<327680x128xf32, #tpu.memory_space<hbm>> -> memref<128x128xf32, #tpu.memory_space<hbm>>
      %dma_start3A_115 = arith.constant 0 : i32
      %dma_start3A_116 = tpu.memref_slice %arg4[%mul3A_112, %dma_start3A_115] : memref<327680x128xf32, #tpu.memory_space<hbm>> -> memref<128x128xf32, #tpu.memory_space<hbm>>
      tpu.enqueue_dma source(%arg9 : memref<128x128xf32, #tpu.memory_space<vmem>>) target(%dma_start3A_116 : memref<128x128xf32, #tpu.memory_space<hbm>>) target_semaphore(%arg11 : memref<!tpu.dma_semaphore, #tpu.memory_space<semaphore_mem>>)
      %dma_wait3A_117 = arith.constant 0 : i32
      %dma_wait3A_118 = tpu.memref_slice %arg4[%mul3A_61, %dma_wait3A_117] : memref<327680x128xf32, #tpu.memory_space<hbm>> -> memref<128x128xf32, #tpu.memory_space<hbm>>
      %dma_wait3A_119 = arith.constant 0 : i32
      %dma_wait3A_120 = tpu.memref_slice %arg4[%mul3A_61, %dma_wait3A_119] : memref<327680x128xf32, #tpu.memory_space<hbm>> -> memref<128x128xf32, #tpu.memory_space<hbm>>
      tpu.wait_dma2 semaphore(%arg11 : memref<!tpu.dma_semaphore, #tpu.memory_space<semaphore_mem>>) src(%arg6 : memref<128x128xf32, #tpu.memory_space<vmem>>) dst(%dma_wait3A_120 : memref<128x128xf32, #tpu.memory_space<hbm>>)
      %dma_wait3A_121 = arith.constant 0 : i32
      %dma_wait3A_122 = tpu.memref_slice %arg4[%mul3A_78, %dma_wait3A_121] : memref<327680x128xf32, #tpu.memory_space<hbm>> -> memref<128x128xf32, #tpu.memory_space<hbm>>
      %dma_wait3A_123 = arith.constant 0 : i32
      %dma_wait3A_124 = tpu.memref_slice %arg4[%mul3A_78, %dma_wait3A_123] : memref<327680x128xf32, #tpu.memory_space<hbm>> -> memref<128x128xf32, #tpu.memory_space<hbm>>
      tpu.wait_dma2 semaphore(%arg11 : memref<!tpu.dma_semaphore, #tpu.memory_space<semaphore_mem>>) src(%arg7 : memref<128x128xf32, #tpu.memory_space<vmem>>) dst(%dma_wait3A_124 : memref<128x128xf32, #tpu.memory_space<hbm>>)
      %dma_wait3A_125 = arith.constant 0 : i32
      %dma_wait3A_126 = tpu.memref_slice %arg4[%mul3A_95, %dma_wait3A_125] : memref<327680x128xf32, #tpu.memory_space<hbm>> -> memref<128x128xf32, #tpu.memory_space<hbm>>
      %dma_wait3A_127 = arith.constant 0 : i32
      %dma_wait3A_128 = tpu.memref_slice %arg4[%mul3A_95, %dma_wait3A_127] : memref<327680x128xf32, #tpu.memory_space<hbm>> -> memref<128x128xf32, #tpu.memory_space<hbm>>
      tpu.wait_dma2 semaphore(%arg11 : memref<!tpu.dma_semaphore, #tpu.memory_space<semaphore_mem>>) src(%arg8 : memref<128x128xf32, #tpu.memory_space<vmem>>) dst(%dma_wait3A_128 : memref<128x128xf32, #tpu.memory_space<hbm>>)
      %dma_wait3A_129 = arith.constant 0 : i32
      %dma_wait3A_130 = tpu.memref_slice %arg4[%mul3A_112, %dma_wait3A_129] : memref<327680x128xf32, #tpu.memory_space<hbm>> -> memref<128x128xf32, #tpu.memory_space<hbm>>
      %dma_wait3A_131 = arith.constant 0 : i32
      %dma_wait3A_132 = tpu.memref_slice %arg4[%mul3A_112, %dma_wait3A_131] : memref<327680x128xf32, #tpu.memory_space<hbm>> -> memref<128x128xf32, #tpu.memory_space<hbm>>
      tpu.wait_dma2 semaphore(%arg11 : memref<!tpu.dma_semaphore, #tpu.memory_space<semaphore_mem>>) src(%arg9 : memref<128x128xf32, #tpu.memory_space<vmem>>) dst(%dma_wait3A_132 : memref<128x128xf32, #tpu.memory_space<hbm>>)
      %scan3A_133 = arith.constant 0 : i32
      scf.yield %scan3A_133 : i32
    }
    %scan3A_8 = arith.constant 20 : i32
    return
  }
}

#map = affine_map<(d0, d1) -> (0, 0)>
module attributes {stable_mosaic.version = 14 : i64} {
  func.func @k(%arg0: i32, %arg1: i32, %arg2: memref<16384x128xf32, #tpu.memory_space<hbm>>, %arg3: memref<2560x128xi32, #tpu.memory_space<hbm>>, %arg4: memref<327680x128xf32, #tpu.memory_space<hbm>>, %arg5: memref<80x128xi32, #tpu.memory_space<vmem>>, %arg6: memref<128x128xf32, #tpu.memory_space<vmem>>, %arg7: memref<128x128xf32, #tpu.memory_space<vmem>>, %arg8: memref<128x128xf32, #tpu.memory_space<vmem>>, %arg9: memref<128x128xf32, #tpu.memory_space<vmem>>, %arg10: memref<!tpu.dma_semaphore, #tpu.memory_space<semaphore_mem>>, %arg11: memref<!tpu.dma_semaphore, #tpu.memory_space<semaphore_mem>>) attributes {dimension_semantics = [#tpu.dimension_semantics<core_parallel>, #tpu.dimension_semantics<subcore_parallel>], iteration_bounds = array<i64: 2, 16>, scalar_prefetch = 0 : i64, scratch_operands = 7 : i64, tpu.core_type = #tpu.core_type<sc_vector_subcore>, window_params = [{transform_indices = #map}, {transform_indices = #map}, {transform_indices = #map}]} {
    %mul3A = arith.constant 2 : i32
    %mul3A_0 = arith.muli %arg1, %mul3A : i32
    %add3A = arith.addi %mul3A_0, %arg0 : i32
    %mul3A_1 = arith.constant 80 : i32
    %mul3A_2 = arith.muli %add3A, %mul3A_1 : i32
    "tpu.region"() ({
      %run_scoped3A = tpu.sem_alloc : memref<!tpu.dma_semaphore, #tpu.memory_space<semaphore_mem>>
      %dma_start3A = arith.constant 0 : i32
      %dma_start3A_9 = tpu.memref_slice %arg3[%mul3A_2, %dma_start3A] : memref<2560x128xi32, #tpu.memory_space<hbm>> -> memref<80x128xi32, #tpu.memory_space<hbm>>
      %dma_start3A_10 = arith.constant 0 : i32
      %dma_start3A_11 = tpu.memref_slice %arg3[%mul3A_2, %dma_start3A_10] : memref<2560x128xi32, #tpu.memory_space<hbm>> -> memref<80x128xi32, #tpu.memory_space<hbm>>
      tpu.enqueue_dma source(%dma_start3A_11 : memref<80x128xi32, #tpu.memory_space<hbm>>) target(%arg5 : memref<80x128xi32, #tpu.memory_space<vmem>>) target_semaphore(%run_scoped3A : memref<!tpu.dma_semaphore, #tpu.memory_space<semaphore_mem>>)
      %dma_wait3A = arith.constant 0 : i32
      %dma_wait3A_12 = tpu.memref_slice %arg3[%mul3A_2, %dma_wait3A] : memref<2560x128xi32, #tpu.memory_space<hbm>> -> memref<80x128xi32, #tpu.memory_space<hbm>>
      %dma_wait3A_13 = arith.constant 0 : i32
      %dma_wait3A_14 = tpu.memref_slice %arg3[%mul3A_2, %dma_wait3A_13] : memref<2560x128xi32, #tpu.memory_space<hbm>> -> memref<80x128xi32, #tpu.memory_space<hbm>>
      tpu.wait_dma2 semaphore(%run_scoped3A : memref<!tpu.dma_semaphore, #tpu.memory_space<semaphore_mem>>) src(%dma_wait3A_14 : memref<80x128xi32, #tpu.memory_space<hbm>>) dst(%arg5 : memref<80x128xi32, #tpu.memory_space<vmem>>)
      tpu.yield
    }) : () -> ()
    %scan3A = arith.constant 0 : i32
    %scan3A_3 = arith.constant 0 : i32
    %scan3A_4 = arith.constant 20 : i32
    %scan3A_5 = arith.addi %scan3A_3, %scan3A_4 : i32
    %scan3A_6 = arith.constant 1 : i32
    %scan3A_7 = scf.for %scan3A_9 = %scan3A_3 to %scan3A_5 step %scan3A_6 iter_args(%scan3A_10 = %scan3A) -> (i32)  : i32 {
      %mul3A_11 = arith.constant 4 : i32
      %mul3A_12 = arith.muli %scan3A_9, %mul3A_11 : i32
      %add3A_13 = arith.constant 0 : i32
      %add3A_14 = arith.addi %mul3A_12, %add3A_13 : i32
      %dma_start3A = arith.constant 0 : i32
      %dma_start3A_15 = tpu.memref_slice %arg5[%add3A_14, %dma_start3A] : memref<80x128xi32, #tpu.memory_space<vmem>> -> memref<1x128xi32, #tpu.memory_space<vmem>>
      %dma_start3A_16 = tpu.memref_squeeze %dma_start3A_15 : memref<1x128xi32, #tpu.memory_space<vmem>> -> memref<128xi32, #tpu.memory_space<vmem>>
      %dma_start3A_17 = arith.constant 0 : i32
      %dma_start3A_18 = arith.constant 0 : i32
      %dma_start3A_19 = tpu.memref_slice %arg2[%dma_start3A_17, %dma_start3A_18] : memref<16384x128xf32, #tpu.memory_space<hbm>> -> memref<16384x128xf32, #tpu.memory_space<hbm>>
      tpu.enqueue_indirect_dma source(%dma_start3A_19 : memref<16384x128xf32, #tpu.memory_space<hbm>>) target(%arg6 : memref<128x128xf32, #tpu.memory_space<vmem>>) offsets(%dma_start3A_16 : memref<128xi32, #tpu.memory_space<vmem>>) semaphore(%arg10 : memref<!tpu.dma_semaphore, #tpu.memory_space<semaphore_mem>>)
      %mul3A_20 = arith.constant 4 : i32
      %mul3A_21 = arith.muli %scan3A_9, %mul3A_20 : i32
      %add3A_22 = arith.constant 1 : i32
      %add3A_23 = arith.addi %mul3A_21, %add3A_22 : i32
      %dma_start3A_24 = arith.constant 0 : i32
      %dma_start3A_25 = tpu.memref_slice %arg5[%add3A_23, %dma_start3A_24] : memref<80x128xi32, #tpu.memory_space<vmem>> -> memref<1x128xi32, #tpu.memory_space<vmem>>
      %dma_start3A_26 = tpu.memref_squeeze %dma_start3A_25 : memref<1x128xi32, #tpu.memory_space<vmem>> -> memref<128xi32, #tpu.memory_space<vmem>>
      %dma_start3A_27 = arith.constant 0 : i32
      %dma_start3A_28 = arith.constant 0 : i32
      %dma_start3A_29 = tpu.memref_slice %arg2[%dma_start3A_27, %dma_start3A_28] : memref<16384x128xf32, #tpu.memory_space<hbm>> -> memref<16384x128xf32, #tpu.memory_space<hbm>>
      tpu.enqueue_indirect_dma source(%dma_start3A_29 : memref<16384x128xf32, #tpu.memory_space<hbm>>) target(%arg7 : memref<128x128xf32, #tpu.memory_space<vmem>>) offsets(%dma_start3A_26 : memref<128xi32, #tpu.memory_space<vmem>>) semaphore(%arg10 : memref<!tpu.dma_semaphore, #tpu.memory_space<semaphore_mem>>)
      %mul3A_30 = arith.constant 4 : i32
      %mul3A_31 = arith.muli %scan3A_9, %mul3A_30 : i32
      %add3A_32 = arith.constant 2 : i32
      %add3A_33 = arith.addi %mul3A_31, %add3A_32 : i32
      %dma_start3A_34 = arith.constant 0 : i32
      %dma_start3A_35 = tpu.memref_slice %arg5[%add3A_33, %dma_start3A_34] : memref<80x128xi32, #tpu.memory_space<vmem>> -> memref<1x128xi32, #tpu.memory_space<vmem>>
      %dma_start3A_36 = tpu.memref_squeeze %dma_start3A_35 : memref<1x128xi32, #tpu.memory_space<vmem>> -> memref<128xi32, #tpu.memory_space<vmem>>
      %dma_start3A_37 = arith.constant 0 : i32
      %dma_start3A_38 = arith.constant 0 : i32
      %dma_start3A_39 = tpu.memref_slice %arg2[%dma_start3A_37, %dma_start3A_38] : memref<16384x128xf32, #tpu.memory_space<hbm>> -> memref<16384x128xf32, #tpu.memory_space<hbm>>
      tpu.enqueue_indirect_dma source(%dma_start3A_39 : memref<16384x128xf32, #tpu.memory_space<hbm>>) target(%arg8 : memref<128x128xf32, #tpu.memory_space<vmem>>) offsets(%dma_start3A_36 : memref<128xi32, #tpu.memory_space<vmem>>) semaphore(%arg10 : memref<!tpu.dma_semaphore, #tpu.memory_space<semaphore_mem>>)
      %mul3A_40 = arith.constant 4 : i32
      %mul3A_41 = arith.muli %scan3A_9, %mul3A_40 : i32
      %add3A_42 = arith.constant 3 : i32
      %add3A_43 = arith.addi %mul3A_41, %add3A_42 : i32
      %dma_start3A_44 = arith.constant 0 : i32
      %dma_start3A_45 = tpu.memref_slice %arg5[%add3A_43, %dma_start3A_44] : memref<80x128xi32, #tpu.memory_space<vmem>> -> memref<1x128xi32, #tpu.memory_space<vmem>>
      %dma_start3A_46 = tpu.memref_squeeze %dma_start3A_45 : memref<1x128xi32, #tpu.memory_space<vmem>> -> memref<128xi32, #tpu.memory_space<vmem>>
      %dma_start3A_47 = arith.constant 0 : i32
      %dma_start3A_48 = arith.constant 0 : i32
      %dma_start3A_49 = tpu.memref_slice %arg2[%dma_start3A_47, %dma_start3A_48] : memref<16384x128xf32, #tpu.memory_space<hbm>> -> memref<16384x128xf32, #tpu.memory_space<hbm>>
      tpu.enqueue_indirect_dma source(%dma_start3A_49 : memref<16384x128xf32, #tpu.memory_space<hbm>>) target(%arg9 : memref<128x128xf32, #tpu.memory_space<vmem>>) offsets(%dma_start3A_46 : memref<128xi32, #tpu.memory_space<vmem>>) semaphore(%arg10 : memref<!tpu.dma_semaphore, #tpu.memory_space<semaphore_mem>>)
      %mul3A_50 = arith.constant 4 : i32
      %mul3A_51 = arith.muli %scan3A_9, %mul3A_50 : i32
      %add3A_52 = arith.constant 0 : i32
      %add3A_53 = arith.addi %mul3A_51, %add3A_52 : i32
      %dma_wait3A = arith.constant 0 : i32
      %dma_wait3A_54 = tpu.memref_slice %arg5[%add3A_14, %dma_wait3A] : memref<80x128xi32, #tpu.memory_space<vmem>> -> memref<1x128xi32, #tpu.memory_space<vmem>>
      %dma_wait3A_55 = tpu.memref_squeeze %dma_wait3A_54 : memref<1x128xi32, #tpu.memory_space<vmem>> -> memref<128xi32, #tpu.memory_space<vmem>>
      %dma_wait3A_56 = arith.constant 0 : i32
      %dma_wait3A_57 = arith.constant 0 : i32
      %dma_wait3A_58 = tpu.memref_slice %arg2[%dma_wait3A_56, %dma_wait3A_57] : memref<16384x128xf32, #tpu.memory_space<hbm>> -> memref<16384x128xf32, #tpu.memory_space<hbm>>
      tpu.wait_indirect_dma semaphore(%arg10 : memref<!tpu.dma_semaphore, #tpu.memory_space<semaphore_mem>>) src(%dma_wait3A_58 : memref<16384x128xf32, #tpu.memory_space<hbm>>) dst(%arg6 : memref<128x128xf32, #tpu.memory_space<vmem>>)
      %add3A_59 = arith.addi %mul3A_2, %add3A_53 : i32
      %mul3A_60 = arith.constant 128 : i32
      %mul3A_61 = arith.muli %add3A_59, %mul3A_60 : i32
      %dma_start3A_62 = arith.constant 0 : i32
      %dma_start3A_63 = tpu.memref_slice %arg4[%mul3A_61, %dma_start3A_62] : memref<327680x128xf32, #tpu.memory_space<hbm>> -> memref<128x128xf32, #tpu.memory_space<hbm>>
      %dma_start3A_64 = arith.constant 0 : i32
      %dma_start3A_65 = tpu.memref_slice %arg4[%mul3A_61, %dma_start3A_64] : memref<327680x128xf32, #tpu.memory_space<hbm>> -> memref<128x128xf32, #tpu.memory_space<hbm>>
      tpu.enqueue_dma source(%arg6 : memref<128x128xf32, #tpu.memory_space<vmem>>) target(%dma_start3A_65 : memref<128x128xf32, #tpu.memory_space<hbm>>) target_semaphore(%arg11 : memref<!tpu.dma_semaphore, #tpu.memory_space<semaphore_mem>>)
      %mul3A_66 = arith.constant 4 : i32
      %mul3A_67 = arith.muli %scan3A_9, %mul3A_66 : i32
      %add3A_68 = arith.constant 1 : i32
      %add3A_69 = arith.addi %mul3A_67, %add3A_68 : i32
      %dma_wait3A_70 = arith.constant 0 : i32
      %dma_wait3A_71 = tpu.memref_slice %arg5[%add3A_23, %dma_wait3A_70] : memref<80x128xi32, #tpu.memory_space<vmem>> -> memref<1x128xi32, #tpu.memory_space<vmem>>
      %dma_wait3A_72 = tpu.memref_squeeze %dma_wait3A_71 : memref<1x128xi32, #tpu.memory_space<vmem>> -> memref<128xi32, #tpu.memory_space<vmem>>
      %dma_wait3A_73 = arith.constant 0 : i32
      %dma_wait3A_74 = arith.constant 0 : i32
      %dma_wait3A_75 = tpu.memref_slice %arg2[%dma_wait3A_73, %dma_wait3A_74] : memref<16384x128xf32, #tpu.memory_space<hbm>> -> memref<16384x128xf32, #tpu.memory_space<hbm>>
      tpu.wait_indirect_dma semaphore(%arg10 : memref<!tpu.dma_semaphore, #tpu.memory_space<semaphore_mem>>) src(%dma_wait3A_75 : memref<16384x128xf32, #tpu.memory_space<hbm>>) dst(%arg7 : memref<128x128xf32, #tpu.memory_space<vmem>>)
      %add3A_76 = arith.addi %mul3A_2, %add3A_69 : i32
      %mul3A_77 = arith.constant 128 : i32
      %mul3A_78 = arith.muli %add3A_76, %mul3A_77 : i32
      %dma_start3A_79 = arith.constant 0 : i32
      %dma_start3A_80 = tpu.memref_slice %arg4[%mul3A_78, %dma_start3A_79] : memref<327680x128xf32, #tpu.memory_space<hbm>> -> memref<128x128xf32, #tpu.memory_space<hbm>>
      %dma_start3A_81 = arith.constant 0 : i32
      %dma_start3A_82 = tpu.memref_slice %arg4[%mul3A_78, %dma_start3A_81] : memref<327680x128xf32, #tpu.memory_space<hbm>> -> memref<128x128xf32, #tpu.memory_space<hbm>>
      tpu.enqueue_dma source(%arg7 : memref<128x128xf32, #tpu.memory_space<vmem>>) target(%dma_start3A_82 : memref<128x128xf32, #tpu.memory_space<hbm>>) target_semaphore(%arg11 : memref<!tpu.dma_semaphore, #tpu.memory_space<semaphore_mem>>)
      %mul3A_83 = arith.constant 4 : i32
      %mul3A_84 = arith.muli %scan3A_9, %mul3A_83 : i32
      %add3A_85 = arith.constant 2 : i32
      %add3A_86 = arith.addi %mul3A_84, %add3A_85 : i32
      %dma_wait3A_87 = arith.constant 0 : i32
      %dma_wait3A_88 = tpu.memref_slice %arg5[%add3A_33, %dma_wait3A_87] : memref<80x128xi32, #tpu.memory_space<vmem>> -> memref<1x128xi32, #tpu.memory_space<vmem>>
      %dma_wait3A_89 = tpu.memref_squeeze %dma_wait3A_88 : memref<1x128xi32, #tpu.memory_space<vmem>> -> memref<128xi32, #tpu.memory_space<vmem>>
      %dma_wait3A_90 = arith.constant 0 : i32
      %dma_wait3A_91 = arith.constant 0 : i32
      %dma_wait3A_92 = tpu.memref_slice %arg2[%dma_wait3A_90, %dma_wait3A_91] : memref<16384x128xf32, #tpu.memory_space<hbm>> -> memref<16384x128xf32, #tpu.memory_space<hbm>>
      tpu.wait_indirect_dma semaphore(%arg10 : memref<!tpu.dma_semaphore, #tpu.memory_space<semaphore_mem>>) src(%dma_wait3A_92 : memref<16384x128xf32, #tpu.memory_space<hbm>>) dst(%arg8 : memref<128x128xf32, #tpu.memory_space<vmem>>)
      %add3A_93 = arith.addi %mul3A_2, %add3A_86 : i32
      %mul3A_94 = arith.constant 128 : i32
      %mul3A_95 = arith.muli %add3A_93, %mul3A_94 : i32
      %dma_start3A_96 = arith.constant 0 : i32
      %dma_start3A_97 = tpu.memref_slice %arg4[%mul3A_95, %dma_start3A_96] : memref<327680x128xf32, #tpu.memory_space<hbm>> -> memref<128x128xf32, #tpu.memory_space<hbm>>
      %dma_start3A_98 = arith.constant 0 : i32
      %dma_start3A_99 = tpu.memref_slice %arg4[%mul3A_95, %dma_start3A_98] : memref<327680x128xf32, #tpu.memory_space<hbm>> -> memref<128x128xf32, #tpu.memory_space<hbm>>
      tpu.enqueue_dma source(%arg8 : memref<128x128xf32, #tpu.memory_space<vmem>>) target(%dma_start3A_99 : memref<128x128xf32, #tpu.memory_space<hbm>>) target_semaphore(%arg11 : memref<!tpu.dma_semaphore, #tpu.memory_space<semaphore_mem>>)
      %mul3A_100 = arith.constant 4 : i32
      %mul3A_101 = arith.muli %scan3A_9, %mul3A_100 : i32
      %add3A_102 = arith.constant 3 : i32
      %add3A_103 = arith.addi %mul3A_101, %add3A_102 : i32
      %dma_wait3A_104 = arith.constant 0 : i32
      %dma_wait3A_105 = tpu.memref_slice %arg5[%add3A_43, %dma_wait3A_104] : memref<80x128xi32, #tpu.memory_space<vmem>> -> memref<1x128xi32, #tpu.memory_space<vmem>>
      %dma_wait3A_106 = tpu.memref_squeeze %dma_wait3A_105 : memref<1x128xi32, #tpu.memory_space<vmem>> -> memref<128xi32, #tpu.memory_space<vmem>>
      %dma_wait3A_107 = arith.constant 0 : i32
      %dma_wait3A_108 = arith.constant 0 : i32
      %dma_wait3A_109 = tpu.memref_slice %arg2[%dma_wait3A_107, %dma_wait3A_108] : memref<16384x128xf32, #tpu.memory_space<hbm>> -> memref<16384x128xf32, #tpu.memory_space<hbm>>
      tpu.wait_indirect_dma semaphore(%arg10 : memref<!tpu.dma_semaphore, #tpu.memory_space<semaphore_mem>>) src(%dma_wait3A_109 : memref<16384x128xf32, #tpu.memory_space<hbm>>) dst(%arg9 : memref<128x128xf32, #tpu.memory_space<vmem>>)
      %add3A_110 = arith.addi %mul3A_2, %add3A_103 : i32
      %mul3A_111 = arith.constant 128 : i32
      %mul3A_112 = arith.muli %add3A_110, %mul3A_111 : i32
      %dma_start3A_113 = arith.constant 0 : i32
      %dma_start3A_114 = tpu.memref_slice %arg4[%mul3A_112, %dma_start3A_113] : memref<327680x128xf32, #tpu.memory_space<hbm>> -> memref<128x128xf32, #tpu.memory_space<hbm>>
      %dma_start3A_115 = arith.constant 0 : i32
      %dma_start3A_116 = tpu.memref_slice %arg4[%mul3A_112, %dma_start3A_115] : memref<327680x128xf32, #tpu.memory_space<hbm>> -> memref<128x128xf32, #tpu.memory_space<hbm>>
      tpu.enqueue_dma source(%arg9 : memref<128x128xf32, #tpu.memory_space<vmem>>) target(%dma_start3A_116 : memref<128x128xf32, #tpu.memory_space<hbm>>) target_semaphore(%arg11 : memref<!tpu.dma_semaphore, #tpu.memory_space<semaphore_mem>>)
      %dma_wait3A_117 = arith.constant 0 : i32
      %dma_wait3A_118 = tpu.memref_slice %arg4[%mul3A_61, %dma_wait3A_117] : memref<327680x128xf32, #tpu.memory_space<hbm>> -> memref<128x128xf32, #tpu.memory_space<hbm>>
      %dma_wait3A_119 = arith.constant 0 : i32
      %dma_wait3A_120 = tpu.memref_slice %arg4[%mul3A_61, %dma_wait3A_119] : memref<327680x128xf32, #tpu.memory_space<hbm>> -> memref<128x128xf32, #tpu.memory_space<hbm>>
      tpu.wait_dma2 semaphore(%arg11 : memref<!tpu.dma_semaphore, #tpu.memory_space<semaphore_mem>>) src(%arg6 : memref<128x128xf32, #tpu.memory_space<vmem>>) dst(%dma_wait3A_120 : memref<128x128xf32, #tpu.memory_space<hbm>>)
      %dma_wait3A_121 = arith.constant 0 : i32
      %dma_wait3A_122 = tpu.memref_slice %arg4[%mul3A_78, %dma_wait3A_121] : memref<327680x128xf32, #tpu.memory_space<hbm>> -> memref<128x128xf32, #tpu.memory_space<hbm>>
      %dma_wait3A_123 = arith.constant 0 : i32
      %dma_wait3A_124 = tpu.memref_slice %arg4[%mul3A_78, %dma_wait3A_123] : memref<327680x128xf32, #tpu.memory_space<hbm>> -> memref<128x128xf32, #tpu.memory_space<hbm>>
      tpu.wait_dma2 semaphore(%arg11 : memref<!tpu.dma_semaphore, #tpu.memory_space<semaphore_mem>>) src(%arg7 : memref<128x128xf32, #tpu.memory_space<vmem>>) dst(%dma_wait3A_124 : memref<128x128xf32, #tpu.memory_space<hbm>>)
      %dma_wait3A_125 = arith.constant 0 : i32
      %dma_wait3A_126 = tpu.memref_slice %arg4[%mul3A_95, %dma_wait3A_125] : memref<327680x128xf32, #tpu.memory_space<hbm>> -> memref<128x128xf32, #tpu.memory_space<hbm>>
      %dma_wait3A_127 = arith.constant 0 : i32
      %dma_wait3A_128 = tpu.memref_slice %arg4[%mul3A_95, %dma_wait3A_127] : memref<327680x128xf32, #tpu.memory_space<hbm>> -> memref<128x128xf32, #tpu.memory_space<hbm>>
      tpu.wait_dma2 semaphore(%arg11 : memref<!tpu.dma_semaphore, #tpu.memory_space<semaphore_mem>>) src(%arg8 : memref<128x128xf32, #tpu.memory_space<vmem>>) dst(%dma_wait3A_128 : memref<128x128xf32, #tpu.memory_space<hbm>>)
      %dma_wait3A_129 = arith.constant 0 : i32
      %dma_wait3A_130 = tpu.memref_slice %arg4[%mul3A_112, %dma_wait3A_129] : memref<327680x128xf32, #tpu.memory_space<hbm>> -> memref<128x128xf32, #tpu.memory_space<hbm>>
      %dma_wait3A_131 = arith.constant 0 : i32
      %dma_wait3A_132 = tpu.memref_slice %arg4[%mul3A_112, %dma_wait3A_131] : memref<327680x128xf32, #tpu.memory_space<hbm>> -> memref<128x128xf32, #tpu.memory_space<hbm>>
      tpu.wait_dma2 semaphore(%arg11 : memref<!tpu.dma_semaphore, #tpu.memory_space<semaphore_mem>>) src(%arg9 : memref<128x128xf32, #tpu.memory_space<vmem>>) dst(%dma_wait3A_132 : memref<128x128xf32, #tpu.memory_space<hbm>>)
      %scan3A_133 = arith.constant 0 : i32
      scf.yield %scan3A_133 : i32
    }
    %scan3A_8 = arith.constant 20 : i32
    return
  }
}

module attributes {stable_mosaic.version = 14 : i64} {
  func.func @_knn_body(%arg0: i32, %arg1: i32, %arg2: memref<1x256x6xf32, #tpu.memory_space<vmem>>, %arg3: memref<1x2048x6xf32, #tpu.memory_space<vmem>>, %arg4: memref<1x6x2048xf32, #tpu.memory_space<vmem>>, %arg5: memref<1x256x20xi32, #tpu.memory_space<vmem>>, %arg6: memref<256x2048xf32, #tpu.memory_space<vmem>>, %arg7: memref<256x20xf32, #tpu.memory_space<vmem>>) attributes {dimension_semantics = [#tpu.dimension_semantics<arbitrary>, #tpu.dimension_semantics<arbitrary>], iteration_bounds = array<i64: 8, 8>, scalar_prefetch = 0 : i64, scratch_operands = 2 : i64, tpu.core_type = #tpu.core_type<tc>, window_params = [{transform_indices = @transform_0, window_bounds = array<i64: 1, 256, 6>}, {transform_indices = @transform_1, window_bounds = array<i64: 1, 2048, 6>}, {transform_indices = @transform_2, window_bounds = array<i64: 1, 6, 2048>}, {transform_indices = @transform_3, window_bounds = array<i64: 1, 256, 20>}]} {
    %get3A = arith.constant 0 : index
    %get3A_0 = arith.constant 0 : index
    %get3A_1 = arith.constant 0 : index
    %get3A_2 = vector.load %arg2[%get3A, %get3A_0, %get3A_1] : memref<1x256x6xf32, #tpu.memory_space<vmem>>, vector<1x256x6xf32>
    %get3A_3 = vector.shape_cast %get3A_2 : vector<1x256x6xf32> to vector<256x6xf32>
    %get3A_4 = arith.constant 0 : index
    %get3A_5 = arith.constant 0 : index
    %get3A_6 = arith.constant 0 : index
    %get3A_7 = vector.load %arg4[%get3A_4, %get3A_5, %get3A_6] : memref<1x6x2048xf32, #tpu.memory_space<vmem>>, vector<1x6x2048xf32>
    %get3A_8 = vector.shape_cast %get3A_7 : vector<1x6x2048xf32> to vector<6x2048xf32>
    %convert_element_type3A = arith.truncf %get3A_3 : vector<256x6xf32> to vector<256x6xbf16>
    %convert_element_type3A_9 = arith.truncf %get3A_8 : vector<6x2048xf32> to vector<6x2048xbf16>
    %dot_general3A = arith.constant dense<0.000000e+00> : vector<256x2048xf32>
    %dot_general3A_10 = tpu.matmul %convert_element_type3A, %convert_element_type3A_9, %dot_general3A {dimension_numbers = #tpu.dot_dimension_numbers<[1], [0], [0], [1], [0, 0, 1, 1], [], []>, transpose_lhs_hint = false} : vector<256x6xbf16>, vector<6x2048xbf16>, vector<256x2048xf32> -> vector<256x2048xf32>
    %get3A_11 = arith.constant 0 : index
    %get3A_12 = arith.constant 0 : index
    %get3A_13 = arith.constant 0 : index
    %get3A_14 = vector.load %arg4[%get3A_11, %get3A_12, %get3A_13] : memref<1x6x2048xf32, #tpu.memory_space<vmem>>, vector<1x6x2048xf32>
    %get3A_15 = vector.shape_cast %get3A_14 : vector<1x6x2048xf32> to vector<6x2048xf32>
    %mul3A = arith.mulf %get3A_15, %get3A_15 : vector<6x2048xf32>
    %reduce_sum3A = arith.constant dense<0.000000e+00> : vector<2048xf32>
    %reduce_sum3A_16 = vector.multi_reduction <add>, %mul3A, %reduce_sum3A [0] : vector<6x2048xf32> to vector<2048xf32>
    %broadcast_in_dim3A = vector.shape_cast %reduce_sum3A_16 : vector<2048xf32> to vector<1x2048xf32>
    %mul3A_17 = arith.constant 2.000000e+00 : f32
    %mul3A_18 = vector.broadcast %mul3A_17 : f32 to vector<256x2048xf32>
    %mul3A_19 = arith.mulf %mul3A_18, %dot_general3A_10 : vector<256x2048xf32>
    %sub3A = vector.broadcast %broadcast_in_dim3A : vector<1x2048xf32> to vector<256x2048xf32>
    %sub3A_20 = arith.subf %mul3A_19, %sub3A : vector<256x2048xf32>
    %swap3A = arith.constant 0 : index
    %swap3A_21 = arith.constant 0 : index
    %swap3A_22 = vector.load %arg6[%swap3A, %swap3A_21] : memref<256x2048xf32, #tpu.memory_space<vmem>>, vector<256x2048xf32>
    tpu.vector_store %arg6[%swap3A, %swap3A_21], %sub3A_20 {strides = array<i32>} : memref<256x2048xf32, #tpu.memory_space<vmem>>, vector<256x2048xf32>,
    %broadcast_in_dim3A_23 = arith.constant 0.000000e+00 : f32
    %broadcast_in_dim3A_24 = vector.broadcast %broadcast_in_dim3A_23 : f32 to vector<256x20xf32>
    %swap3A_25 = arith.constant 0 : index
    %swap3A_26 = arith.constant 0 : index
    %swap3A_27 = vector.load %arg7[%swap3A_25, %swap3A_26] : memref<256x20xf32, #tpu.memory_space<vmem>>, vector<256x20xf32>
    tpu.vector_store %arg7[%swap3A_25, %swap3A_26], %broadcast_in_dim3A_24 {strides = array<i32>} : memref<256x20xf32, #tpu.memory_space<vmem>>, vector<256x20xf32>,
    %iota3A = tpu.iota {dimensions = array<i32: 1>} : vector<256x2048xi32>
    %convert_element_type3A_28 = arith.sitofp %iota3A : vector<256x2048xi32> to vector<256x2048xf32>
    %iota3A_29 = tpu.iota {dimensions = array<i32: 1>} : vector<1x20xi32>
    %convert_element_type3A_30 = arith.sitofp %iota3A_29 : vector<1x20xi32> to vector<1x20xf32>
    %scan3A = arith.constant 0 : i32
    %scan3A_31 = arith.constant 20 : i32
    %scan3A_32 = arith.addi %scan3A, %scan3A_31 : i32
    %scan3A_33 = arith.constant 1 : i32
    scf.for %scan3A_45 = %scan3A to %scan3A_32 step %scan3A_33  : i32 {
      %get3A_46 = arith.constant 0 : index
      %get3A_47 = arith.constant 0 : index
      %get3A_48 = vector.load %arg6[%get3A_46, %get3A_47] : memref<256x2048xf32, #tpu.memory_space<vmem>>, vector<256x2048xf32>
      %reduce_max3A = arith.constant dense<0xFF800000> : vector<256xf32>
      %reduce_max3A_49 = vector.multi_reduction <maximumf>, %get3A_48, %reduce_max3A [1] : vector<256x2048xf32> to vector<256xf32>
      %broadcast_in_dim3A_50 = vector.shape_cast %reduce_max3A_49 : vector<256xf32> to vector<256x1xf32>
      %eq3A = vector.broadcast %broadcast_in_dim3A_50 : vector<256x1xf32> to vector<256x2048xf32>
      %eq3A_51 = arith.cmpf oeq, %get3A_48, %eq3A : vector<256x2048xf32>
      %jit3A = arith.constant 3.000000e+03 : f32
      %broadcast_in_dim3A_52 = vector.broadcast %jit3A : f32 to vector<256x2048xf32>
      %select_n3A = arith.select %eq3A_51, %convert_element_type3A_28, %broadcast_in_dim3A_52 : vector<256x2048xi1>, vector<256x2048xf32>
      %reduce_min3A = arith.constant dense<0x7F800000> : vector<256xf32>
      %reduce_min3A_53 = vector.multi_reduction <minimumf>, %select_n3A, %reduce_min3A [1] : vector<256x2048xf32> to vector<256xf32>
      %broadcast_in_dim3A_54 = vector.shape_cast %reduce_min3A_53 : vector<256xf32> to vector<256x1xf32>
      %eq3A_55 = vector.broadcast %broadcast_in_dim3A_54 : vector<256x1xf32> to vector<256x2048xf32>
      %eq3A_56 = arith.cmpf oeq, %convert_element_type3A_28, %eq3A_55 : vector<256x2048xf32>
      %jit3A_57 = arith.constant -1.000000e+30 : f32
      %broadcast_in_dim3A_58 = vector.broadcast %jit3A_57 : f32 to vector<256x2048xf32>
      %select_n3A_59 = arith.select %eq3A_56, %broadcast_in_dim3A_58, %get3A_48 : vector<256x2048xi1>, vector<256x2048xf32>
      %swap3A_60 = arith.constant 0 : index
      %swap3A_61 = arith.constant 0 : index
      %swap3A_62 = vector.load %arg6[%swap3A_60, %swap3A_61] : memref<256x2048xf32, #tpu.memory_space<vmem>>, vector<256x2048xf32>
      tpu.vector_store %arg6[%swap3A_60, %swap3A_61], %select_n3A_59 {strides = array<i32>} : memref<256x2048xf32, #tpu.memory_space<vmem>>, vector<256x2048xf32>,
      %get3A_63 = arith.constant 0 : index
      %get3A_64 = arith.constant 0 : index
      %get3A_65 = vector.load %arg7[%get3A_63, %get3A_64] : memref<256x20xf32, #tpu.memory_space<vmem>>, vector<256x20xf32>
      %convert_element_type3A_66 = arith.sitofp %scan3A_45 : i32 to f32
      %eq3A_67 = vector.broadcast %convert_element_type3A_66 : f32 to vector<1x20xf32>
      %eq3A_68 = arith.cmpf oeq, %convert_element_type3A_30, %eq3A_67 : vector<1x20xf32>
      %convert_element_type3A_69 = arith.extui %eq3A_68 : vector<1x20xi1> to vector<1x20xi32>
      %convert_element_type3A_70 = arith.sitofp %convert_element_type3A_69 : vector<1x20xi32> to vector<1x20xf32>
      %mul3A_71 = vector.broadcast %broadcast_in_dim3A_54 : vector<256x1xf32> to vector<256x20xf32>
      %mul3A_72 = vector.broadcast %convert_element_type3A_70 : vector<1x20xf32> to vector<256x20xf32>
      %mul3A_73 = arith.mulf %mul3A_71, %mul3A_72 : vector<256x20xf32>
      %add3A = arith.addf %get3A_65, %mul3A_73 : vector<256x20xf32>
      %swap3A_74 = arith.constant 0 : index
      %swap3A_75 = arith.constant 0 : index
      %swap3A_76 = vector.load %arg7[%swap3A_74, %swap3A_75] : memref<256x20xf32, #tpu.memory_space<vmem>>, vector<256x20xf32>
      tpu.vector_store %arg7[%swap3A_74, %swap3A_75], %add3A {strides = array<i32>} : memref<256x20xf32, #tpu.memory_space<vmem>>, vector<256x20xf32>,
    }
    %scan3A_34 = arith.constant 20 : i32
    %get3A_35 = arith.constant 0 : index
    %get3A_36 = arith.constant 0 : index
    %get3A_37 = vector.load %arg7[%get3A_35, %get3A_36] : memref<256x20xf32, #tpu.memory_space<vmem>>, vector<256x20xf32>
    %convert_element_type3A_38 = arith.fptosi %get3A_37 : vector<256x20xf32> to vector<256x20xi32>
    %swap3A_39 = arith.constant 0 : index
    %swap3A_40 = arith.constant 0 : index
    %swap3A_41 = arith.constant 0 : index
    %swap3A_42 = vector.load %arg5[%swap3A_39, %swap3A_40, %swap3A_41] : memref<1x256x20xi32, #tpu.memory_space<vmem>>, vector<1x256x20xi32>
    %swap3A_43 = vector.shape_cast %swap3A_42 : vector<1x256x20xi32> to vector<256x20xi32>
    %swap3A_44 = vector.shape_cast %convert_element_type3A_38 : vector<256x20xi32> to vector<1x256x20xi32>
    tpu.vector_store %arg5[%swap3A_39, %swap3A_40, %swap3A_41], %swap3A_44 {strides = array<i32>} : memref<1x256x20xi32, #tpu.memory_space<vmem>>, vector<1x256x20xi32>,
    return
  }
  func.func @transform_0(%arg0: i32, %arg1: i32) -> (i32, i32, i32) {
    %c0_i32 = arith.constant 0 : i32
    %c0_i32_0 = arith.constant 0 : i32
    return %arg0, %arg1, %c0_i32 : i32, i32, i32
  }
  func.func @transform_1(%arg0: i32, %arg1: i32) -> (i32, i32, i32) {
    %c0_i32 = arith.constant 0 : i32
    %c0_i32_0 = arith.constant 0 : i32
    %c0_i32_1 = arith.constant 0 : i32
    return %arg0, %c0_i32, %c0_i32_0 : i32, i32, i32
  }
  func.func @transform_2(%arg0: i32, %arg1: i32) -> (i32, i32, i32) {
    %c0_i32 = arith.constant 0 : i32
    %c0_i32_0 = arith.constant 0 : i32
    %c0_i32_1 = arith.constant 0 : i32
    return %arg0, %c0_i32, %c0_i32_0 : i32, i32, i32
  }
  func.func @transform_3(%arg0: i32, %arg1: i32) -> (i32, i32, i32) {
    %c0_i32 = arith.constant 0 : i32
    %c0_i32_0 = arith.constant 0 : i32
    return %arg0, %arg1, %c0_i32 : i32, i32, i32
  }
}

module attributes {stable_mosaic.version = 14 : i64} {
  func.func @_block_main_body(%arg0: i32, %arg1: memref<20x256x128xf32, #tpu.memory_space<vmem>>, %arg2: memref<256x6xf32, #tpu.memory_space<vmem>>, %arg3: memref<12x64xf32, #tpu.memory_space<vmem>>, %arg4: memref<8x64xf32, #tpu.memory_space<vmem>>, %arg5: memref<1x64xf32, #tpu.memory_space<vmem>>, %arg6: memref<1x64xf32, #tpu.memory_space<vmem>>, %arg7: memref<64x64xf32, #tpu.memory_space<vmem>>, %arg8: memref<256x64xf32, #tpu.memory_space<vmem>>) attributes {dimension_semantics = [#tpu.dimension_semantics<arbitrary>], iteration_bounds = array<i64: 64>, scalar_prefetch = 0 : i64, scratch_operands = 0 : i64, tpu.core_type = #tpu.core_type<tc>, window_params = [{transform_indices = @transform_0, window_bounds = array<i64: 20, 256, 128>}, {transform_indices = @transform_1, window_bounds = array<i64: 256, 6>}, {pipeline_mode = #tpu.pipeline_mode<synchronous>, transform_indices = @transform_2, window_bounds = array<i64: 12, 64>}, {pipeline_mode = #tpu.pipeline_mode<synchronous>, transform_indices = @transform_3, window_bounds = array<i64: 8, 64>}, {pipeline_mode = #tpu.pipeline_mode<synchronous>, transform_indices = @transform_4, window_bounds = array<i64: 1, 64>}, {pipeline_mode = #tpu.pipeline_mode<synchronous>, transform_indices = @transform_5, window_bounds = array<i64: 1, 64>}, {pipeline_mode = #tpu.pipeline_mode<synchronous>, transform_indices = @transform_6, window_bounds = array<i64: 64, 64>}, {transform_indices = @transform_7, window_bounds = array<i64: 256, 64>}]} {
    %get3A = arith.constant 0 : index
    %get3A_0 = arith.constant 0 : index
    %get3A_1 = arith.constant 0 : index
    %get3A_2 = vector.load %arg1[%get3A, %get3A_0, %get3A_1] : memref<20x256x128xf32, #tpu.memory_space<vmem>>, vector<20x256x128xf32>
    %slice3A = vector.extract_strided_slice %get3A_2 {offsets = [0, 0, 0], sizes = [20, 256, 6], strides = [1, 1, 1]} : vector<20x256x128xf32> to vector<20x256x6xf32>
    %get3A_3 = arith.constant 0 : index
    %get3A_4 = arith.constant 0 : index
    %get3A_5 = vector.load %arg2[%get3A_3, %get3A_4] : memref<256x6xf32, #tpu.memory_space<vmem>>, vector<256x6xf32>
    %broadcast_in_dim3A = vector.shape_cast %get3A_5 : vector<256x6xf32> to vector<1x256x6xf32>
    %broadcast_in_dim3A_6 = vector.shape_cast %broadcast_in_dim3A : vector<1x256x6xf32> to vector<1x256x6xf32>
    %broadcast_in_dim3A_7 = vector.broadcast %broadcast_in_dim3A_6 : vector<1x256x6xf32> to vector<20x256x6xf32>
    %sub3A = arith.subf %slice3A, %broadcast_in_dim3A_7 : vector<20x256x6xf32>
    %broadcast_in_dim3A_8 = vector.shape_cast %broadcast_in_dim3A : vector<1x256x6xf32> to vector<1x256x6xf32>
    %broadcast_in_dim3A_9 = vector.broadcast %broadcast_in_dim3A_8 : vector<1x256x6xf32> to vector<20x256x6xf32>
    %concatenate3A = tpu.concatenate %sub3A, %broadcast_in_dim3A_9 in 2 : vector<20x256x6xf32>, vector<20x256x6xf32> -> vector<20x256x12xf32>
    %reshape3A = vector.shape_cast %concatenate3A : vector<20x256x12xf32> to vector<5120x12xf32>
    %get3A_10 = arith.constant 0 : index
    %get3A_11 = arith.constant 0 : index
    %get3A_12 = vector.load %arg3[%get3A_10, %get3A_11] : memref<12x64xf32, #tpu.memory_space<vmem>>, vector<12x64xf32>
    %convert_element_type3A = arith.truncf %reshape3A : vector<5120x12xf32> to vector<5120x12xbf16>
    %convert_element_type3A_13 = arith.truncf %get3A_12 : vector<12x64xf32> to vector<12x64xbf16>
    %dot_general3A = arith.constant dense<0.000000e+00> : vector<5120x64xf32>
    %dot_general3A_14 = tpu.matmul %convert_element_type3A, %convert_element_type3A_13, %dot_general3A {dimension_numbers = #tpu.dot_dimension_numbers<[1], [0], [0], [1], [0, 0, 1, 1], [], []>, transpose_lhs_hint = false} : vector<5120x12xbf16>, vector<12x64xbf16>, vector<5120x64xf32> -> vector<5120x64xf32>
    %get3A_15 = arith.constant 0 : index
    %get3A_16 = arith.constant 0 : index
    %get3A_17 = vector.load %arg4[%get3A_15, %get3A_16] : memref<8x64xf32, #tpu.memory_space<vmem>>, vector<1x64xf32>
    %get3A_18 = arith.constant 1 : index
    %get3A_19 = arith.constant 0 : index
    %get3A_20 = vector.load %arg4[%get3A_18, %get3A_19] : memref<8x64xf32, #tpu.memory_space<vmem>>, vector<1x64xf32>
    %add3A = arith.constant 9.99999974E-6 : f32
    %add3A_21 = vector.broadcast %add3A : f32 to vector<1x64xf32>
    %add3A_22 = arith.addf %get3A_20, %add3A_21 : vector<1x64xf32>
    %sqrt3A = math.sqrt %add3A_22 : vector<1x64xf32>
    %sub3A_23 = vector.broadcast %get3A_17 : vector<1x64xf32> to vector<5120x64xf32>
    %sub3A_24 = arith.subf %dot_general3A_14, %sub3A_23 : vector<5120x64xf32>
    %div3A = vector.broadcast %sqrt3A : vector<1x64xf32> to vector<5120x64xf32>
    %div3A_25 = arith.divf %sub3A_24, %div3A : vector<5120x64xf32>
    %get3A_26 = arith.constant 0 : index
    %get3A_27 = arith.constant 0 : index
    %get3A_28 = vector.load %arg5[%get3A_26, %get3A_27] : memref<1x64xf32, #tpu.memory_space<vmem>>, vector<1x64xf32>
    %mul3A = vector.broadcast %get3A_28 : vector<1x64xf32> to vector<5120x64xf32>
    %mul3A_29 = arith.mulf %div3A_25, %mul3A : vector<5120x64xf32>
    %get3A_30 = arith.constant 0 : index
    %get3A_31 = arith.constant 0 : index
    %get3A_32 = vector.load %arg6[%get3A_30, %get3A_31] : memref<1x64xf32, #tpu.memory_space<vmem>>, vector<1x64xf32>
    %add3A_33 = vector.broadcast %get3A_32 : vector<1x64xf32> to vector<5120x64xf32>
    %add3A_34 = arith.addf %mul3A_29, %add3A_33 : vector<5120x64xf32>
    %mul3A_35 = arith.constant 2.000000e-01 : f32
    %mul3A_36 = vector.broadcast %mul3A_35 : f32 to vector<5120x64xf32>
    %mul3A_37 = arith.mulf %mul3A_36, %add3A_34 : vector<5120x64xf32>
    %max3A = arith.maximumf %add3A_34, %mul3A_37 : vector<5120x64xf32>
    %get3A_38 = arith.constant 0 : index
    %get3A_39 = arith.constant 0 : index
    %get3A_40 = vector.load %arg7[%get3A_38, %get3A_39] : memref<64x64xf32, #tpu.memory_space<vmem>>, vector<64x64xf32>
    %convert_element_type3A_41 = arith.truncf %max3A : vector<5120x64xf32> to vector<5120x64xbf16>
    %convert_element_type3A_42 = arith.truncf %get3A_40 : vector<64x64xf32> to vector<64x64xbf16>
    %dot_general3A_43 = arith.constant dense<0.000000e+00> : vector<5120x64xf32>
    %dot_general3A_44 = tpu.matmul %convert_element_type3A_41, %convert_element_type3A_42, %dot_general3A_43 {dimension_numbers = #tpu.dot_dimension_numbers<[1], [0], [0], [1], [0, 0, 1, 1], [], []>, transpose_lhs_hint = false} : vector<5120x64xbf16>, vector<64x64xbf16>, vector<5120x64xf32> -> vector<5120x64xf32>
    %reshape3A_45 = vector.shape_cast %dot_general3A_44 : vector<5120x64xf32> to vector<20x256x64xf32>
    %reduce_max3A = arith.constant dense<0xFF800000> : vector<256x64xf32>
    %reduce_max3A_46 = vector.multi_reduction <maximumf>, %reshape3A_45, %reduce_max3A [0] : vector<20x256x64xf32> to vector<256x64xf32>
    %swap3A = arith.constant 0 : index
    %swap3A_47 = arith.constant 0 : index
    %swap3A_48 = vector.load %arg8[%swap3A, %swap3A_47] : memref<256x64xf32, #tpu.memory_space<vmem>>, vector<256x64xf32>
    tpu.vector_store %arg8[%swap3A, %swap3A_47], %reduce_max3A_46 {strides = array<i32>} : memref<256x64xf32, #tpu.memory_space<vmem>>, vector<256x64xf32>,
    return
  }
  func.func @transform_0(%arg0: i32) -> (i32, i32, i32) {
    %c0_i32 = arith.constant 0 : i32
    %c0_i32_0 = arith.constant 0 : i32
    %c0_i32_1 = arith.constant 0 : i32
    return %c0_i32, %arg0, %c0_i32_0 : i32, i32, i32
  }
  func.func @transform_1(%arg0: i32) -> (i32, i32) {
    %c0_i32 = arith.constant 0 : i32
    %c0_i32_0 = arith.constant 0 : i32
    return %arg0, %c0_i32 : i32, i32
  }
  func.func @transform_2(%arg0: i32) -> (i32, i32) {
    %c0_i32 = arith.constant 0 : i32
    %c0_i32_0 = arith.constant 0 : i32
    %c0_i32_1 = arith.constant 0 : i32
    return %c0_i32, %c0_i32_0 : i32, i32
  }
  func.func @transform_3(%arg0: i32) -> (i32, i32) {
    %c0_i32 = arith.constant 0 : i32
    %c0_i32_0 = arith.constant 0 : i32
    %c0_i32_1 = arith.constant 0 : i32
    return %c0_i32, %c0_i32_0 : i32, i32
  }
  func.func @transform_4(%arg0: i32) -> (i32, i32) {
    %c0_i32 = arith.constant 0 : i32
    %c0_i32_0 = arith.constant 0 : i32
    %c0_i32_1 = arith.constant 0 : i32
    return %c0_i32, %c0_i32_0 : i32, i32
  }
  func.func @transform_5(%arg0: i32) -> (i32, i32) {
    %c0_i32 = arith.constant 0 : i32
    %c0_i32_0 = arith.constant 0 : i32
    %c0_i32_1 = arith.constant 0 : i32
    return %c0_i32, %c0_i32_0 : i32, i32
  }
  func.func @transform_6(%arg0: i32) -> (i32, i32) {
    %c0_i32 = arith.constant 0 : i32
    %c0_i32_0 = arith.constant 0 : i32
    %c0_i32_1 = arith.constant 0 : i32
    return %c0_i32, %c0_i32_0 : i32, i32
  }
  func.func @transform_7(%arg0: i32) -> (i32, i32) {
    %c0_i32 = arith.constant 0 : i32
    %c0_i32_0 = arith.constant 0 : i32
    return %arg0, %c0_i32 : i32, i32
  }
}

module attributes {stable_mosaic.version = 14 : i64} {
  func.func @_act_body(%arg0: i32, %arg1: memref<1024x64xf32, #tpu.memory_space<vmem>>, %arg2: memref<8x64xf32, #tpu.memory_space<vmem>>, %arg3: memref<1x64xf32, #tpu.memory_space<vmem>>, %arg4: memref<1x64xf32, #tpu.memory_space<vmem>>, %arg5: memref<1024x64xf32, #tpu.memory_space<vmem>>) attributes {dimension_semantics = [#tpu.dimension_semantics<arbitrary>], iteration_bounds = array<i64: 16>, scalar_prefetch = 0 : i64, scratch_operands = 0 : i64, tpu.core_type = #tpu.core_type<tc>, window_params = [{transform_indices = @transform_0, window_bounds = array<i64: 1024, 64>}, {pipeline_mode = #tpu.pipeline_mode<synchronous>, transform_indices = @transform_1, window_bounds = array<i64: 8, 64>}, {pipeline_mode = #tpu.pipeline_mode<synchronous>, transform_indices = @transform_2, window_bounds = array<i64: 1, 64>}, {pipeline_mode = #tpu.pipeline_mode<synchronous>, transform_indices = @transform_3, window_bounds = array<i64: 1, 64>}, {transform_indices = @transform_4, window_bounds = array<i64: 1024, 64>}]} {
    %get3A = arith.constant 0 : index
    %get3A_0 = arith.constant 0 : index
    %get3A_1 = vector.load %arg1[%get3A, %get3A_0] : memref<1024x64xf32, #tpu.memory_space<vmem>>, vector<1024x64xf32>
    %get3A_2 = arith.constant 0 : index
    %get3A_3 = arith.constant 0 : index
    %get3A_4 = vector.load %arg2[%get3A_2, %get3A_3] : memref<8x64xf32, #tpu.memory_space<vmem>>, vector<1x64xf32>
    %get3A_5 = arith.constant 1 : index
    %get3A_6 = arith.constant 0 : index
    %get3A_7 = vector.load %arg2[%get3A_5, %get3A_6] : memref<8x64xf32, #tpu.memory_space<vmem>>, vector<1x64xf32>
    %add3A = arith.constant 9.99999974E-6 : f32
    %add3A_8 = vector.broadcast %add3A : f32 to vector<1x64xf32>
    %add3A_9 = arith.addf %get3A_7, %add3A_8 : vector<1x64xf32>
    %sqrt3A = math.sqrt %add3A_9 : vector<1x64xf32>
    %sub3A = vector.broadcast %get3A_4 : vector<1x64xf32> to vector<1024x64xf32>
    %sub3A_10 = arith.subf %get3A_1, %sub3A : vector<1024x64xf32>
    %div3A = vector.broadcast %sqrt3A : vector<1x64xf32> to vector<1024x64xf32>
    %div3A_11 = arith.divf %sub3A_10, %div3A : vector<1024x64xf32>
    %get3A_12 = arith.constant 0 : index
    %get3A_13 = arith.constant 0 : index
    %get3A_14 = vector.load %arg3[%get3A_12, %get3A_13] : memref<1x64xf32, #tpu.memory_space<vmem>>, vector<1x64xf32>
    %mul3A = vector.broadcast %get3A_14 : vector<1x64xf32> to vector<1024x64xf32>
    %mul3A_15 = arith.mulf %div3A_11, %mul3A : vector<1024x64xf32>
    %get3A_16 = arith.constant 0 : index
    %get3A_17 = arith.constant 0 : index
    %get3A_18 = vector.load %arg4[%get3A_16, %get3A_17] : memref<1x64xf32, #tpu.memory_space<vmem>>, vector<1x64xf32>
    %add3A_19 = vector.broadcast %get3A_18 : vector<1x64xf32> to vector<1024x64xf32>
    %add3A_20 = arith.addf %mul3A_15, %add3A_19 : vector<1024x64xf32>
    %mul3A_21 = arith.constant 2.000000e-01 : f32
    %mul3A_22 = vector.broadcast %mul3A_21 : f32 to vector<1024x64xf32>
    %mul3A_23 = arith.mulf %mul3A_22, %add3A_20 : vector<1024x64xf32>
    %max3A = arith.maximumf %add3A_20, %mul3A_23 : vector<1024x64xf32>
    %swap3A = arith.constant 0 : index
    %swap3A_24 = arith.constant 0 : index
    %swap3A_25 = vector.load %arg5[%swap3A, %swap3A_24] : memref<1024x64xf32, #tpu.memory_space<vmem>>, vector<1024x64xf32>
    tpu.vector_store %arg5[%swap3A, %swap3A_24], %max3A {strides = array<i32>} : memref<1024x64xf32, #tpu.memory_space<vmem>>, vector<1024x64xf32>,
    return
  }
  func.func @transform_0(%arg0: i32) -> (i32, i32) {
    %c0_i32 = arith.constant 0 : i32
    %c0_i32_0 = arith.constant 0 : i32
    return %arg0, %c0_i32 : i32, i32
  }
  func.func @transform_1(%arg0: i32) -> (i32, i32) {
    %c0_i32 = arith.constant 0 : i32
    %c0_i32_0 = arith.constant 0 : i32
    %c0_i32_1 = arith.constant 0 : i32
    return %c0_i32, %c0_i32_0 : i32, i32
  }
  func.func @transform_2(%arg0: i32) -> (i32, i32) {
    %c0_i32 = arith.constant 0 : i32
    %c0_i32_0 = arith.constant 0 : i32
    %c0_i32_1 = arith.constant 0 : i32
    return %c0_i32, %c0_i32_0 : i32, i32
  }
  func.func @transform_3(%arg0: i32) -> (i32, i32) {
    %c0_i32 = arith.constant 0 : i32
    %c0_i32_0 = arith.constant 0 : i32
    %c0_i32_1 = arith.constant 0 : i32
    return %c0_i32, %c0_i32_0 : i32, i32
  }
  func.func @transform_4(%arg0: i32) -> (i32, i32) {
    %c0_i32 = arith.constant 0 : i32
    %c0_i32_0 = arith.constant 0 : i32
    return %arg0, %c0_i32 : i32, i32
  }
}

module attributes {stable_mosaic.version = 14 : i64} {
  func.func @_knn_body(%arg0: i32, %arg1: i32, %arg2: memref<1x256x64xf32, #tpu.memory_space<vmem>>, %arg3: memref<1x2048x64xf32, #tpu.memory_space<vmem>>, %arg4: memref<1x64x2048xf32, #tpu.memory_space<vmem>>, %arg5: memref<1x256x20xi32, #tpu.memory_space<vmem>>, %arg6: memref<256x2048xf32, #tpu.memory_space<vmem>>, %arg7: memref<256x20xf32, #tpu.memory_space<vmem>>) attributes {dimension_semantics = [#tpu.dimension_semantics<arbitrary>, #tpu.dimension_semantics<arbitrary>], iteration_bounds = array<i64: 8, 8>, scalar_prefetch = 0 : i64, scratch_operands = 2 : i64, tpu.core_type = #tpu.core_type<tc>, window_params = [{transform_indices = @transform_0, window_bounds = array<i64: 1, 256, 64>}, {transform_indices = @transform_1, window_bounds = array<i64: 1, 2048, 64>}, {transform_indices = @transform_2, window_bounds = array<i64: 1, 64, 2048>}, {transform_indices = @transform_3, window_bounds = array<i64: 1, 256, 20>}]} {
    %get3A = arith.constant 0 : index
    %get3A_0 = arith.constant 0 : index
    %get3A_1 = arith.constant 0 : index
    %get3A_2 = vector.load %arg2[%get3A, %get3A_0, %get3A_1] : memref<1x256x64xf32, #tpu.memory_space<vmem>>, vector<1x256x64xf32>
    %get3A_3 = vector.shape_cast %get3A_2 : vector<1x256x64xf32> to vector<256x64xf32>
    %get3A_4 = arith.constant 0 : index
    %get3A_5 = arith.constant 0 : index
    %get3A_6 = arith.constant 0 : index
    %get3A_7 = vector.load %arg4[%get3A_4, %get3A_5, %get3A_6] : memref<1x64x2048xf32, #tpu.memory_space<vmem>>, vector<1x64x2048xf32>
    %get3A_8 = vector.shape_cast %get3A_7 : vector<1x64x2048xf32> to vector<64x2048xf32>
    %convert_element_type3A = arith.truncf %get3A_3 : vector<256x64xf32> to vector<256x64xbf16>
    %convert_element_type3A_9 = arith.truncf %get3A_8 : vector<64x2048xf32> to vector<64x2048xbf16>
    %dot_general3A = arith.constant dense<0.000000e+00> : vector<256x2048xf32>
    %dot_general3A_10 = tpu.matmul %convert_element_type3A, %convert_element_type3A_9, %dot_general3A {dimension_numbers = #tpu.dot_dimension_numbers<[1], [0], [0], [1], [0, 0, 1, 1], [], []>, transpose_lhs_hint = false} : vector<256x64xbf16>, vector<64x2048xbf16>, vector<256x2048xf32> -> vector<256x2048xf32>
    %get3A_11 = arith.constant 0 : index
    %get3A_12 = arith.constant 0 : index
    %get3A_13 = arith.constant 0 : index
    %get3A_14 = vector.load %arg4[%get3A_11, %get3A_12, %get3A_13] : memref<1x64x2048xf32, #tpu.memory_space<vmem>>, vector<1x64x2048xf32>
    %get3A_15 = vector.shape_cast %get3A_14 : vector<1x64x2048xf32> to vector<64x2048xf32>
    %mul3A = arith.mulf %get3A_15, %get3A_15 : vector<64x2048xf32>
    %reduce_sum3A = arith.constant dense<0.000000e+00> : vector<2048xf32>
    %reduce_sum3A_16 = vector.multi_reduction <add>, %mul3A, %reduce_sum3A [0] : vector<64x2048xf32> to vector<2048xf32>
    %broadcast_in_dim3A = vector.shape_cast %reduce_sum3A_16 : vector<2048xf32> to vector<1x2048xf32>
    %mul3A_17 = arith.constant 2.000000e+00 : f32
    %mul3A_18 = vector.broadcast %mul3A_17 : f32 to vector<256x2048xf32>
    %mul3A_19 = arith.mulf %mul3A_18, %dot_general3A_10 : vector<256x2048xf32>
    %sub3A = vector.broadcast %broadcast_in_dim3A : vector<1x2048xf32> to vector<256x2048xf32>
    %sub3A_20 = arith.subf %mul3A_19, %sub3A : vector<256x2048xf32>
    %swap3A = arith.constant 0 : index
    %swap3A_21 = arith.constant 0 : index
    %swap3A_22 = vector.load %arg6[%swap3A, %swap3A_21] : memref<256x2048xf32, #tpu.memory_space<vmem>>, vector<256x2048xf32>
    tpu.vector_store %arg6[%swap3A, %swap3A_21], %sub3A_20 {strides = array<i32>} : memref<256x2048xf32, #tpu.memory_space<vmem>>, vector<256x2048xf32>,
    %broadcast_in_dim3A_23 = arith.constant 0.000000e+00 : f32
    %broadcast_in_dim3A_24 = vector.broadcast %broadcast_in_dim3A_23 : f32 to vector<256x20xf32>
    %swap3A_25 = arith.constant 0 : index
    %swap3A_26 = arith.constant 0 : index
    %swap3A_27 = vector.load %arg7[%swap3A_25, %swap3A_26] : memref<256x20xf32, #tpu.memory_space<vmem>>, vector<256x20xf32>
    tpu.vector_store %arg7[%swap3A_25, %swap3A_26], %broadcast_in_dim3A_24 {strides = array<i32>} : memref<256x20xf32, #tpu.memory_space<vmem>>, vector<256x20xf32>,
    %iota3A = tpu.iota {dimensions = array<i32: 1>} : vector<256x2048xi32>
    %convert_element_type3A_28 = arith.sitofp %iota3A : vector<256x2048xi32> to vector<256x2048xf32>
    %iota3A_29 = tpu.iota {dimensions = array<i32: 1>} : vector<1x20xi32>
    %convert_element_type3A_30 = arith.sitofp %iota3A_29 : vector<1x20xi32> to vector<1x20xf32>
    %scan3A = arith.constant 0 : i32
    %scan3A_31 = arith.constant 20 : i32
    %scan3A_32 = arith.addi %scan3A, %scan3A_31 : i32
    %scan3A_33 = arith.constant 1 : i32
    scf.for %scan3A_45 = %scan3A to %scan3A_32 step %scan3A_33  : i32 {
      %get3A_46 = arith.constant 0 : index
      %get3A_47 = arith.constant 0 : index
      %get3A_48 = vector.load %arg6[%get3A_46, %get3A_47] : memref<256x2048xf32, #tpu.memory_space<vmem>>, vector<256x2048xf32>
      %reduce_max3A = arith.constant dense<0xFF800000> : vector<256xf32>
      %reduce_max3A_49 = vector.multi_reduction <maximumf>, %get3A_48, %reduce_max3A [1] : vector<256x2048xf32> to vector<256xf32>
      %broadcast_in_dim3A_50 = vector.shape_cast %reduce_max3A_49 : vector<256xf32> to vector<256x1xf32>
      %eq3A = vector.broadcast %broadcast_in_dim3A_50 : vector<256x1xf32> to vector<256x2048xf32>
      %eq3A_51 = arith.cmpf oeq, %get3A_48, %eq3A : vector<256x2048xf32>
      %jit3A = arith.constant 3.000000e+03 : f32
      %broadcast_in_dim3A_52 = vector.broadcast %jit3A : f32 to vector<256x2048xf32>
      %select_n3A = arith.select %eq3A_51, %convert_element_type3A_28, %broadcast_in_dim3A_52 : vector<256x2048xi1>, vector<256x2048xf32>
      %reduce_min3A = arith.constant dense<0x7F800000> : vector<256xf32>
      %reduce_min3A_53 = vector.multi_reduction <minimumf>, %select_n3A, %reduce_min3A [1] : vector<256x2048xf32> to vector<256xf32>
      %broadcast_in_dim3A_54 = vector.shape_cast %reduce_min3A_53 : vector<256xf32> to vector<256x1xf32>
      %eq3A_55 = vector.broadcast %broadcast_in_dim3A_54 : vector<256x1xf32> to vector<256x2048xf32>
      %eq3A_56 = arith.cmpf oeq, %convert_element_type3A_28, %eq3A_55 : vector<256x2048xf32>
      %jit3A_57 = arith.constant -1.000000e+30 : f32
      %broadcast_in_dim3A_58 = vector.broadcast %jit3A_57 : f32 to vector<256x2048xf32>
      %select_n3A_59 = arith.select %eq3A_56, %broadcast_in_dim3A_58, %get3A_48 : vector<256x2048xi1>, vector<256x2048xf32>
      %swap3A_60 = arith.constant 0 : index
      %swap3A_61 = arith.constant 0 : index
      %swap3A_62 = vector.load %arg6[%swap3A_60, %swap3A_61] : memref<256x2048xf32, #tpu.memory_space<vmem>>, vector<256x2048xf32>
      tpu.vector_store %arg6[%swap3A_60, %swap3A_61], %select_n3A_59 {strides = array<i32>} : memref<256x2048xf32, #tpu.memory_space<vmem>>, vector<256x2048xf32>,
      %get3A_63 = arith.constant 0 : index
      %get3A_64 = arith.constant 0 : index
      %get3A_65 = vector.load %arg7[%get3A_63, %get3A_64] : memref<256x20xf32, #tpu.memory_space<vmem>>, vector<256x20xf32>
      %convert_element_type3A_66 = arith.sitofp %scan3A_45 : i32 to f32
      %eq3A_67 = vector.broadcast %convert_element_type3A_66 : f32 to vector<1x20xf32>
      %eq3A_68 = arith.cmpf oeq, %convert_element_type3A_30, %eq3A_67 : vector<1x20xf32>
      %convert_element_type3A_69 = arith.extui %eq3A_68 : vector<1x20xi1> to vector<1x20xi32>
      %convert_element_type3A_70 = arith.sitofp %convert_element_type3A_69 : vector<1x20xi32> to vector<1x20xf32>
      %mul3A_71 = vector.broadcast %broadcast_in_dim3A_54 : vector<256x1xf32> to vector<256x20xf32>
      %mul3A_72 = vector.broadcast %convert_element_type3A_70 : vector<1x20xf32> to vector<256x20xf32>
      %mul3A_73 = arith.mulf %mul3A_71, %mul3A_72 : vector<256x20xf32>
      %add3A = arith.addf %get3A_65, %mul3A_73 : vector<256x20xf32>
      %swap3A_74 = arith.constant 0 : index
      %swap3A_75 = arith.constant 0 : index
      %swap3A_76 = vector.load %arg7[%swap3A_74, %swap3A_75] : memref<256x20xf32, #tpu.memory_space<vmem>>, vector<256x20xf32>
      tpu.vector_store %arg7[%swap3A_74, %swap3A_75], %add3A {strides = array<i32>} : memref<256x20xf32, #tpu.memory_space<vmem>>, vector<256x20xf32>,
    }
    %scan3A_34 = arith.constant 20 : i32
    %get3A_35 = arith.constant 0 : index
    %get3A_36 = arith.constant 0 : index
    %get3A_37 = vector.load %arg7[%get3A_35, %get3A_36] : memref<256x20xf32, #tpu.memory_space<vmem>>, vector<256x20xf32>
    %convert_element_type3A_38 = arith.fptosi %get3A_37 : vector<256x20xf32> to vector<256x20xi32>
    %swap3A_39 = arith.constant 0 : index
    %swap3A_40 = arith.constant 0 : index
    %swap3A_41 = arith.constant 0 : index
    %swap3A_42 = vector.load %arg5[%swap3A_39, %swap3A_40, %swap3A_41] : memref<1x256x20xi32, #tpu.memory_space<vmem>>, vector<1x256x20xi32>
    %swap3A_43 = vector.shape_cast %swap3A_42 : vector<1x256x20xi32> to vector<256x20xi32>
    %swap3A_44 = vector.shape_cast %convert_element_type3A_38 : vector<256x20xi32> to vector<1x256x20xi32>
    tpu.vector_store %arg5[%swap3A_39, %swap3A_40, %swap3A_41], %swap3A_44 {strides = array<i32>} : memref<1x256x20xi32, #tpu.memory_space<vmem>>, vector<1x256x20xi32>,
    return
  }
  func.func @transform_0(%arg0: i32, %arg1: i32) -> (i32, i32, i32) {
    %c0_i32 = arith.constant 0 : i32
    %c0_i32_0 = arith.constant 0 : i32
    return %arg0, %arg1, %c0_i32 : i32, i32, i32
  }
  func.func @transform_1(%arg0: i32, %arg1: i32) -> (i32, i32, i32) {
    %c0_i32 = arith.constant 0 : i32
    %c0_i32_0 = arith.constant 0 : i32
    %c0_i32_1 = arith.constant 0 : i32
    return %arg0, %c0_i32, %c0_i32_0 : i32, i32, i32
  }
  func.func @transform_2(%arg0: i32, %arg1: i32) -> (i32, i32, i32) {
    %c0_i32 = arith.constant 0 : i32
    %c0_i32_0 = arith.constant 0 : i32
    %c0_i32_1 = arith.constant 0 : i32
    return %arg0, %c0_i32, %c0_i32_0 : i32, i32, i32
  }
  func.func @transform_3(%arg0: i32, %arg1: i32) -> (i32, i32, i32) {
    %c0_i32 = arith.constant 0 : i32
    %c0_i32_0 = arith.constant 0 : i32
    return %arg0, %arg1, %c0_i32 : i32, i32, i32
  }
}

module attributes {stable_mosaic.version = 14 : i64} {
  func.func @_block_main_body(%arg0: i32, %arg1: memref<20x256x128xf32, #tpu.memory_space<vmem>>, %arg2: memref<256x64xf32, #tpu.memory_space<vmem>>, %arg3: memref<128x64xf32, #tpu.memory_space<vmem>>, %arg4: memref<8x64xf32, #tpu.memory_space<vmem>>, %arg5: memref<1x64xf32, #tpu.memory_space<vmem>>, %arg6: memref<1x64xf32, #tpu.memory_space<vmem>>, %arg7: memref<64x64xf32, #tpu.memory_space<vmem>>, %arg8: memref<256x64xf32, #tpu.memory_space<vmem>>) attributes {dimension_semantics = [#tpu.dimension_semantics<arbitrary>], iteration_bounds = array<i64: 64>, scalar_prefetch = 0 : i64, scratch_operands = 0 : i64, tpu.core_type = #tpu.core_type<tc>, window_params = [{transform_indices = @transform_0, window_bounds = array<i64: 20, 256, 128>}, {transform_indices = @transform_1, window_bounds = array<i64: 256, 64>}, {pipeline_mode = #tpu.pipeline_mode<synchronous>, transform_indices = @transform_2, window_bounds = array<i64: 128, 64>}, {pipeline_mode = #tpu.pipeline_mode<synchronous>, transform_indices = @transform_3, window_bounds = array<i64: 8, 64>}, {pipeline_mode = #tpu.pipeline_mode<synchronous>, transform_indices = @transform_4, window_bounds = array<i64: 1, 64>}, {pipeline_mode = #tpu.pipeline_mode<synchronous>, transform_indices = @transform_5, window_bounds = array<i64: 1, 64>}, {pipeline_mode = #tpu.pipeline_mode<synchronous>, transform_indices = @transform_6, window_bounds = array<i64: 64, 64>}, {transform_indices = @transform_7, window_bounds = array<i64: 256, 64>}]} {
    %get3A = arith.constant 0 : index
    %get3A_0 = arith.constant 0 : index
    %get3A_1 = arith.constant 0 : index
    %get3A_2 = vector.load %arg1[%get3A, %get3A_0, %get3A_1] : memref<20x256x128xf32, #tpu.memory_space<vmem>>, vector<20x256x128xf32>
    %slice3A = vector.extract_strided_slice %get3A_2 {offsets = [0, 0, 0], sizes = [20, 256, 64], strides = [1, 1, 1]} : vector<20x256x128xf32> to vector<20x256x64xf32>
    %get3A_3 = arith.constant 0 : index
    %get3A_4 = arith.constant 0 : index
    %get3A_5 = vector.load %arg2[%get3A_3, %get3A_4] : memref<256x64xf32, #tpu.memory_space<vmem>>, vector<256x64xf32>
    %broadcast_in_dim3A = vector.shape_cast %get3A_5 : vector<256x64xf32> to vector<1x256x64xf32>
    %broadcast_in_dim3A_6 = vector.shape_cast %broadcast_in_dim3A : vector<1x256x64xf32> to vector<1x256x64xf32>
    %broadcast_in_dim3A_7 = vector.broadcast %broadcast_in_dim3A_6 : vector<1x256x64xf32> to vector<20x256x64xf32>
    %sub3A = arith.subf %slice3A, %broadcast_in_dim3A_7 : vector<20x256x64xf32>
    %broadcast_in_dim3A_8 = vector.shape_cast %broadcast_in_dim3A : vector<1x256x64xf32> to vector<1x256x64xf32>
    %broadcast_in_dim3A_9 = vector.broadcast %broadcast_in_dim3A_8 : vector<1x256x64xf32> to vector<20x256x64xf32>
    %concatenate3A = tpu.concatenate %sub3A, %broadcast_in_dim3A_9 in 2 : vector<20x256x64xf32>, vector<20x256x64xf32> -> vector<20x256x128xf32>
    %reshape3A = vector.shape_cast %concatenate3A : vector<20x256x128xf32> to vector<5120x128xf32>
    %get3A_10 = arith.constant 0 : index
    %get3A_11 = arith.constant 0 : index
    %get3A_12 = vector.load %arg3[%get3A_10, %get3A_11] : memref<128x64xf32, #tpu.memory_space<vmem>>, vector<128x64xf32>
    %convert_element_type3A = arith.truncf %reshape3A : vector<5120x128xf32> to vector<5120x128xbf16>
    %convert_element_type3A_13 = arith.truncf %get3A_12 : vector<128x64xf32> to vector<128x64xbf16>
    %dot_general3A = arith.constant dense<0.000000e+00> : vector<5120x64xf32>
    %dot_general3A_14 = tpu.matmul %convert_element_type3A, %convert_element_type3A_13, %dot_general3A {dimension_numbers = #tpu.dot_dimension_numbers<[1], [0], [0], [1], [0, 0, 1, 1], [], []>, transpose_lhs_hint = false} : vector<5120x128xbf16>, vector<128x64xbf16>, vector<5120x64xf32> -> vector<5120x64xf32>
    %get3A_15 = arith.constant 0 : index
    %get3A_16 = arith.constant 0 : index
    %get3A_17 = vector.load %arg4[%get3A_15, %get3A_16] : memref<8x64xf32, #tpu.memory_space<vmem>>, vector<1x64xf32>
    %get3A_18 = arith.constant 1 : index
    %get3A_19 = arith.constant 0 : index
    %get3A_20 = vector.load %arg4[%get3A_18, %get3A_19] : memref<8x64xf32, #tpu.memory_space<vmem>>, vector<1x64xf32>
    %add3A = arith.constant 9.99999974E-6 : f32
    %add3A_21 = vector.broadcast %add3A : f32 to vector<1x64xf32>
    %add3A_22 = arith.addf %get3A_20, %add3A_21 : vector<1x64xf32>
    %sqrt3A = math.sqrt %add3A_22 : vector<1x64xf32>
    %sub3A_23 = vector.broadcast %get3A_17 : vector<1x64xf32> to vector<5120x64xf32>
    %sub3A_24 = arith.subf %dot_general3A_14, %sub3A_23 : vector<5120x64xf32>
    %div3A = vector.broadcast %sqrt3A : vector<1x64xf32> to vector<5120x64xf32>
    %div3A_25 = arith.divf %sub3A_24, %div3A : vector<5120x64xf32>
    %get3A_26 = arith.constant 0 : index
    %get3A_27 = arith.constant 0 : index
    %get3A_28 = vector.load %arg5[%get3A_26, %get3A_27] : memref<1x64xf32, #tpu.memory_space<vmem>>, vector<1x64xf32>
    %mul3A = vector.broadcast %get3A_28 : vector<1x64xf32> to vector<5120x64xf32>
    %mul3A_29 = arith.mulf %div3A_25, %mul3A : vector<5120x64xf32>
    %get3A_30 = arith.constant 0 : index
    %get3A_31 = arith.constant 0 : index
    %get3A_32 = vector.load %arg6[%get3A_30, %get3A_31] : memref<1x64xf32, #tpu.memory_space<vmem>>, vector<1x64xf32>
    %add3A_33 = vector.broadcast %get3A_32 : vector<1x64xf32> to vector<5120x64xf32>
    %add3A_34 = arith.addf %mul3A_29, %add3A_33 : vector<5120x64xf32>
    %mul3A_35 = arith.constant 2.000000e-01 : f32
    %mul3A_36 = vector.broadcast %mul3A_35 : f32 to vector<5120x64xf32>
    %mul3A_37 = arith.mulf %mul3A_36, %add3A_34 : vector<5120x64xf32>
    %max3A = arith.maximumf %add3A_34, %mul3A_37 : vector<5120x64xf32>
    %get3A_38 = arith.constant 0 : index
    %get3A_39 = arith.constant 0 : index
    %get3A_40 = vector.load %arg7[%get3A_38, %get3A_39] : memref<64x64xf32, #tpu.memory_space<vmem>>, vector<64x64xf32>
    %convert_element_type3A_41 = arith.truncf %max3A : vector<5120x64xf32> to vector<5120x64xbf16>
    %convert_element_type3A_42 = arith.truncf %get3A_40 : vector<64x64xf32> to vector<64x64xbf16>
    %dot_general3A_43 = arith.constant dense<0.000000e+00> : vector<5120x64xf32>
    %dot_general3A_44 = tpu.matmul %convert_element_type3A_41, %convert_element_type3A_42, %dot_general3A_43 {dimension_numbers = #tpu.dot_dimension_numbers<[1], [0], [0], [1], [0, 0, 1, 1], [], []>, transpose_lhs_hint = false} : vector<5120x64xbf16>, vector<64x64xbf16>, vector<5120x64xf32> -> vector<5120x64xf32>
    %reshape3A_45 = vector.shape_cast %dot_general3A_44 : vector<5120x64xf32> to vector<20x256x64xf32>
    %reduce_max3A = arith.constant dense<0xFF800000> : vector<256x64xf32>
    %reduce_max3A_46 = vector.multi_reduction <maximumf>, %reshape3A_45, %reduce_max3A [0] : vector<20x256x64xf32> to vector<256x64xf32>
    %swap3A = arith.constant 0 : index
    %swap3A_47 = arith.constant 0 : index
    %swap3A_48 = vector.load %arg8[%swap3A, %swap3A_47] : memref<256x64xf32, #tpu.memory_space<vmem>>, vector<256x64xf32>
    tpu.vector_store %arg8[%swap3A, %swap3A_47], %reduce_max3A_46 {strides = array<i32>} : memref<256x64xf32, #tpu.memory_space<vmem>>, vector<256x64xf32>,
    return
  }
  func.func @transform_0(%arg0: i32) -> (i32, i32, i32) {
    %c0_i32 = arith.constant 0 : i32
    %c0_i32_0 = arith.constant 0 : i32
    %c0_i32_1 = arith.constant 0 : i32
    return %c0_i32, %arg0, %c0_i32_0 : i32, i32, i32
  }
  func.func @transform_1(%arg0: i32) -> (i32, i32) {
    %c0_i32 = arith.constant 0 : i32
    %c0_i32_0 = arith.constant 0 : i32
    return %arg0, %c0_i32 : i32, i32
  }
  func.func @transform_2(%arg0: i32) -> (i32, i32) {
    %c0_i32 = arith.constant 0 : i32
    %c0_i32_0 = arith.constant 0 : i32
    %c0_i32_1 = arith.constant 0 : i32
    return %c0_i32, %c0_i32_0 : i32, i32
  }
  func.func @transform_3(%arg0: i32) -> (i32, i32) {
    %c0_i32 = arith.constant 0 : i32
    %c0_i32_0 = arith.constant 0 : i32
    %c0_i32_1 = arith.constant 0 : i32
    return %c0_i32, %c0_i32_0 : i32, i32
  }
  func.func @transform_4(%arg0: i32) -> (i32, i32) {
    %c0_i32 = arith.constant 0 : i32
    %c0_i32_0 = arith.constant 0 : i32
    %c0_i32_1 = arith.constant 0 : i32
    return %c0_i32, %c0_i32_0 : i32, i32
  }
  func.func @transform_5(%arg0: i32) -> (i32, i32) {
    %c0_i32 = arith.constant 0 : i32
    %c0_i32_0 = arith.constant 0 : i32
    %c0_i32_1 = arith.constant 0 : i32
    return %c0_i32, %c0_i32_0 : i32, i32
  }
  func.func @transform_6(%arg0: i32) -> (i32, i32) {
    %c0_i32 = arith.constant 0 : i32
    %c0_i32_0 = arith.constant 0 : i32
    %c0_i32_1 = arith.constant 0 : i32
    return %c0_i32, %c0_i32_0 : i32, i32
  }
  func.func @transform_7(%arg0: i32) -> (i32, i32) {
    %c0_i32 = arith.constant 0 : i32
    %c0_i32_0 = arith.constant 0 : i32
    return %arg0, %c0_i32 : i32, i32
  }
}

module attributes {stable_mosaic.version = 14 : i64} {
  func.func @_block3_body(%arg0: i32, %arg1: memref<20x256x128xf32, #tpu.memory_space<vmem>>, %arg2: memref<256x64xf32, #tpu.memory_space<vmem>>, %arg3: memref<128x64xf32, #tpu.memory_space<vmem>>, %arg4: memref<256x64xf32, #tpu.memory_space<vmem>>, %arg5: memref<8x64xf32, #tpu.memory_space<vmem>>, %arg6: memref<8x64xf32, #tpu.memory_space<vmem>>) attributes {dimension_semantics = [#tpu.dimension_semantics<arbitrary>], iteration_bounds = array<i64: 64>, scalar_prefetch = 0 : i64, scratch_operands = 1 : i64, tpu.core_type = #tpu.core_type<tc>, window_params = [{transform_indices = @transform_0, window_bounds = array<i64: 20, 256, 128>}, {transform_indices = @transform_1, window_bounds = array<i64: 256, 64>}, {pipeline_mode = #tpu.pipeline_mode<synchronous>, transform_indices = @transform_2, window_bounds = array<i64: 128, 64>}, {transform_indices = @transform_3, window_bounds = array<i64: 256, 64>}, {pipeline_mode = #tpu.pipeline_mode<synchronous>, transform_indices = @transform_4, window_bounds = array<i64: 8, 64>}]} {
    %eq3A = arith.constant 0 : i32
    %eq3A_0 = arith.cmpi eq, %arg0, %eq3A : i32
    %convert_element_type3A = arith.extui %eq3A_0 : i1 to i32
    %cond3A = arith.constant 0 : i32
    %cond3A_1 = arith.cmpi ne, %convert_element_type3A, %cond3A : i32
    scf.if %cond3A_1 {
      %broadcast_in_dim3A_45 = arith.constant 0.000000e+00 : f32
      %broadcast_in_dim3A_46 = vector.broadcast %broadcast_in_dim3A_45 : f32 to vector<8x64xf32>
      %swap3A_47 = arith.constant 0 : index
      %swap3A_48 = arith.constant 0 : index
      %swap3A_49 = vector.load %arg6[%swap3A_47, %swap3A_48] : memref<8x64xf32, #tpu.memory_space<vmem>>, vector<8x64xf32>
      tpu.vector_store %arg6[%swap3A_47, %swap3A_48], %broadcast_in_dim3A_46 {strides = array<i32>} : memref<8x64xf32, #tpu.memory_space<vmem>>, vector<8x64xf32>,
    } else {
    }
    %get3A = arith.constant 0 : index
    %get3A_2 = arith.constant 0 : index
    %get3A_3 = arith.constant 0 : index
    %get3A_4 = vector.load %arg1[%get3A, %get3A_2, %get3A_3] : memref<20x256x128xf32, #tpu.memory_space<vmem>>, vector<20x256x128xf32>
    %slice3A = vector.extract_strided_slice %get3A_4 {offsets = [0, 0, 0], sizes = [20, 256, 64], strides = [1, 1, 1]} : vector<20x256x128xf32> to vector<20x256x64xf32>
    %get3A_5 = arith.constant 0 : index
    %get3A_6 = arith.constant 0 : index
    %get3A_7 = vector.load %arg2[%get3A_5, %get3A_6] : memref<256x64xf32, #tpu.memory_space<vmem>>, vector<256x64xf32>
    %broadcast_in_dim3A = vector.shape_cast %get3A_7 : vector<256x64xf32> to vector<1x256x64xf32>
    %broadcast_in_dim3A_8 = vector.shape_cast %broadcast_in_dim3A : vector<1x256x64xf32> to vector<1x256x64xf32>
    %broadcast_in_dim3A_9 = vector.broadcast %broadcast_in_dim3A_8 : vector<1x256x64xf32> to vector<20x256x64xf32>
    %sub3A = arith.subf %slice3A, %broadcast_in_dim3A_9 : vector<20x256x64xf32>
    %broadcast_in_dim3A_10 = vector.shape_cast %broadcast_in_dim3A : vector<1x256x64xf32> to vector<1x256x64xf32>
    %broadcast_in_dim3A_11 = vector.broadcast %broadcast_in_dim3A_10 : vector<1x256x64xf32> to vector<20x256x64xf32>
    %concatenate3A = tpu.concatenate %sub3A, %broadcast_in_dim3A_11 in 2 : vector<20x256x64xf32>, vector<20x256x64xf32> -> vector<20x256x128xf32>
    %reshape3A = vector.shape_cast %concatenate3A : vector<20x256x128xf32> to vector<5120x128xf32>
    %get3A_12 = arith.constant 0 : index
    %get3A_13 = arith.constant 0 : index
    %get3A_14 = vector.load %arg3[%get3A_12, %get3A_13] : memref<128x64xf32, #tpu.memory_space<vmem>>, vector<128x64xf32>
    %convert_element_type3A_15 = arith.truncf %reshape3A : vector<5120x128xf32> to vector<5120x128xbf16>
    %convert_element_type3A_16 = arith.truncf %get3A_14 : vector<128x64xf32> to vector<128x64xbf16>
    %dot_general3A = arith.constant dense<0.000000e+00> : vector<5120x64xf32>
    %dot_general3A_17 = tpu.matmul %convert_element_type3A_15, %convert_element_type3A_16, %dot_general3A {dimension_numbers = #tpu.dot_dimension_numbers<[1], [0], [0], [1], [0, 0, 1, 1], [], []>, transpose_lhs_hint = false} : vector<5120x128xbf16>, vector<128x64xbf16>, vector<5120x64xf32> -> vector<5120x64xf32>
    %get3A_18 = arith.constant 0 : index
    %get3A_19 = arith.constant 0 : index
    %get3A_20 = vector.load %arg6[%get3A_18, %get3A_19] : memref<8x64xf32, #tpu.memory_space<vmem>>, vector<1x64xf32>
    %reduce_sum3A = arith.constant dense<0.000000e+00> : vector<64xf32>
    %reduce_sum3A_21 = vector.multi_reduction <add>, %dot_general3A_17, %reduce_sum3A [0] : vector<5120x64xf32> to vector<64xf32>
    %broadcast_in_dim3A_22 = vector.shape_cast %reduce_sum3A_21 : vector<64xf32> to vector<1x64xf32>
    %add3A = arith.addf %get3A_20, %broadcast_in_dim3A_22 : vector<1x64xf32>
    %swap3A = arith.constant 0 : index
    %swap3A_23 = arith.constant 0 : index
    %swap3A_24 = vector.load %arg6[%swap3A, %swap3A_23] : memref<8x64xf32, #tpu.memory_space<vmem>>, vector<1x64xf32>
    tpu.vector_store %arg6[%swap3A, %swap3A_23], %add3A {strides = array<i32>} : memref<8x64xf32, #tpu.memory_space<vmem>>, vector<1x64xf32>,
    %get3A_25 = arith.constant 1 : index
    %get3A_26 = arith.constant 0 : index
    %get3A_27 = vector.load %arg6[%get3A_25, %get3A_26] : memref<8x64xf32, #tpu.memory_space<vmem>>, vector<1x64xf32>
    %mul3A = arith.mulf %dot_general3A_17, %dot_general3A_17 : vector<5120x64xf32>
    %reduce_sum3A_28 = arith.constant dense<0.000000e+00> : vector<64xf32>
    %reduce_sum3A_29 = vector.multi_reduction <add>, %mul3A, %reduce_sum3A_28 [0] : vector<5120x64xf32> to vector<64xf32>
    %broadcast_in_dim3A_30 = vector.shape_cast %reduce_sum3A_29 : vector<64xf32> to vector<1x64xf32>
    %add3A_31 = arith.addf %get3A_27, %broadcast_in_dim3A_30 : vector<1x64xf32>
    %swap3A_32 = arith.constant 1 : index
    %swap3A_33 = arith.constant 0 : index
    %swap3A_34 = vector.load %arg6[%swap3A_32, %swap3A_33] : memref<8x64xf32, #tpu.memory_space<vmem>>, vector<1x64xf32>
    tpu.vector_store %arg6[%swap3A_32, %swap3A_33], %add3A_31 {strides = array<i32>} : memref<8x64xf32, #tpu.memory_space<vmem>>, vector<1x64xf32>,
    %reshape3A_35 = vector.shape_cast %dot_general3A_17 : vector<5120x64xf32> to vector<20x256x64xf32>
    %reduce_max3A = arith.constant dense<0xFF800000> : vector<256x64xf32>
    %reduce_max3A_36 = vector.multi_reduction <maximumf>, %reshape3A_35, %reduce_max3A [0] : vector<20x256x64xf32> to vector<256x64xf32>
    %swap3A_37 = arith.constant 0 : index
    %swap3A_38 = arith.constant 0 : index
    %swap3A_39 = vector.load %arg4[%swap3A_37, %swap3A_38] : memref<256x64xf32, #tpu.memory_space<vmem>>, vector<256x64xf32>
    tpu.vector_store %arg4[%swap3A_37, %swap3A_38], %reduce_max3A_36 {strides = array<i32>} : memref<256x64xf32, #tpu.memory_space<vmem>>, vector<256x64xf32>,
    %eq3A_40 = arith.constant 63 : i32
    %eq3A_41 = arith.cmpi eq, %arg0, %eq3A_40 : i32
    %convert_element_type3A_42 = arith.extui %eq3A_41 : i1 to i32
    %cond3A_43 = arith.constant 0 : i32
    %cond3A_44 = arith.cmpi ne, %convert_element_type3A_42, %cond3A_43 : i32
    scf.if %cond3A_44 {
      %get3A_45 = arith.constant 0 : index
      %get3A_46 = arith.constant 0 : index
      %get3A_47 = vector.load %arg6[%get3A_45, %get3A_46] : memref<8x64xf32, #tpu.memory_space<vmem>>, vector<8x64xf32>
      %swap3A_48 = arith.constant 0 : index
      %swap3A_49 = arith.constant 0 : index
      %swap3A_50 = vector.load %arg5[%swap3A_48, %swap3A_49] : memref<8x64xf32, #tpu.memory_space<vmem>>, vector<8x64xf32>
      tpu.vector_store %arg5[%swap3A_48, %swap3A_49], %get3A_47 {strides = array<i32>} : memref<8x64xf32, #tpu.memory_space<vmem>>, vector<8x64xf32>,
    } else {
    }
    return
  }
  func.func @transform_0(%arg0: i32) -> (i32, i32, i32) {
    %c0_i32 = arith.constant 0 : i32
    %c0_i32_0 = arith.constant 0 : i32
    %c0_i32_1 = arith.constant 0 : i32
    return %c0_i32, %arg0, %c0_i32_0 : i32, i32, i32
  }
  func.func @transform_1(%arg0: i32) -> (i32, i32) {
    %c0_i32 = arith.constant 0 : i32
    %c0_i32_0 = arith.constant 0 : i32
    return %arg0, %c0_i32 : i32, i32
  }
  func.func @transform_2(%arg0: i32) -> (i32, i32) {
    %c0_i32 = arith.constant 0 : i32
    %c0_i32_0 = arith.constant 0 : i32
    %c0_i32_1 = arith.constant 0 : i32
    return %c0_i32, %c0_i32_0 : i32, i32
  }
  func.func @transform_3(%arg0: i32) -> (i32, i32) {
    %c0_i32 = arith.constant 0 : i32
    %c0_i32_0 = arith.constant 0 : i32
    return %arg0, %c0_i32 : i32, i32
  }
  func.func @transform_4(%arg0: i32) -> (i32, i32) {
    %c0_i32 = arith.constant 0 : i32
    %c0_i32_0 = arith.constant 0 : i32
    %c0_i32_1 = arith.constant 0 : i32
    return %c0_i32, %c0_i32_0 : i32, i32
  }
}

module attributes {stable_mosaic.version = 14 : i64} {
  func.func @_act_cnt_body(%arg0: i32, %arg1: memref<1024x64xf32, #tpu.memory_space<vmem>>, %arg2: memref<8x64xf32, #tpu.memory_space<vmem>>, %arg3: memref<1x64xf32, #tpu.memory_space<vmem>>, %arg4: memref<1x64xf32, #tpu.memory_space<vmem>>, %arg5: memref<1024x64xf32, #tpu.memory_space<vmem>>) attributes {dimension_semantics = [#tpu.dimension_semantics<arbitrary>], iteration_bounds = array<i64: 16>, scalar_prefetch = 0 : i64, scratch_operands = 0 : i64, tpu.core_type = #tpu.core_type<tc>, window_params = [{transform_indices = @transform_0, window_bounds = array<i64: 1024, 64>}, {pipeline_mode = #tpu.pipeline_mode<synchronous>, transform_indices = @transform_1, window_bounds = array<i64: 8, 64>}, {pipeline_mode = #tpu.pipeline_mode<synchronous>, transform_indices = @transform_2, window_bounds = array<i64: 1, 64>}, {pipeline_mode = #tpu.pipeline_mode<synchronous>, transform_indices = @transform_3, window_bounds = array<i64: 1, 64>}, {transform_indices = @transform_4, window_bounds = array<i64: 1024, 64>}]} {
    %get3A = arith.constant 0 : index
    %get3A_0 = arith.constant 0 : index
    %get3A_1 = vector.load %arg1[%get3A, %get3A_0] : memref<1024x64xf32, #tpu.memory_space<vmem>>, vector<1024x64xf32>
    %get3A_2 = arith.constant 0 : index
    %get3A_3 = arith.constant 0 : index
    %get3A_4 = vector.load %arg2[%get3A_2, %get3A_3] : memref<8x64xf32, #tpu.memory_space<vmem>>, vector<1x64xf32>
    %div3A = arith.constant 3.276800e+05 : f32
    %div3A_5 = vector.broadcast %div3A : f32 to vector<1x64xf32>
    %div3A_6 = arith.divf %get3A_4, %div3A_5 : vector<1x64xf32>
    %get3A_7 = arith.constant 1 : index
    %get3A_8 = arith.constant 0 : index
    %get3A_9 = vector.load %arg2[%get3A_7, %get3A_8] : memref<8x64xf32, #tpu.memory_space<vmem>>, vector<1x64xf32>
    %div3A_10 = arith.constant 3.276800e+05 : f32
    %div3A_11 = vector.broadcast %div3A_10 : f32 to vector<1x64xf32>
    %div3A_12 = arith.divf %get3A_9, %div3A_11 : vector<1x64xf32>
    %mul3A = arith.mulf %div3A_6, %div3A_6 : vector<1x64xf32>
    %sub3A = arith.subf %div3A_12, %mul3A : vector<1x64xf32>
    %add3A = arith.constant 9.99999974E-6 : f32
    %add3A_13 = vector.broadcast %add3A : f32 to vector<1x64xf32>
    %add3A_14 = arith.addf %sub3A, %add3A_13 : vector<1x64xf32>
    %sqrt3A = math.sqrt %add3A_14 : vector<1x64xf32>
    %sub3A_15 = vector.broadcast %div3A_6 : vector<1x64xf32> to vector<1024x64xf32>
    %sub3A_16 = arith.subf %get3A_1, %sub3A_15 : vector<1024x64xf32>
    %div3A_17 = vector.broadcast %sqrt3A : vector<1x64xf32> to vector<1024x64xf32>
    %div3A_18 = arith.divf %sub3A_16, %div3A_17 : vector<1024x64xf32>
    %get3A_19 = arith.constant 0 : index
    %get3A_20 = arith.constant 0 : index
    %get3A_21 = vector.load %arg3[%get3A_19, %get3A_20] : memref<1x64xf32, #tpu.memory_space<vmem>>, vector<1x64xf32>
    %mul3A_22 = vector.broadcast %get3A_21 : vector<1x64xf32> to vector<1024x64xf32>
    %mul3A_23 = arith.mulf %div3A_18, %mul3A_22 : vector<1024x64xf32>
    %get3A_24 = arith.constant 0 : index
    %get3A_25 = arith.constant 0 : index
    %get3A_26 = vector.load %arg4[%get3A_24, %get3A_25] : memref<1x64xf32, #tpu.memory_space<vmem>>, vector<1x64xf32>
    %add3A_27 = vector.broadcast %get3A_26 : vector<1x64xf32> to vector<1024x64xf32>
    %add3A_28 = arith.addf %mul3A_23, %add3A_27 : vector<1024x64xf32>
    %mul3A_29 = arith.constant 2.000000e-01 : f32
    %mul3A_30 = vector.broadcast %mul3A_29 : f32 to vector<1024x64xf32>
    %mul3A_31 = arith.mulf %mul3A_30, %add3A_28 : vector<1024x64xf32>
    %max3A = arith.maximumf %add3A_28, %mul3A_31 : vector<1024x64xf32>
    %swap3A = arith.constant 0 : index
    %swap3A_32 = arith.constant 0 : index
    %swap3A_33 = vector.load %arg5[%swap3A, %swap3A_32] : memref<1024x64xf32, #tpu.memory_space<vmem>>, vector<1024x64xf32>
    tpu.vector_store %arg5[%swap3A, %swap3A_32], %max3A {strides = array<i32>} : memref<1024x64xf32, #tpu.memory_space<vmem>>, vector<1024x64xf32>,
    return
  }
  func.func @transform_0(%arg0: i32) -> (i32, i32) {
    %c0_i32 = arith.constant 0 : i32
    %c0_i32_0 = arith.constant 0 : i32
    return %arg0, %c0_i32 : i32, i32
  }
  func.func @transform_1(%arg0: i32) -> (i32, i32) {
    %c0_i32 = arith.constant 0 : i32
    %c0_i32_0 = arith.constant 0 : i32
    %c0_i32_1 = arith.constant 0 : i32
    return %c0_i32, %c0_i32_0 : i32, i32
  }
  func.func @transform_2(%arg0: i32) -> (i32, i32) {
    %c0_i32 = arith.constant 0 : i32
    %c0_i32_0 = arith.constant 0 : i32
    %c0_i32_1 = arith.constant 0 : i32
    return %c0_i32, %c0_i32_0 : i32, i32
  }
  func.func @transform_3(%arg0: i32) -> (i32, i32) {
    %c0_i32 = arith.constant 0 : i32
    %c0_i32_0 = arith.constant 0 : i32
    %c0_i32_1 = arith.constant 0 : i32
    return %c0_i32, %c0_i32_0 : i32, i32
  }
  func.func @transform_4(%arg0: i32) -> (i32, i32) {
    %c0_i32 = arith.constant 0 : i32
    %c0_i32_0 = arith.constant 0 : i32
    return %arg0, %c0_i32 : i32, i32
  }
}

module attributes {stable_mosaic.version = 14 : i64} {
  func.func @_t1_body(%arg0: i32, %arg1: i32, %arg2: memref<512x64xf32, #tpu.memory_space<vmem>>, %arg3: memref<512x64xf32, #tpu.memory_space<vmem>>, %arg4: memref<512x64xf32, #tpu.memory_space<vmem>>, %arg5: memref<192x1024xf32, #tpu.memory_space<vmem>>, %arg6: memref<8x1024xf32, #tpu.memory_space<vmem>>, %arg7: memref<8x1024xf32, #tpu.memory_space<vmem>>, %arg8: memref<8x1024xf32, #tpu.memory_space<vmem>>, %arg9: memref<8x1024xf32, #tpu.memory_space<vmem>>) attributes {dimension_semantics = [#tpu.dimension_semantics<arbitrary>, #tpu.dimension_semantics<arbitrary>], iteration_bounds = array<i64: 8, 4>, scalar_prefetch = 0 : i64, scratch_operands = 2 : i64, tpu.core_type = #tpu.core_type<tc>, window_params = [{transform_indices = @transform_0, window_bounds = array<i64: 512, 64>}, {transform_indices = @transform_1, window_bounds = array<i64: 512, 64>}, {transform_indices = @transform_2, window_bounds = array<i64: 512, 64>}, {pipeline_mode = #tpu.pipeline_mode<synchronous>, transform_indices = @transform_3, window_bounds = array<i64: 192, 1024>}, {pipeline_mode = #tpu.pipeline_mode<synchronous>, transform_indices = @transform_4, window_bounds = array<i64: 8, 1024>}, {pipeline_mode = #tpu.pipeline_mode<synchronous>, transform_indices = @transform_5, window_bounds = array<i64: 8, 1024>}]} {
    %eq3A = arith.constant 0 : i32
    %eq3A_0 = arith.cmpi eq, %arg0, %eq3A : i32
    %eq3A_1 = arith.constant 0 : i32
    %eq3A_2 = arith.cmpi eq, %arg1, %eq3A_1 : i32
    %and3A = arith.andi %eq3A_0, %eq3A_2 : i1
    %convert_element_type3A = arith.extui %and3A : i1 to i32
    %cond3A = arith.constant 0 : i32
    %cond3A_3 = arith.cmpi ne, %convert_element_type3A, %cond3A : i32
    scf.if %cond3A_3 {
      %broadcast_in_dim3A_55 = arith.constant 0.000000e+00 : f32
      %broadcast_in_dim3A_56 = vector.broadcast %broadcast_in_dim3A_55 : f32 to vector<8x1024xf32>
      %swap3A_57 = arith.constant 0 : index
      %swap3A_58 = arith.constant 0 : index
      %swap3A_59 = vector.load %arg8[%swap3A_57, %swap3A_58] : memref<8x1024xf32, #tpu.memory_space<vmem>>, vector<8x1024xf32>
      tpu.vector_store %arg8[%swap3A_57, %swap3A_58], %broadcast_in_dim3A_56 {strides = array<i32>} : memref<8x1024xf32, #tpu.memory_space<vmem>>, vector<8x1024xf32>,
    } else {
    }
    %get3A = arith.constant 0 : index
    %get3A_4 = arith.constant 0 : index
    %get3A_5 = vector.load %arg2[%get3A, %get3A_4] : memref<512x64xf32, #tpu.memory_space<vmem>>, vector<512x64xf32>
    %get3A_6 = arith.constant 0 : index
    %get3A_7 = arith.constant 0 : index
    %get3A_8 = vector.load %arg3[%get3A_6, %get3A_7] : memref<512x64xf32, #tpu.memory_space<vmem>>, vector<512x64xf32>
    %get3A_9 = arith.constant 0 : index
    %get3A_10 = arith.constant 0 : index
    %get3A_11 = vector.load %arg4[%get3A_9, %get3A_10] : memref<512x64xf32, #tpu.memory_space<vmem>>, vector<512x64xf32>
    %concatenate3A = tpu.concatenate %get3A_5, %get3A_8, %get3A_11 in 1 : vector<512x64xf32>, vector<512x64xf32>, vector<512x64xf32> -> vector<512x192xf32>
    %get3A_12 = arith.constant 0 : index
    %get3A_13 = arith.constant 0 : index
    %get3A_14 = vector.load %arg5[%get3A_12, %get3A_13] : memref<192x1024xf32, #tpu.memory_space<vmem>>, vector<192x1024xf32>
    %convert_element_type3A_15 = arith.truncf %concatenate3A : vector<512x192xf32> to vector<512x192xbf16>
    %convert_element_type3A_16 = arith.truncf %get3A_14 : vector<192x1024xf32> to vector<192x1024xbf16>
    %dot_general3A = arith.constant dense<0.000000e+00> : vector<512x1024xf32>
    %dot_general3A_17 = tpu.matmul %convert_element_type3A_15, %convert_element_type3A_16, %dot_general3A {dimension_numbers = #tpu.dot_dimension_numbers<[1], [0], [0], [1], [0, 0, 1, 1], [], []>, transpose_lhs_hint = false} : vector<512x192xbf16>, vector<192x1024xbf16>, vector<512x1024xf32> -> vector<512x1024xf32>
    %get3A_18 = arith.constant 0 : index
    %get3A_19 = arith.constant 0 : index
    %get3A_20 = vector.load %arg8[%get3A_18, %get3A_19] : memref<8x1024xf32, #tpu.memory_space<vmem>>, vector<1x1024xf32>
    %reduce_sum3A = arith.constant dense<0.000000e+00> : vector<1024xf32>
    %reduce_sum3A_21 = vector.multi_reduction <add>, %dot_general3A_17, %reduce_sum3A [0] : vector<512x1024xf32> to vector<1024xf32>
    %broadcast_in_dim3A = vector.shape_cast %reduce_sum3A_21 : vector<1024xf32> to vector<1x1024xf32>
    %add3A = arith.addf %get3A_20, %broadcast_in_dim3A : vector<1x1024xf32>
    %swap3A = arith.constant 0 : index
    %swap3A_22 = arith.constant 0 : index
    %swap3A_23 = vector.load %arg8[%swap3A, %swap3A_22] : memref<8x1024xf32, #tpu.memory_space<vmem>>, vector<1x1024xf32>
    tpu.vector_store %arg8[%swap3A, %swap3A_22], %add3A {strides = array<i32>} : memref<8x1024xf32, #tpu.memory_space<vmem>>, vector<1x1024xf32>,
    %get3A_24 = arith.constant 1 : index
    %get3A_25 = arith.constant 0 : index
    %get3A_26 = vector.load %arg8[%get3A_24, %get3A_25] : memref<8x1024xf32, #tpu.memory_space<vmem>>, vector<1x1024xf32>
    %mul3A = arith.mulf %dot_general3A_17, %dot_general3A_17 : vector<512x1024xf32>
    %reduce_sum3A_27 = arith.constant dense<0.000000e+00> : vector<1024xf32>
    %reduce_sum3A_28 = vector.multi_reduction <add>, %mul3A, %reduce_sum3A_27 [0] : vector<512x1024xf32> to vector<1024xf32>
    %broadcast_in_dim3A_29 = vector.shape_cast %reduce_sum3A_28 : vector<1024xf32> to vector<1x1024xf32>
    %add3A_30 = arith.addf %get3A_26, %broadcast_in_dim3A_29 : vector<1x1024xf32>
    %swap3A_31 = arith.constant 1 : index
    %swap3A_32 = arith.constant 0 : index
    %swap3A_33 = vector.load %arg8[%swap3A_31, %swap3A_32] : memref<8x1024xf32, #tpu.memory_space<vmem>>, vector<1x1024xf32>
    tpu.vector_store %arg8[%swap3A_31, %swap3A_32], %add3A_30 {strides = array<i32>} : memref<8x1024xf32, #tpu.memory_space<vmem>>, vector<1x1024xf32>,
    %reduce_max3A = arith.constant dense<0xFF800000> : vector<1024xf32>
    %reduce_max3A_34 = vector.multi_reduction <maximumf>, %dot_general3A_17, %reduce_max3A [0] : vector<512x1024xf32> to vector<1024xf32>
    %broadcast_in_dim3A_35 = vector.shape_cast %reduce_max3A_34 : vector<1024xf32> to vector<1x1024xf32>
    %eq3A_36 = arith.constant 0 : i32
    %eq3A_37 = arith.cmpi eq, %arg1, %eq3A_36 : i32
    %convert_element_type3A_38 = arith.extui %eq3A_37 : i1 to i32
    %cond3A_39 = arith.constant 0 : i32
    %cond3A_40 = arith.cmpi ne, %convert_element_type3A_38, %cond3A_39 : i32
    scf.if %cond3A_40 {
      %broadcast_in_dim3A_55 = arith.constant -1.000000e+30 : f32
      %broadcast_in_dim3A_56 = vector.broadcast %broadcast_in_dim3A_55 : f32 to vector<1x1024xf32>
      %swap3A_57 = arith.index_cast %arg0 : i32 to index
      %swap3A_58 = arith.constant 0 : index
      %swap3A_59 = vector.load %arg9[%swap3A_57, %swap3A_58] : memref<8x1024xf32, #tpu.memory_space<vmem>>, vector<1x1024xf32>
      tpu.vector_store %arg9[%swap3A_57, %swap3A_58], %broadcast_in_dim3A_56 {strides = array<i32>} : memref<8x1024xf32, #tpu.memory_space<vmem>>, vector<1x1024xf32>,
    } else {
    }
    %get3A_41 = arith.index_cast %arg0 : i32 to index
    %get3A_42 = arith.constant 0 : index
    %get3A_43 = vector.load %arg9[%get3A_41, %get3A_42] : memref<8x1024xf32, #tpu.memory_space<vmem>>, vector<1x1024xf32>
    %max3A = arith.maximumf %get3A_43, %broadcast_in_dim3A_35 : vector<1x1024xf32>
    %swap3A_44 = arith.index_cast %arg0 : i32 to index
    %swap3A_45 = arith.constant 0 : index
    %swap3A_46 = vector.load %arg9[%swap3A_44, %swap3A_45] : memref<8x1024xf32, #tpu.memory_space<vmem>>, vector<1x1024xf32>
    tpu.vector_store %arg9[%swap3A_44, %swap3A_45], %max3A {strides = array<i32>} : memref<8x1024xf32, #tpu.memory_space<vmem>>, vector<1x1024xf32>,
    %eq3A_47 = arith.constant 7 : i32
    %eq3A_48 = arith.cmpi eq, %arg0, %eq3A_47 : i32
    %eq3A_49 = arith.constant 3 : i32
    %eq3A_50 = arith.cmpi eq, %arg1, %eq3A_49 : i32
    %and3A_51 = arith.andi %eq3A_48, %eq3A_50 : i1
    %convert_element_type3A_52 = arith.extui %and3A_51 : i1 to i32
    %cond3A_53 = arith.constant 0 : i32
    %cond3A_54 = arith.cmpi ne, %convert_element_type3A_52, %cond3A_53 : i32
    scf.if %cond3A_54 {
      %get3A_55 = arith.constant 0 : index
      %get3A_56 = arith.constant 0 : index
      %get3A_57 = vector.load %arg8[%get3A_55, %get3A_56] : memref<8x1024xf32, #tpu.memory_space<vmem>>, vector<8x1024xf32>
      %swap3A_58 = arith.constant 0 : index
      %swap3A_59 = arith.constant 0 : index
      %swap3A_60 = vector.load %arg7[%swap3A_58, %swap3A_59] : memref<8x1024xf32, #tpu.memory_space<vmem>>, vector<8x1024xf32>
      tpu.vector_store %arg7[%swap3A_58, %swap3A_59], %get3A_57 {strides = array<i32>} : memref<8x1024xf32, #tpu.memory_space<vmem>>, vector<8x1024xf32>,
      %get3A_61 = arith.constant 0 : index
      %get3A_62 = arith.constant 0 : index
      %get3A_63 = vector.load %arg9[%get3A_61, %get3A_62] : memref<8x1024xf32, #tpu.memory_space<vmem>>, vector<8x1024xf32>
      %swap3A_64 = arith.constant 0 : index
      %swap3A_65 = arith.constant 0 : index
      %swap3A_66 = vector.load %arg6[%swap3A_64, %swap3A_65] : memref<8x1024xf32, #tpu.memory_space<vmem>>, vector<8x1024xf32>
      tpu.vector_store %arg6[%swap3A_64, %swap3A_65], %get3A_63 {strides = array<i32>} : memref<8x1024xf32, #tpu.memory_space<vmem>>, vector<8x1024xf32>,
    } else {
    }
    return
  }
  func.func @transform_0(%arg0: i32, %arg1: i32) -> (i32, i32) {
    %mul3A = arith.constant 4 : i32
    %mul3A_0 = arith.muli %arg0, %mul3A : i32
    %add3A = arith.addi %mul3A_0, %arg1 : i32
    %c0_i32 = arith.constant 0 : i32
    %c0_i32_1 = arith.constant 0 : i32
    return %add3A, %c0_i32 : i32, i32
  }
  func.func @transform_1(%arg0: i32, %arg1: i32) -> (i32, i32) {
    %mul3A = arith.constant 4 : i32
    %mul3A_0 = arith.muli %arg0, %mul3A : i32
    %add3A = arith.addi %mul3A_0, %arg1 : i32
    %c0_i32 = arith.constant 0 : i32
    %c0_i32_1 = arith.constant 0 : i32
    return %add3A, %c0_i32 : i32, i32
  }
  func.func @transform_2(%arg0: i32, %arg1: i32) -> (i32, i32) {
    %mul3A = arith.constant 4 : i32
    %mul3A_0 = arith.muli %arg0, %mul3A : i32
    %add3A = arith.addi %mul3A_0, %arg1 : i32
    %c0_i32 = arith.constant 0 : i32
    %c0_i32_1 = arith.constant 0 : i32
    return %add3A, %c0_i32 : i32, i32
  }
  func.func @transform_3(%arg0: i32, %arg1: i32) -> (i32, i32) {
    %c0_i32 = arith.constant 0 : i32
    %c0_i32_0 = arith.constant 0 : i32
    %c0_i32_1 = arith.constant 0 : i32
    return %c0_i32, %c0_i32_0 : i32, i32
  }
  func.func @transform_4(%arg0: i32, %arg1: i32) -> (i32, i32) {
    %c0_i32 = arith.constant 0 : i32
    %c0_i32_0 = arith.constant 0 : i32
    %c0_i32_1 = arith.constant 0 : i32
    return %c0_i32, %c0_i32_0 : i32, i32
  }
  func.func @transform_5(%arg0: i32, %arg1: i32) -> (i32, i32) {
    %c0_i32 = arith.constant 0 : i32
    %c0_i32_0 = arith.constant 0 : i32
    %c0_i32_1 = arith.constant 0 : i32
    return %c0_i32, %c0_i32_0 : i32, i32
  }
}

module attributes {stable_mosaic.version = 14 : i64} {
  func.func @_hg_body(%arg0: i32, %arg1: memref<8x1024xf32, #tpu.memory_space<vmem>>, %arg2: memref<8x1024xf32, #tpu.memory_space<vmem>>, %arg3: memref<1x1024xf32, #tpu.memory_space<vmem>>, %arg4: memref<1x1024xf32, #tpu.memory_space<vmem>>, %arg5: memref<1024x512xf32, #tpu.memory_space<vmem>>, %arg6: memref<8x512xf32, #tpu.memory_space<vmem>>) attributes {dimension_semantics = [#tpu.dimension_semantics<arbitrary>], iteration_bounds = array<i64: 1>, scalar_prefetch = 0 : i64, scratch_operands = 0 : i64, tpu.core_type = #tpu.core_type<tc>, window_params = [{pipeline_mode = #tpu.pipeline_mode<synchronous>, transform_indices = @transform_0, window_bounds = array<i64: 8, 1024>}, {pipeline_mode = #tpu.pipeline_mode<synchronous>, transform_indices = @transform_1, window_bounds = array<i64: 8, 1024>}, {pipeline_mode = #tpu.pipeline_mode<synchronous>, transform_indices = @transform_2, window_bounds = array<i64: 1, 1024>}, {pipeline_mode = #tpu.pipeline_mode<synchronous>, transform_indices = @transform_3, window_bounds = array<i64: 1, 1024>}, {pipeline_mode = #tpu.pipeline_mode<synchronous>, transform_indices = @transform_4, window_bounds = array<i64: 1024, 512>}, {pipeline_mode = #tpu.pipeline_mode<synchronous>, transform_indices = @transform_5, window_bounds = array<i64: 8, 512>}]} {
    %get3A = arith.constant 0 : index
    %get3A_0 = arith.constant 0 : index
    %get3A_1 = vector.load %arg1[%get3A, %get3A_0] : memref<8x1024xf32, #tpu.memory_space<vmem>>, vector<8x1024xf32>
    %get3A_2 = arith.constant 0 : index
    %get3A_3 = arith.constant 0 : index
    %get3A_4 = vector.load %arg2[%get3A_2, %get3A_3] : memref<8x1024xf32, #tpu.memory_space<vmem>>, vector<1x1024xf32>
    %div3A = arith.constant 1.638400e+04 : f32
    %div3A_5 = vector.broadcast %div3A : f32 to vector<1x1024xf32>
    %div3A_6 = arith.divf %get3A_4, %div3A_5 : vector<1x1024xf32>
    %get3A_7 = arith.constant 1 : index
    %get3A_8 = arith.constant 0 : index
    %get3A_9 = vector.load %arg2[%get3A_7, %get3A_8] : memref<8x1024xf32, #tpu.memory_space<vmem>>, vector<1x1024xf32>
    %div3A_10 = arith.constant 1.638400e+04 : f32
    %div3A_11 = vector.broadcast %div3A_10 : f32 to vector<1x1024xf32>
    %div3A_12 = arith.divf %get3A_9, %div3A_11 : vector<1x1024xf32>
    %mul3A = arith.mulf %div3A_6, %div3A_6 : vector<1x1024xf32>
    %sub3A = arith.subf %div3A_12, %mul3A : vector<1x1024xf32>
    %add3A = arith.constant 9.99999974E-6 : f32
    %add3A_13 = vector.broadcast %add3A : f32 to vector<1x1024xf32>
    %add3A_14 = arith.addf %sub3A, %add3A_13 : vector<1x1024xf32>
    %sqrt3A = math.sqrt %add3A_14 : vector<1x1024xf32>
    %sub3A_15 = vector.broadcast %div3A_6 : vector<1x1024xf32> to vector<8x1024xf32>
    %sub3A_16 = arith.subf %get3A_1, %sub3A_15 : vector<8x1024xf32>
    %div3A_17 = vector.broadcast %sqrt3A : vector<1x1024xf32> to vector<8x1024xf32>
    %div3A_18 = arith.divf %sub3A_16, %div3A_17 : vector<8x1024xf32>
    %get3A_19 = arith.constant 0 : index
    %get3A_20 = arith.constant 0 : index
    %get3A_21 = vector.load %arg3[%get3A_19, %get3A_20] : memref<1x1024xf32, #tpu.memory_space<vmem>>, vector<1x1024xf32>
    %mul3A_22 = vector.broadcast %get3A_21 : vector<1x1024xf32> to vector<8x1024xf32>
    %mul3A_23 = arith.mulf %div3A_18, %mul3A_22 : vector<8x1024xf32>
    %get3A_24 = arith.constant 0 : index
    %get3A_25 = arith.constant 0 : index
    %get3A_26 = vector.load %arg4[%get3A_24, %get3A_25] : memref<1x1024xf32, #tpu.memory_space<vmem>>, vector<1x1024xf32>
    %add3A_27 = vector.broadcast %get3A_26 : vector<1x1024xf32> to vector<8x1024xf32>
    %add3A_28 = arith.addf %mul3A_23, %add3A_27 : vector<8x1024xf32>
    %mul3A_29 = arith.constant 2.000000e-01 : f32
    %mul3A_30 = vector.broadcast %mul3A_29 : f32 to vector<8x1024xf32>
    %mul3A_31 = arith.mulf %mul3A_30, %add3A_28 : vector<8x1024xf32>
    %max3A = arith.maximumf %add3A_28, %mul3A_31 : vector<8x1024xf32>
    %get3A_32 = arith.constant 0 : index
    %get3A_33 = arith.constant 0 : index
    %get3A_34 = vector.load %arg5[%get3A_32, %get3A_33] : memref<1024x512xf32, #tpu.memory_space<vmem>>, vector<1024x512xf32>
    %convert_element_type3A = arith.truncf %max3A : vector<8x1024xf32> to vector<8x1024xbf16>
    %convert_element_type3A_35 = arith.truncf %get3A_34 : vector<1024x512xf32> to vector<1024x512xbf16>
    %dot_general3A = arith.constant dense<0.000000e+00> : vector<8x512xf32>
    %dot_general3A_36 = tpu.matmul %convert_element_type3A, %convert_element_type3A_35, %dot_general3A {dimension_numbers = #tpu.dot_dimension_numbers<[1], [0], [0], [1], [0, 0, 1, 1], [], []>, transpose_lhs_hint = false} : vector<8x1024xbf16>, vector<1024x512xbf16>, vector<8x512xf32> -> vector<8x512xf32>
    %swap3A = arith.constant 0 : index
    %swap3A_37 = arith.constant 0 : index
    %swap3A_38 = vector.load %arg6[%swap3A, %swap3A_37] : memref<8x512xf32, #tpu.memory_space<vmem>>, vector<8x512xf32>
    tpu.vector_store %arg6[%swap3A, %swap3A_37], %dot_general3A_36 {strides = array<i32>} : memref<8x512xf32, #tpu.memory_space<vmem>>, vector<8x512xf32>,
    return
  }
  func.func @transform_0(%arg0: i32) -> (i32, i32) {
    %c0_i32 = arith.constant 0 : i32
    %c0_i32_0 = arith.constant 0 : i32
    %c0_i32_1 = arith.constant 0 : i32
    return %c0_i32, %c0_i32_0 : i32, i32
  }
  func.func @transform_1(%arg0: i32) -> (i32, i32) {
    %c0_i32 = arith.constant 0 : i32
    %c0_i32_0 = arith.constant 0 : i32
    %c0_i32_1 = arith.constant 0 : i32
    return %c0_i32, %c0_i32_0 : i32, i32
  }
  func.func @transform_2(%arg0: i32) -> (i32, i32) {
    %c0_i32 = arith.constant 0 : i32
    %c0_i32_0 = arith.constant 0 : i32
    %c0_i32_1 = arith.constant 0 : i32
    return %c0_i32, %c0_i32_0 : i32, i32
  }
  func.func @transform_3(%arg0: i32) -> (i32, i32) {
    %c0_i32 = arith.constant 0 : i32
    %c0_i32_0 = arith.constant 0 : i32
    %c0_i32_1 = arith.constant 0 : i32
    return %c0_i32, %c0_i32_0 : i32, i32
  }
  func.func @transform_4(%arg0: i32) -> (i32, i32) {
    %c0_i32 = arith.constant 0 : i32
    %c0_i32_0 = arith.constant 0 : i32
    %c0_i32_1 = arith.constant 0 : i32
    return %c0_i32, %c0_i32_0 : i32, i32
  }
  func.func @transform_5(%arg0: i32) -> (i32, i32) {
    %c0_i32 = arith.constant 0 : i32
    %c0_i32_0 = arith.constant 0 : i32
    %c0_i32_1 = arith.constant 0 : i32
    return %c0_i32, %c0_i32_0 : i32, i32
  }
}

module attributes {stable_mosaic.version = 14 : i64} {
  func.func @_t2_body(%arg0: i32, %arg1: memref<256x64xf32, #tpu.memory_space<vmem>>, %arg2: memref<256x64xf32, #tpu.memory_space<vmem>>, %arg3: memref<256x64xf32, #tpu.memory_space<vmem>>, %arg4: memref<8x512xf32, #tpu.memory_space<vmem>>, %arg5: memref<192x512xf32, #tpu.memory_space<vmem>>, %arg6: memref<256x512xf32, #tpu.memory_space<vmem>>, %arg7: memref<8x512xf32, #tpu.memory_space<vmem>>, %arg8: memref<8x512xf32, #tpu.memory_space<vmem>>) attributes {dimension_semantics = [#tpu.dimension_semantics<arbitrary>], iteration_bounds = array<i64: 64>, scalar_prefetch = 0 : i64, scratch_operands = 1 : i64, tpu.core_type = #tpu.core_type<tc>, window_params = [{transform_indices = @transform_0, window_bounds = array<i64: 256, 64>}, {transform_indices = @transform_1, window_bounds = array<i64: 256, 64>}, {transform_indices = @transform_2, window_bounds = array<i64: 256, 64>}, {pipeline_mode = #tpu.pipeline_mode<synchronous>, transform_indices = @transform_3, window_bounds = array<i64: 8, 512>}, {pipeline_mode = #tpu.pipeline_mode<synchronous>, transform_indices = @transform_4, window_bounds = array<i64: 192, 512>}, {transform_indices = @transform_5, window_bounds = array<i64: 256, 512>}, {pipeline_mode = #tpu.pipeline_mode<synchronous>, transform_indices = @transform_6, window_bounds = array<i64: 8, 512>}]} {
    %jit3A = arith.constant 8 : i32
    %div3A = arith.divsi %arg0, %jit3A : i32
    %sign3A = arith.constant 0 : i32
    %sign3A_0 = arith.cmpi sgt, %arg0, %sign3A : i32
    %sign3A_1 = arith.extui %sign3A_0 : i1 to i32
    %sign3A_2 = arith.constant 0 : i32
    %sign3A_3 = arith.cmpi slt, %arg0, %sign3A_2 : i32
    %sign3A_4 = arith.extui %sign3A_3 : i1 to i32
    %sign3A_5 = arith.subi %sign3A_1, %sign3A_4 : i32
    %sign3A_6 = arith.constant 0 : i32
    %sign3A_7 = arith.cmpi sgt, %jit3A, %sign3A_6 : i32
    %sign3A_8 = arith.extui %sign3A_7 : i1 to i32
    %sign3A_9 = arith.constant 0 : i32
    %sign3A_10 = arith.cmpi slt, %jit3A, %sign3A_9 : i32
    %sign3A_11 = arith.extui %sign3A_10 : i1 to i32
    %sign3A_12 = arith.subi %sign3A_8, %sign3A_11 : i32
    %ne3A = arith.cmpi ne, %sign3A_5, %sign3A_12 : i32
    %rem3A = arith.remsi %arg0, %jit3A : i32
    %ne3A_13 = arith.constant 0 : i32
    %ne3A_14 = arith.cmpi ne, %rem3A, %ne3A_13 : i32
    %and3A = arith.andi %ne3A, %ne3A_14 : i1
    %sub3A = arith.constant 1 : i32
    %sub3A_15 = arith.subi %div3A, %sub3A : i32
    %select_n3A = arith.select %and3A, %sub3A_15, %div3A : i32
    %eq3A = arith.constant 0 : i32
    %eq3A_16 = arith.cmpi eq, %arg0, %eq3A : i32
    %convert_element_type3A = arith.extui %eq3A_16 : i1 to i32
    %cond3A = arith.constant 0 : i32
    %cond3A_17 = arith.cmpi ne, %convert_element_type3A, %cond3A : i32
    scf.if %cond3A_17 {
      %broadcast_in_dim3A_61 = arith.constant 0.000000e+00 : f32
      %broadcast_in_dim3A_62 = vector.broadcast %broadcast_in_dim3A_61 : f32 to vector<8x512xf32>
      %swap3A_63 = arith.constant 0 : index
      %swap3A_64 = arith.constant 0 : index
      %swap3A_65 = vector.load %arg8[%swap3A_63, %swap3A_64] : memref<8x512xf32, #tpu.memory_space<vmem>>, vector<8x512xf32>
      tpu.vector_store %arg8[%swap3A_63, %swap3A_64], %broadcast_in_dim3A_62 {strides = array<i32>} : memref<8x512xf32, #tpu.memory_space<vmem>>, vector<8x512xf32>,
    } else {
    }
    %get3A = arith.constant 0 : index
    %get3A_18 = arith.constant 0 : index
    %get3A_19 = vector.load %arg1[%get3A, %get3A_18] : memref<256x64xf32, #tpu.memory_space<vmem>>, vector<256x64xf32>
    %get3A_20 = arith.constant 0 : index
    %get3A_21 = arith.constant 0 : index
    %get3A_22 = vector.load %arg2[%get3A_20, %get3A_21] : memref<256x64xf32, #tpu.memory_space<vmem>>, vector<256x64xf32>
    %get3A_23 = arith.constant 0 : index
    %get3A_24 = arith.constant 0 : index
    %get3A_25 = vector.load %arg3[%get3A_23, %get3A_24] : memref<256x64xf32, #tpu.memory_space<vmem>>, vector<256x64xf32>
    %concatenate3A = tpu.concatenate %get3A_19, %get3A_22, %get3A_25 in 1 : vector<256x64xf32>, vector<256x64xf32>, vector<256x64xf32> -> vector<256x192xf32>
    %get3A_26 = arith.constant 0 : index
    %get3A_27 = arith.constant 0 : index
    %get3A_28 = vector.load %arg5[%get3A_26, %get3A_27] : memref<192x512xf32, #tpu.memory_space<vmem>>, vector<192x512xf32>
    %convert_element_type3A_29 = arith.truncf %concatenate3A : vector<256x192xf32> to vector<256x192xbf16>
    %convert_element_type3A_30 = arith.truncf %get3A_28 : vector<192x512xf32> to vector<192x512xbf16>
    %dot_general3A = arith.constant dense<0.000000e+00> : vector<256x512xf32>
    %dot_general3A_31 = tpu.matmul %convert_element_type3A_29, %convert_element_type3A_30, %dot_general3A {dimension_numbers = #tpu.dot_dimension_numbers<[1], [0], [0], [1], [0, 0, 1, 1], [], []>, transpose_lhs_hint = false} : vector<256x192xbf16>, vector<192x512xbf16>, vector<256x512xf32> -> vector<256x512xf32>
    %get3A_32 = arith.index_cast %select_n3A : i32 to index
    %get3A_33 = arith.constant 0 : index
    %get3A_34 = vector.load %arg4[%get3A_32, %get3A_33] : memref<8x512xf32, #tpu.memory_space<vmem>>, vector<1x512xf32>
    %add3A = vector.broadcast %get3A_34 : vector<1x512xf32> to vector<256x512xf32>
    %add3A_35 = arith.addf %dot_general3A_31, %add3A : vector<256x512xf32>
    %get3A_36 = arith.constant 0 : index
    %get3A_37 = arith.constant 0 : index
    %get3A_38 = vector.load %arg8[%get3A_36, %get3A_37] : memref<8x512xf32, #tpu.memory_space<vmem>>, vector<1x512xf32>
    %reduce_sum3A = arith.constant dense<0.000000e+00> : vector<512xf32>
    %reduce_sum3A_39 = vector.multi_reduction <add>, %add3A_35, %reduce_sum3A [0] : vector<256x512xf32> to vector<512xf32>
    %broadcast_in_dim3A = vector.shape_cast %reduce_sum3A_39 : vector<512xf32> to vector<1x512xf32>
    %add3A_40 = arith.addf %get3A_38, %broadcast_in_dim3A : vector<1x512xf32>
    %swap3A = arith.constant 0 : index
    %swap3A_41 = arith.constant 0 : index
    %swap3A_42 = vector.load %arg8[%swap3A, %swap3A_41] : memref<8x512xf32, #tpu.memory_space<vmem>>, vector<1x512xf32>
    tpu.vector_store %arg8[%swap3A, %swap3A_41], %add3A_40 {strides = array<i32>} : memref<8x512xf32, #tpu.memory_space<vmem>>, vector<1x512xf32>,
    %get3A_43 = arith.constant 1 : index
    %get3A_44 = arith.constant 0 : index
    %get3A_45 = vector.load %arg8[%get3A_43, %get3A_44] : memref<8x512xf32, #tpu.memory_space<vmem>>, vector<1x512xf32>
    %mul3A = arith.mulf %add3A_35, %add3A_35 : vector<256x512xf32>
    %reduce_sum3A_46 = arith.constant dense<0.000000e+00> : vector<512xf32>
    %reduce_sum3A_47 = vector.multi_reduction <add>, %mul3A, %reduce_sum3A_46 [0] : vector<256x512xf32> to vector<512xf32>
    %broadcast_in_dim3A_48 = vector.shape_cast %reduce_sum3A_47 : vector<512xf32> to vector<1x512xf32>
    %add3A_49 = arith.addf %get3A_45, %broadcast_in_dim3A_48 : vector<1x512xf32>
    %swap3A_50 = arith.constant 1 : index
    %swap3A_51 = arith.constant 0 : index
    %swap3A_52 = vector.load %arg8[%swap3A_50, %swap3A_51] : memref<8x512xf32, #tpu.memory_space<vmem>>, vector<1x512xf32>
    tpu.vector_store %arg8[%swap3A_50, %swap3A_51], %add3A_49 {strides = array<i32>} : memref<8x512xf32, #tpu.memory_space<vmem>>, vector<1x512xf32>,
    %swap3A_53 = arith.constant 0 : index
    %swap3A_54 = arith.constant 0 : index
    %swap3A_55 = vector.load %arg6[%swap3A_53, %swap3A_54] : memref<256x512xf32, #tpu.memory_space<vmem>>, vector<256x512xf32>
    tpu.vector_store %arg6[%swap3A_53, %swap3A_54], %add3A_35 {strides = array<i32>} : memref<256x512xf32, #tpu.memory_space<vmem>>, vector<256x512xf32>,
    %eq3A_56 = arith.constant 63 : i32
    %eq3A_57 = arith.cmpi eq, %arg0, %eq3A_56 : i32
    %convert_element_type3A_58 = arith.extui %eq3A_57 : i1 to i32
    %cond3A_59 = arith.constant 0 : i32
    %cond3A_60 = arith.cmpi ne, %convert_element_type3A_58, %cond3A_59 : i32
    scf.if %cond3A_60 {
      %get3A_61 = arith.constant 0 : index
      %get3A_62 = arith.constant 0 : index
      %get3A_63 = vector.load %arg8[%get3A_61, %get3A_62] : memref<8x512xf32, #tpu.memory_space<vmem>>, vector<8x512xf32>
      %swap3A_64 = arith.constant 0 : index
      %swap3A_65 = arith.constant 0 : index
      %swap3A_66 = vector.load %arg7[%swap3A_64, %swap3A_65] : memref<8x512xf32, #tpu.memory_space<vmem>>, vector<8x512xf32>
      tpu.vector_store %arg7[%swap3A_64, %swap3A_65], %get3A_63 {strides = array<i32>} : memref<8x512xf32, #tpu.memory_space<vmem>>, vector<8x512xf32>,
    } else {
    }
    return
  }
  func.func @transform_0(%arg0: i32) -> (i32, i32) {
    %c0_i32 = arith.constant 0 : i32
    %c0_i32_0 = arith.constant 0 : i32
    return %arg0, %c0_i32 : i32, i32
  }
  func.func @transform_1(%arg0: i32) -> (i32, i32) {
    %c0_i32 = arith.constant 0 : i32
    %c0_i32_0 = arith.constant 0 : i32
    return %arg0, %c0_i32 : i32, i32
  }
  func.func @transform_2(%arg0: i32) -> (i32, i32) {
    %c0_i32 = arith.constant 0 : i32
    %c0_i32_0 = arith.constant 0 : i32
    return %arg0, %c0_i32 : i32, i32
  }
  func.func @transform_3(%arg0: i32) -> (i32, i32) {
    %c0_i32 = arith.constant 0 : i32
    %c0_i32_0 = arith.constant 0 : i32
    %c0_i32_1 = arith.constant 0 : i32
    return %c0_i32, %c0_i32_0 : i32, i32
  }
  func.func @transform_4(%arg0: i32) -> (i32, i32) {
    %c0_i32 = arith.constant 0 : i32
    %c0_i32_0 = arith.constant 0 : i32
    %c0_i32_1 = arith.constant 0 : i32
    return %c0_i32, %c0_i32_0 : i32, i32
  }
  func.func @transform_5(%arg0: i32) -> (i32, i32) {
    %c0_i32 = arith.constant 0 : i32
    %c0_i32_0 = arith.constant 0 : i32
    return %arg0, %c0_i32 : i32, i32
  }
  func.func @transform_6(%arg0: i32) -> (i32, i32) {
    %c0_i32 = arith.constant 0 : i32
    %c0_i32_0 = arith.constant 0 : i32
    %c0_i32_1 = arith.constant 0 : i32
    return %c0_i32, %c0_i32_0 : i32, i32
  }
}

module attributes {stable_mosaic.version = 14 : i64} {
  func.func @_t3_body(%arg0: i32, %arg1: memref<256x512xf32, #tpu.memory_space<vmem>>, %arg2: memref<8x512xf32, #tpu.memory_space<vmem>>, %arg3: memref<1x512xf32, #tpu.memory_space<vmem>>, %arg4: memref<1x512xf32, #tpu.memory_space<vmem>>, %arg5: memref<512x256xf32, #tpu.memory_space<vmem>>, %arg6: memref<256x256xf32, #tpu.memory_space<vmem>>, %arg7: memref<8x256xf32, #tpu.memory_space<vmem>>, %arg8: memref<8x256xf32, #tpu.memory_space<vmem>>) attributes {dimension_semantics = [#tpu.dimension_semantics<arbitrary>], iteration_bounds = array<i64: 64>, scalar_prefetch = 0 : i64, scratch_operands = 1 : i64, tpu.core_type = #tpu.core_type<tc>, window_params = [{transform_indices = @transform_0, window_bounds = array<i64: 256, 512>}, {pipeline_mode = #tpu.pipeline_mode<synchronous>, transform_indices = @transform_1, window_bounds = array<i64: 8, 512>}, {pipeline_mode = #tpu.pipeline_mode<synchronous>, transform_indices = @transform_2, window_bounds = array<i64: 1, 512>}, {pipeline_mode = #tpu.pipeline_mode<synchronous>, transform_indices = @transform_3, window_bounds = array<i64: 1, 512>}, {pipeline_mode = #tpu.pipeline_mode<synchronous>, transform_indices = @transform_4, window_bounds = array<i64: 512, 256>}, {transform_indices = @transform_5, window_bounds = array<i64: 256, 256>}, {pipeline_mode = #tpu.pipeline_mode<synchronous>, transform_indices = @transform_6, window_bounds = array<i64: 8, 256>}]} {
    %eq3A = arith.constant 0 : i32
    %eq3A_0 = arith.cmpi eq, %arg0, %eq3A : i32
    %convert_element_type3A = arith.extui %eq3A_0 : i1 to i32
    %cond3A = arith.constant 0 : i32
    %cond3A_1 = arith.cmpi ne, %convert_element_type3A, %cond3A : i32
    scf.if %cond3A_1 {
      %broadcast_in_dim3A_66 = arith.constant 0.000000e+00 : f32
      %broadcast_in_dim3A_67 = vector.broadcast %broadcast_in_dim3A_66 : f32 to vector<8x256xf32>
      %swap3A_68 = arith.constant 0 : index
      %swap3A_69 = arith.constant 0 : index
      %swap3A_70 = vector.load %arg8[%swap3A_68, %swap3A_69] : memref<8x256xf32, #tpu.memory_space<vmem>>, vector<8x256xf32>
      tpu.vector_store %arg8[%swap3A_68, %swap3A_69], %broadcast_in_dim3A_67 {strides = array<i32>} : memref<8x256xf32, #tpu.memory_space<vmem>>, vector<8x256xf32>,
    } else {
    }
    %get3A = arith.constant 0 : index
    %get3A_2 = arith.constant 0 : index
    %get3A_3 = vector.load %arg1[%get3A, %get3A_2] : memref<256x512xf32, #tpu.memory_space<vmem>>, vector<256x512xf32>
    %get3A_4 = arith.constant 0 : index
    %get3A_5 = arith.constant 0 : index
    %get3A_6 = vector.load %arg2[%get3A_4, %get3A_5] : memref<8x512xf32, #tpu.memory_space<vmem>>, vector<1x512xf32>
    %div3A = arith.constant 1.638400e+04 : f32
    %div3A_7 = vector.broadcast %div3A : f32 to vector<1x512xf32>
    %div3A_8 = arith.divf %get3A_6, %div3A_7 : vector<1x512xf32>
    %get3A_9 = arith.constant 1 : index
    %get3A_10 = arith.constant 0 : index
    %get3A_11 = vector.load %arg2[%get3A_9, %get3A_10] : memref<8x512xf32, #tpu.memory_space<vmem>>, vector<1x512xf32>
    %div3A_12 = arith.constant 1.638400e+04 : f32
    %div3A_13 = vector.broadcast %div3A_12 : f32 to vector<1x512xf32>
    %div3A_14 = arith.divf %get3A_11, %div3A_13 : vector<1x512xf32>
    %mul3A = arith.mulf %div3A_8, %div3A_8 : vector<1x512xf32>
    %sub3A = arith.subf %div3A_14, %mul3A : vector<1x512xf32>
    %add3A = arith.constant 9.99999974E-6 : f32
    %add3A_15 = vector.broadcast %add3A : f32 to vector<1x512xf32>
    %add3A_16 = arith.addf %sub3A, %add3A_15 : vector<1x512xf32>
    %sqrt3A = math.sqrt %add3A_16 : vector<1x512xf32>
    %sub3A_17 = vector.broadcast %div3A_8 : vector<1x512xf32> to vector<256x512xf32>
    %sub3A_18 = arith.subf %get3A_3, %sub3A_17 : vector<256x512xf32>
    %div3A_19 = vector.broadcast %sqrt3A : vector<1x512xf32> to vector<256x512xf32>
    %div3A_20 = arith.divf %sub3A_18, %div3A_19 : vector<256x512xf32>
    %get3A_21 = arith.constant 0 : index
    %get3A_22 = arith.constant 0 : index
    %get3A_23 = vector.load %arg3[%get3A_21, %get3A_22] : memref<1x512xf32, #tpu.memory_space<vmem>>, vector<1x512xf32>
    %mul3A_24 = vector.broadcast %get3A_23 : vector<1x512xf32> to vector<256x512xf32>
    %mul3A_25 = arith.mulf %div3A_20, %mul3A_24 : vector<256x512xf32>
    %get3A_26 = arith.constant 0 : index
    %get3A_27 = arith.constant 0 : index
    %get3A_28 = vector.load %arg4[%get3A_26, %get3A_27] : memref<1x512xf32, #tpu.memory_space<vmem>>, vector<1x512xf32>
    %add3A_29 = vector.broadcast %get3A_28 : vector<1x512xf32> to vector<256x512xf32>
    %add3A_30 = arith.addf %mul3A_25, %add3A_29 : vector<256x512xf32>
    %mul3A_31 = arith.constant 2.000000e-01 : f32
    %mul3A_32 = vector.broadcast %mul3A_31 : f32 to vector<256x512xf32>
    %mul3A_33 = arith.mulf %mul3A_32, %add3A_30 : vector<256x512xf32>
    %max3A = arith.maximumf %add3A_30, %mul3A_33 : vector<256x512xf32>
    %get3A_34 = arith.constant 0 : index
    %get3A_35 = arith.constant 0 : index
    %get3A_36 = vector.load %arg5[%get3A_34, %get3A_35] : memref<512x256xf32, #tpu.memory_space<vmem>>, vector<512x256xf32>
    %convert_element_type3A_37 = arith.truncf %max3A : vector<256x512xf32> to vector<256x512xbf16>
    %convert_element_type3A_38 = arith.truncf %get3A_36 : vector<512x256xf32> to vector<512x256xbf16>
    %dot_general3A = arith.constant dense<0.000000e+00> : vector<256x256xf32>
    %dot_general3A_39 = tpu.matmul %convert_element_type3A_37, %convert_element_type3A_38, %dot_general3A {dimension_numbers = #tpu.dot_dimension_numbers<[1], [0], [0], [1], [0, 0, 1, 1], [], []>, transpose_lhs_hint = false} : vector<256x512xbf16>, vector<512x256xbf16>, vector<256x256xf32> -> vector<256x256xf32>
    %get3A_40 = arith.constant 0 : index
    %get3A_41 = arith.constant 0 : index
    %get3A_42 = vector.load %arg8[%get3A_40, %get3A_41] : memref<8x256xf32, #tpu.memory_space<vmem>>, vector<1x256xf32>
    %reduce_sum3A = arith.constant dense<0.000000e+00> : vector<256xf32>
    %reduce_sum3A_43 = vector.multi_reduction <add>, %dot_general3A_39, %reduce_sum3A [0] : vector<256x256xf32> to vector<256xf32>
    %broadcast_in_dim3A = vector.shape_cast %reduce_sum3A_43 : vector<256xf32> to vector<1x256xf32>
    %add3A_44 = arith.addf %get3A_42, %broadcast_in_dim3A : vector<1x256xf32>
    %swap3A = arith.constant 0 : index
    %swap3A_45 = arith.constant 0 : index
    %swap3A_46 = vector.load %arg8[%swap3A, %swap3A_45] : memref<8x256xf32, #tpu.memory_space<vmem>>, vector<1x256xf32>
    tpu.vector_store %arg8[%swap3A, %swap3A_45], %add3A_44 {strides = array<i32>} : memref<8x256xf32, #tpu.memory_space<vmem>>, vector<1x256xf32>,
    %get3A_47 = arith.constant 1 : index
    %get3A_48 = arith.constant 0 : index
    %get3A_49 = vector.load %arg8[%get3A_47, %get3A_48] : memref<8x256xf32, #tpu.memory_space<vmem>>, vector<1x256xf32>
    %mul3A_50 = arith.mulf %dot_general3A_39, %dot_general3A_39 : vector<256x256xf32>
    %reduce_sum3A_51 = arith.constant dense<0.000000e+00> : vector<256xf32>
    %reduce_sum3A_52 = vector.multi_reduction <add>, %mul3A_50, %reduce_sum3A_51 [0] : vector<256x256xf32> to vector<256xf32>
    %broadcast_in_dim3A_53 = vector.shape_cast %reduce_sum3A_52 : vector<256xf32> to vector<1x256xf32>
    %add3A_54 = arith.addf %get3A_49, %broadcast_in_dim3A_53 : vector<1x256xf32>
    %swap3A_55 = arith.constant 1 : index
    %swap3A_56 = arith.constant 0 : index
    %swap3A_57 = vector.load %arg8[%swap3A_55, %swap3A_56] : memref<8x256xf32, #tpu.memory_space<vmem>>, vector<1x256xf32>
    tpu.vector_store %arg8[%swap3A_55, %swap3A_56], %add3A_54 {strides = array<i32>} : memref<8x256xf32, #tpu.memory_space<vmem>>, vector<1x256xf32>,
    %swap3A_58 = arith.constant 0 : index
    %swap3A_59 = arith.constant 0 : index
    %swap3A_60 = vector.load %arg6[%swap3A_58, %swap3A_59] : memref<256x256xf32, #tpu.memory_space<vmem>>, vector<256x256xf32>
    tpu.vector_store %arg6[%swap3A_58, %swap3A_59], %dot_general3A_39 {strides = array<i32>} : memref<256x256xf32, #tpu.memory_space<vmem>>, vector<256x256xf32>,
    %eq3A_61 = arith.constant 63 : i32
    %eq3A_62 = arith.cmpi eq, %arg0, %eq3A_61 : i32
    %convert_element_type3A_63 = arith.extui %eq3A_62 : i1 to i32
    %cond3A_64 = arith.constant 0 : i32
    %cond3A_65 = arith.cmpi ne, %convert_element_type3A_63, %cond3A_64 : i32
    scf.if %cond3A_65 {
      %get3A_66 = arith.constant 0 : index
      %get3A_67 = arith.constant 0 : index
      %get3A_68 = vector.load %arg8[%get3A_66, %get3A_67] : memref<8x256xf32, #tpu.memory_space<vmem>>, vector<8x256xf32>
      %swap3A_69 = arith.constant 0 : index
      %swap3A_70 = arith.constant 0 : index
      %swap3A_71 = vector.load %arg7[%swap3A_69, %swap3A_70] : memref<8x256xf32, #tpu.memory_space<vmem>>, vector<8x256xf32>
      tpu.vector_store %arg7[%swap3A_69, %swap3A_70], %get3A_68 {strides = array<i32>} : memref<8x256xf32, #tpu.memory_space<vmem>>, vector<8x256xf32>,
    } else {
    }
    return
  }
  func.func @transform_0(%arg0: i32) -> (i32, i32) {
    %c0_i32 = arith.constant 0 : i32
    %c0_i32_0 = arith.constant 0 : i32
    return %arg0, %c0_i32 : i32, i32
  }
  func.func @transform_1(%arg0: i32) -> (i32, i32) {
    %c0_i32 = arith.constant 0 : i32
    %c0_i32_0 = arith.constant 0 : i32
    %c0_i32_1 = arith.constant 0 : i32
    return %c0_i32, %c0_i32_0 : i32, i32
  }
  func.func @transform_2(%arg0: i32) -> (i32, i32) {
    %c0_i32 = arith.constant 0 : i32
    %c0_i32_0 = arith.constant 0 : i32
    %c0_i32_1 = arith.constant 0 : i32
    return %c0_i32, %c0_i32_0 : i32, i32
  }
  func.func @transform_3(%arg0: i32) -> (i32, i32) {
    %c0_i32 = arith.constant 0 : i32
    %c0_i32_0 = arith.constant 0 : i32
    %c0_i32_1 = arith.constant 0 : i32
    return %c0_i32, %c0_i32_0 : i32, i32
  }
  func.func @transform_4(%arg0: i32) -> (i32, i32) {
    %c0_i32 = arith.constant 0 : i32
    %c0_i32_0 = arith.constant 0 : i32
    %c0_i32_1 = arith.constant 0 : i32
    return %c0_i32, %c0_i32_0 : i32, i32
  }
  func.func @transform_5(%arg0: i32) -> (i32, i32) {
    %c0_i32 = arith.constant 0 : i32
    %c0_i32_0 = arith.constant 0 : i32
    return %arg0, %c0_i32 : i32, i32
  }
  func.func @transform_6(%arg0: i32) -> (i32, i32) {
    %c0_i32 = arith.constant 0 : i32
    %c0_i32_0 = arith.constant 0 : i32
    %c0_i32_1 = arith.constant 0 : i32
    return %c0_i32, %c0_i32_0 : i32, i32
  }
}

module attributes {stable_mosaic.version = 14 : i64} {
  func.func @_t4_body(%arg0: i32, %arg1: i32, %arg2: memref<256x256xf32, #tpu.memory_space<vmem>>, %arg3: memref<8x256xf32, #tpu.memory_space<vmem>>, %arg4: memref<1x256xf32, #tpu.memory_space<vmem>>, %arg5: memref<1x256xf32, #tpu.memory_space<vmem>>, %arg6: memref<50x256xf32, #tpu.memory_space<vmem>>, %arg7: memref<50x1xf32, #tpu.memory_space<vmem>>, %arg8: memref<1x50x256xf32, #tpu.memory_space<vmem>>) attributes {dimension_semantics = [#tpu.dimension_semantics<arbitrary>, #tpu.dimension_semantics<arbitrary>], iteration_bounds = array<i64: 8, 8>, scalar_prefetch = 0 : i64, scratch_operands = 0 : i64, tpu.core_type = #tpu.core_type<tc>, window_params = [{transform_indices = @transform_0, window_bounds = array<i64: 256, 256>}, {pipeline_mode = #tpu.pipeline_mode<synchronous>, transform_indices = @transform_1, window_bounds = array<i64: 8, 256>}, {pipeline_mode = #tpu.pipeline_mode<synchronous>, transform_indices = @transform_2, window_bounds = array<i64: 1, 256>}, {pipeline_mode = #tpu.pipeline_mode<synchronous>, transform_indices = @transform_3, window_bounds = array<i64: 1, 256>}, {pipeline_mode = #tpu.pipeline_mode<synchronous>, transform_indices = @transform_4, window_bounds = array<i64: 50, 256>}, {pipeline_mode = #tpu.pipeline_mode<synchronous>, transform_indices = @transform_5, window_bounds = array<i64: 50, 1>}, {transform_indices = @transform_6, window_bounds = array<i64: 1, 50, 256>}]} {
    %get3A = arith.constant 0 : index
    %get3A_0 = arith.constant 0 : index
    %get3A_1 = vector.load %arg2[%get3A, %get3A_0] : memref<256x256xf32, #tpu.memory_space<vmem>>, vector<256x256xf32>
    %get3A_2 = arith.constant 0 : index
    %get3A_3 = arith.constant 0 : index
    %get3A_4 = vector.load %arg3[%get3A_2, %get3A_3] : memref<8x256xf32, #tpu.memory_space<vmem>>, vector<1x256xf32>
    %div3A = arith.constant 1.638400e+04 : f32
    %div3A_5 = vector.broadcast %div3A : f32 to vector<1x256xf32>
    %div3A_6 = arith.divf %get3A_4, %div3A_5 : vector<1x256xf32>
    %get3A_7 = arith.constant 1 : index
    %get3A_8 = arith.constant 0 : index
    %get3A_9 = vector.load %arg3[%get3A_7, %get3A_8] : memref<8x256xf32, #tpu.memory_space<vmem>>, vector<1x256xf32>
    %div3A_10 = arith.constant 1.638400e+04 : f32
    %div3A_11 = vector.broadcast %div3A_10 : f32 to vector<1x256xf32>
    %div3A_12 = arith.divf %get3A_9, %div3A_11 : vector<1x256xf32>
    %mul3A = arith.mulf %div3A_6, %div3A_6 : vector<1x256xf32>
    %sub3A = arith.subf %div3A_12, %mul3A : vector<1x256xf32>
    %add3A = arith.constant 9.99999974E-6 : f32
    %add3A_13 = vector.broadcast %add3A : f32 to vector<1x256xf32>
    %add3A_14 = arith.addf %sub3A, %add3A_13 : vector<1x256xf32>
    %sqrt3A = math.sqrt %add3A_14 : vector<1x256xf32>
    %sub3A_15 = vector.broadcast %div3A_6 : vector<1x256xf32> to vector<256x256xf32>
    %sub3A_16 = arith.subf %get3A_1, %sub3A_15 : vector<256x256xf32>
    %div3A_17 = vector.broadcast %sqrt3A : vector<1x256xf32> to vector<256x256xf32>
    %div3A_18 = arith.divf %sub3A_16, %div3A_17 : vector<256x256xf32>
    %get3A_19 = arith.constant 0 : index
    %get3A_20 = arith.constant 0 : index
    %get3A_21 = vector.load %arg4[%get3A_19, %get3A_20] : memref<1x256xf32, #tpu.memory_space<vmem>>, vector<1x256xf32>
    %mul3A_22 = vector.broadcast %get3A_21 : vector<1x256xf32> to vector<256x256xf32>
    %mul3A_23 = arith.mulf %div3A_18, %mul3A_22 : vector<256x256xf32>
    %get3A_24 = arith.constant 0 : index
    %get3A_25 = arith.constant 0 : index
    %get3A_26 = vector.load %arg5[%get3A_24, %get3A_25] : memref<1x256xf32, #tpu.memory_space<vmem>>, vector<1x256xf32>
    %add3A_27 = vector.broadcast %get3A_26 : vector<1x256xf32> to vector<256x256xf32>
    %add3A_28 = arith.addf %mul3A_23, %add3A_27 : vector<256x256xf32>
    %mul3A_29 = arith.constant 2.000000e-01 : f32
    %mul3A_30 = vector.broadcast %mul3A_29 : f32 to vector<256x256xf32>
    %mul3A_31 = arith.mulf %mul3A_30, %add3A_28 : vector<256x256xf32>
    %max3A = arith.maximumf %add3A_28, %mul3A_31 : vector<256x256xf32>
    %get3A_32 = arith.constant 0 : index
    %get3A_33 = arith.constant 0 : index
    %get3A_34 = vector.load %arg6[%get3A_32, %get3A_33] : memref<50x256xf32, #tpu.memory_space<vmem>>, vector<50x256xf32>
    %convert_element_type3A = arith.truncf %get3A_34 : vector<50x256xf32> to vector<50x256xbf16>
    %convert_element_type3A_35 = arith.truncf %max3A : vector<256x256xf32> to vector<256x256xbf16>
    %dot_general3A = arith.constant dense<0.000000e+00> : vector<50x256xf32>
    %dot_general3A_36 = tpu.matmul %convert_element_type3A, %convert_element_type3A_35, %dot_general3A {dimension_numbers = #tpu.dot_dimension_numbers<[1], [1], [0], [0], [0, 0, 1, 0], [], []>, transpose_lhs_hint = false} : vector<50x256xbf16>, vector<256x256xbf16>, vector<50x256xf32> -> vector<50x256xf32>
    %get3A_37 = arith.constant 0 : index
    %get3A_38 = arith.constant 0 : index
    %get3A_39 = vector.load %arg7[%get3A_37, %get3A_38] : memref<50x1xf32, #tpu.memory_space<vmem>>, vector<50x1xf32>
    %add3A_40 = vector.broadcast %get3A_39 : vector<50x1xf32> to vector<50x256xf32>
    %add3A_41 = arith.addf %dot_general3A_36, %add3A_40 : vector<50x256xf32>
    %swap3A = arith.constant 0 : index
    %swap3A_42 = arith.constant 0 : index
    %swap3A_43 = arith.constant 0 : index
    %swap3A_44 = vector.load %arg8[%swap3A, %swap3A_42, %swap3A_43] : memref<1x50x256xf32, #tpu.memory_space<vmem>>, vector<1x50x256xf32>
    %swap3A_45 = vector.shape_cast %swap3A_44 : vector<1x50x256xf32> to vector<50x256xf32>
    %swap3A_46 = vector.shape_cast %add3A_41 : vector<50x256xf32> to vector<1x50x256xf32>
    tpu.vector_store %arg8[%swap3A, %swap3A_42, %swap3A_43], %swap3A_46 {strides = array<i32>} : memref<1x50x256xf32, #tpu.memory_space<vmem>>, vector<1x50x256xf32>,
    return
  }
  func.func @transform_0(%arg0: i32, %arg1: i32) -> (i32, i32) {
    %mul3A = arith.constant 8 : i32
    %mul3A_0 = arith.muli %arg0, %mul3A : i32
    %add3A = arith.addi %mul3A_0, %arg1 : i32
    %c0_i32 = arith.constant 0 : i32
    %c0_i32_1 = arith.constant 0 : i32
    return %add3A, %c0_i32 : i32, i32
  }
  func.func @transform_1(%arg0: i32, %arg1: i32) -> (i32, i32) {
    %c0_i32 = arith.constant 0 : i32
    %c0_i32_0 = arith.constant 0 : i32
    %c0_i32_1 = arith.constant 0 : i32
    return %c0_i32, %c0_i32_0 : i32, i32
  }
  func.func @transform_2(%arg0: i32, %arg1: i32) -> (i32, i32) {
    %c0_i32 = arith.constant 0 : i32
    %c0_i32_0 = arith.constant 0 : i32
    %c0_i32_1 = arith.constant 0 : i32
    return %c0_i32, %c0_i32_0 : i32, i32
  }
  func.func @transform_3(%arg0: i32, %arg1: i32) -> (i32, i32) {
    %c0_i32 = arith.constant 0 : i32
    %c0_i32_0 = arith.constant 0 : i32
    %c0_i32_1 = arith.constant 0 : i32
    return %c0_i32, %c0_i32_0 : i32, i32
  }
  func.func @transform_4(%arg0: i32, %arg1: i32) -> (i32, i32) {
    %c0_i32 = arith.constant 0 : i32
    %c0_i32_0 = arith.constant 0 : i32
    %c0_i32_1 = arith.constant 0 : i32
    return %c0_i32, %c0_i32_0 : i32, i32
  }
  func.func @transform_5(%arg0: i32, %arg1: i32) -> (i32, i32) {
    %c0_i32 = arith.constant 0 : i32
    %c0_i32_0 = arith.constant 0 : i32
    %c0_i32_1 = arith.constant 0 : i32
    return %c0_i32, %c0_i32_0 : i32, i32
  }
  func.func @transform_6(%arg0: i32, %arg1: i32) -> (i32, i32, i32) {
    %c0_i32 = arith.constant 0 : i32
    %c0_i32_0 = arith.constant 0 : i32
    return %arg0, %c0_i32, %arg1 : i32, i32, i32
  }
}

</mosaic_0001>

<sc_bundles>
// kernel: kernel.19.cloned.1.call-start
scs
__scs_entry_jumppad:
0x0: {  	(pc) =	sbr.rel $0x88, $3  }
0x1: {  	(tag) =	ssettag $0x0;
	lr =	simm.s32 $0x1  }
0x2: {  	[smem:$0x3F86] =	sst lr;
	_ =	strace $0xD0000000  }
0x3: {  	_ = 	snop  }
0x4: {  	_ = 	snop  }
0x5: {  	_ = 	snop  }
0x6: {  	_ = 	snop  }
0x7: {  	_ = 	snop  }
__scs_overlays_trampoline_lowered:
0x8: {  	[smem:$0x3F95] =	sst s0  }
0x9: {  	[smem:$0x3F96] =	sst s1  }
0xa: {  	[smem:$0x3F97] =	sst s2  }
0xb: {  	[smem:$0x3F98] =	sst s3  }
0xc: {  	[smem:$0x3F99] =	sst s4  }
0xd: {  	[smem:$0x3F9A] =	sst s5  }
0xe: {  	[smem:$0x3F9B] =	sst s6  }
0xf: {  	[smem:$0x3F9C] =	sst s7  }
0x10: {  	[smem:$0x3F9D] =	sst s8  }
0x11: {  	[smem:$0x3F9E] =	sst s9;
	s0 =	simm.s32 @!p0 $0x0  }
0x12: {  	s1 =	sld [smem:$0x3F84];
	s0 =	simm.s32 @p0 $0x1  }
0x13: {  	[smem:$0x3F9F] =	sst s0;
	s0 =	simm.s32 @!p1 $0x0  }
0x14: {  	s2 =	sld [smem:$0x3F83];
	s0 =	simm.s32 @p1 $0x1  }
0x15: {  	[smem:$0x3FA0] =	sst s0;
	s0 =	simm.s32 @!p2 $0x0  }
0x16: {  	s3 =	sld [smem:$0x3FDB];
	s0 =	simm.s32 @p2 $0x1  }
0x17: {  	s4 =	simm.s32 $0x1BF5;
	[smem:$0x3FA2] =	sst s0  }
0x18: {  	s0 =	sld [smem:$0x3F85];
	_ =	swait.ge [sflag:s4], $0x0  }
0x19: {  	s7 =	sld [smem:$0x3F86]  }
0x1a: {  	s8 =	sadd.s32 $0xFFFFE003, lr  }
0x1b: {  	s9 =	sadd.s32 $0xFFFFFEF7, lr;
	s5 =	simm.s32 $0xFFFFFFFF;
	p2 =	slt.u32 s8, $0xFFFFF086  }
0x1c: {  	p1 =	slt.u32 s9, $0xF7A;
	s5 =	simm.s32 @!p2 $0x0  }
0x1d: {  	s5 =	simm.s32 @p1 $0x1;
	p0 =	seq.s32 s7, s2  }
0x1e: {  	s7 =	smul.u32 @!p0 $0xF7A, s2;
	p2 =	seq.s32 @!p0 s5, $0x0  }
0x1f: {  	s9 =	smul.u32 $0xF7A, s1;
	s8 =	simm.s32 @!p0 $0x1BF5;
	p2 =	por !p2, p0  }
0x20: {  	[sflag:s8] =	ssyncset.s32 @!p0 $0xFFFFF086;
	s6 =	sadd.s32 @!p0 s3, s7;
	s7 =	simm.s32 @!p0 $0x108  }
0x21: {  	s3 =	sadd.s32 s3, s9;
	s6 =	sadd.s32 @!p0 $0x88, s6;
	s7 =	simm.s32 @p2 $0x1082  }
0x22: {  	[simem:s7], [sflag:s8] =	dma.local @!p0 [hbm:s6], $0xF7A  }
0x23: {  	s9 =	sor.u32 $0xD0000000, s2;
	s6 =	simm.s32 $0x108;
	_ =	swait.ge @!p0 [sflag:s8], $0x0  }
0x24: {  	s3 =	sadd.s32 $0x88, s3;
	s6 =	simm.s32 @!p1 $0x1082;
	[sflag:s4] =	ssyncset.s32 $0xFFFFF086  }
0x25: {  	[simem:s6], [sflag:s4] =	dma.local [hbm:s3], $0xF7A  }
0x26: {  	[smem:$0x3F86] =	sst s1;
	(tag) =	ssettag s2;
	_ =	strace s9  }
0x27: {  	s1 =	sld [smem:$0x3F96]  }
0x28: {  	s2 =	sld [smem:$0x3F97]  }
0x29: {  	s4 =	sld [smem:$0x3F99]  }
0x2a: {  	p0 =	seq.s32 s5, $0x0;
	s5 =	sld [smem:$0x3F9A]  }
0x2b: {  	s6 =	sld [smem:$0x3F9B]  }
0x2c: {  	s7 =	sld [smem:$0x3F9C]  }
0x2d: {  	s3 =	simm.s32 $0x108;
	s8 =	sld [smem:$0x3F9D]  }
0x2e: {  	s3 =	simm.s32 @!p0 $0x1082;
	s9 =	sld [smem:$0x3F9E]  }
0x2f: {  	lr =	sadd.s32 s0, s3;
	s0 =	sld [smem:$0x3F95]  }
0x30: {  	s3 =	sld [smem:$0x3F98]  }
0x31: {  	[smem:$0x3FA1] =	sst s10  }
0x32: {  	s10 =	sld [smem:$0x3F9F];
	_ =	sdelay $0x3  }
0x33: {  	p0 =	seq.s32 s10, $0x1;
	s10 =	sld [smem:$0x3FA1];
	_ =	sdelay $0x3  }
0x34: {  	[smem:$0x3FA1] =	sst s10  }
0x35: {  	s10 =	sld [smem:$0x3FA0];
	_ =	sdelay $0x3  }
0x36: {  	p1 =	seq.s32 s10, $0x1;
	s10 =	sld [smem:$0x3FA1];
	_ =	sdelay $0x3  }
0x37: {  	[smem:$0x3FA1] =	sst s10  }
0x38: {  	s10 =	sld [smem:$0x3FA2]  }
0x39: {  	_ = 	snop;
	(pc) =	sbr.ind lr, $3  }
0x3a: {  	_ = 	snop  }
0x3b: {  	_ = 	snop  }
0x3c: {  	p2 =	seq.s32 s10, $0x1;
	s10 =	sld [smem:$0x3FA1]  }
0x3d: {  	_ =	shalt  }
0x3e: {  	_ =	shalt  }
0x3f: {  	_ =	shalt  }
0x40: {  	_ =	shalt  }
0x41: {  	_ =	shalt  }
0x42: {  	_ =	shalt  }
0x43: {  	_ =	shalt  }
0x44: {  	_ =	shalt  }
0x45: {  	_ =	shalt  }
0x46: {  	_ =	shalt  }
0x47: {  	_ =	shalt  }
0x48: {  	_ =	shalt  }
0x49: {  	_ =	shalt  }
0x4a: {  	_ =	shalt  }
0x4b: {  	_ =	shalt  }
0x4c: {  	_ =	shalt  }
0x4d: {  	_ =	shalt  }
0x4e: {  	_ =	shalt  }
0x4f: {  	_ =	shalt  }
0x50: {  	_ =	shalt  }
0x51: {  	_ =	shalt  }
0x52: {  	_ =	shalt  }
0x53: {  	_ =	shalt  }
0x54: {  	_ =	shalt  }
0x55: {  	_ =	shalt  }
0x56: {  	_ =	shalt  }
0x57: {  	_ =	shalt  }
0x58: {  	_ =	shalt  }
0x59: {  	_ =	shalt  }
0x5a: {  	_ =	shalt  }
0x5b: {  	_ =	shalt  }
0x5c: {  	_ =	shalt  }
0x5d: {  	_ =	shalt  }
0x5e: {  	_ =	shalt  }
0x5f: {  	_ =	shalt  }
0x60: {  	_ =	shalt  }
0x61: {  	_ =	shalt  }
0x62: {  	_ =	shalt  }
0x63: {  	_ =	shalt  }
0x64: {  	_ =	shalt  }
0x65: {  	_ =	shalt  }
0x66: {  	_ =	shalt  }
0x67: {  	_ =	shalt  }
0x68: {  	_ =	shalt  }
0x69: {  	_ =	shalt  }
0x6a: {  	_ =	shalt  }
0x6b: {  	_ =	shalt  }
0x6c: {  	_ =	shalt  }
0x6d: {  	_ =	shalt  }
0x6e: {  	_ =	shalt  }
0x6f: {  	_ =	shalt  }
0x70: {  	_ =	shalt  }
0x71: {  	_ =	shalt  }
0x72: {  	_ =	shalt  }
0x73: {  	_ =	shalt  }
0x74: {  	_ =	shalt  }
0x75: {  	_ =	shalt  }
0x76: {  	_ =	shalt  }
0x77: {  	_ =	shalt  }
0x78: {  	_ =	shalt  }
0x79: {  	_ =	shalt  }
0x7a: {  	_ =	shalt  }
0x7b: {  	_ =	shalt  }
0x7c: {  	_ =	shalt  }
0x7d: {  	_ =	shalt  }
0x7e: {  	_ =	shalt  }
0x7f: {  	_ =	shalt  }
0x80: {  	_ =	shalt  }
0x81: {  	_ =	shalt  }
0x82: {  	_ =	shalt  }
0x83: {  	_ =	shalt  }
0x84: {  	_ =	shalt  }
0x85: {  	_ =	shalt  }
0x86: {  	_ =	shalt  }
0x87: {  	_ =	shalt  }
.Lfunc_end0:
.L_simem_size_0:
called_computation.1_lowered:
.L_overlay_start_0:
0x88: {  	s2 =	sld [smem:$0x3FD9]  }
0x89: {  	s3 =	sld [smem:$0x3FFE];
	_ =	sdelay $0x1  }
0x8a: {  	s1 =	srdreg.scid  }
0x8b: {  	s0 =	sand.u32 $0x1, s1  }
0x8c: {  	s17 =	sshll.u32 s0, $0xA;
	s2 =	sadd.s32 s3, s2  }
0x8d: {  	s2 =	sadd.s32 s2, s17  }
0x8e: {  	[smem:$0x3FAD] =	sst s2  }
0x8f: {  	_ = 	snop  }
0x90: {  	s2 =	sld [smem:$0x3FD0];
	(tm) =	ssettm $0x1  }
0x91: {  	s18 =	sld [smem:$0x3FFB];
	_ =	sdelay $0x3  }
0x92: {  	_ =	strace s18  }
0x93: {  	s3 =	sld [smem:$0x3FFC];
	_ =	sdelay $0x3  }
0x94: {  	_ =	strace s3  }
0x95: {  	s3 =	sld [smem:$0x3FFD];
	_ =	sdelay $0x3  }
0x96: {  	_ =	strace s3  }
0x97: {  	_ =	strace $0x8FFFFFFF  }
0x98: {  	s19 =	sld [smem:$0x3FDB];
	_ =	sdelay $0x1  }
0x99: {  	s4 =	simm.s32 $_scs_section_size  }
0x9a: {  	s5 =	simm.s32 $_size__tile_overlayer_lowered;
	s6 =	simm.s32 $_tile_overlayer_lowered  }
0x9b: {  	s22 =	simm.s32 $0x1BFF;
	s21 =	sshll.u32 s6, $0x1;
	s3 =	sadd.s32 s4, s19  }
0x9c: {  	s7 =	simm.s32 $0x0;
	s20 =	sshll.u32 s5, $0x1;
	s5 =	sadd.s32 s21, s3  }
0x9d: {  	[timem:s7], [sflag:s22] =	dma.local [hbm:s5], s20  }
0x9e: {  	_ =	swait.ge [sflag:s22], s20  }
0x9f: {  	s4 =	ssub.s32 $0x0, s20;
	[sflag:s22] =	ssyncset.done $0x0  }
0xa0: {  	[sflag:s22] =	ssyncadd.s32 s4;
	_ =	sdelay $0x1  }
0xa1: {  	s23 =	simm.s32 $0x1B8B  }
0xa2: {  	_ =	swait.ge [sflag:s23], $0x1  }
0xa3: {  	[sflag:s23] =	ssyncset.done $0x0  }
0xa4: {  	s25 =	simm.s32 $0x1B8E;
	s24 =	sld [smem:$0x3FFE];
	[sflag:s23] =	ssyncadd.s32 $0xFFFFFFFF  }
0xa5: {  	s26 =	simm.s32 $execute0_lowered;
	[smem:$0x3FD2] =	sst s25  }
0xa6: {  	s5 =	sshll.u32 s26, $0x1;
	_ =	strace $0x80000046;
	[dreg:$0x1] =	wrdreg $0xFFFFFFFF  }
0xa7: {  	s28 =	simm.s32 $_size_execute0_lowered;
	s3 =	sadd.s32 s3, s5;
	[dreg:$0x0] =	wrdreg $0x0  }
0xa8: {  	s5 =	sshll.u32 s28, $0x1;
	[dreg:$0x2] =	wrdreg s3  }
0xa9: {  	[dreg:$0x3] =	wrdreg s5  }
0xaa: {  	[dreg:$0x4] =	wrdreg $0xC0  }
0xab: {  	_ =	task [dreg:s7], $0x5FFFF  }
0xac: {  	[dreg:$0x1] =	wrdreg $0xFFFFFFFF  }
0xad: {  	[dreg:$0x0] =	wrdreg $0x60  }
0xae: {  	[dreg:$0x2] =	wrdreg s24  }
0xaf: {  	[dreg:$0x3] =	wrdreg s2  }
0xb0: {  	[dreg:$0x4] =	wrdreg $0x9  }
0xb1: {  	_ =	task.clear_ibuf [dreg:s7], $0x5FFFF;
	_ =	strace $0x90000046  }
0xb2: {  	s29 =	simm.s32 $0x9;
	_ =	strace $0x80000048  }
0xb3: {  	_ =	swait.ge [sflag:s29], $0x1  }
0xb4: {  	[sflag:s29] =	ssyncadd.s32 $0xFFFFFFFF  }
0xb5: {  	_ =	strace $0x90000048  }
0xb6: {  	_ =	sfence  }
0xb7: {  	s30 =	sld [smem:$0x0];
	_ =	sdelay $0x2  }
0xb8: {  	s31 =	sshll.u32 s1, $0xD;
	s1 =	sshrl.u32 s1, $0x2  }
0xb9: {  	s3 =	sand.u32 $0x4000, s31;
	s1 =	sadd.s32 s1, s30  }
0xba: {  	s0 =	sor.u32 s3, s0;
	s1 =	sshll.u32 s1, $0x11  }
0xbb: {  	s0 =	sor.u32 s1, s0  }
0xbc: {  	s0 =	sadd.s32 $0x8F2B, s0  }
0xbd: {  	[sflag:s0] =	ssyncadd.remote.s32 $0x1  }
0xbe: {  	_ =	sfence.sel $0xFFFF  }
0xbf: {  	[dreg:$0x0] =	wrdreg $0xFFFFFFFF;
	(pc) =	sbr.abs _section_cstart, $3  }
0xc0: {  	[dreg:$0x1] =	wrdreg $0xFFFFFFFF  }
0xc1: {  	_ =	task.clear_ibuf [dreg:s7], $0x2FFFF;
	_ =	strace $0x9FFFFFFF  }
0xc2: {  	(tm) =	ssettm $0x7FFFFFFF  }
0xc3: {  	_ =	shalt  }
tec
execute0_lowered:
.L_overlay_start_1:
0x0: {  	(tag) =	ssettag $0x1  }
0x1: {  	s4 =	rddreg [dreg:$0x0]  }
0x2: {  	s5 =	rddreg [dreg:$0x1]  }
0x3: {  	s0 =	rddreg [dreg:$0x2]  }
0x4: {  	s1 =	simm.s32 $0x0;
	s6 =	srdreg.scid;
	s2 =	stileid.u32  }
0x5: {  	s12 =	simm.s32 $0x6800;
	s13 =	simm.s32 $0xA800;
	s14 =	simm.s32 $0xE800  }
0x6: {  	s15 =	simm.s32 $0x1;
	s16 =	simm.s32 $0x2;
	s17 =	simm.s32 $0x0  }
0x7: {  	[smem:$0x7FF] =	sst s1;
	s3 =	sadd.s32 $0x8BE00, s4;
	s8 =	smul.u32 $0xA0, s2  }
0x8: {  	s6 =	sand.u32 $0x1, s6;
	s7 =	sshll.u32 s2, $0x1;
	s28 =	smul.u32 $0x50000, s2  }
0x9: {  	s11 =	sadd.s32 $0xCBE00, s4;
	_ =	strace $0x80000047;
	s10 =	smul.u32 $0x50, s6  }
0xa: {  	s9 =	ssub.s32 $0x2, s6;
	s7 =	sor.u32 s6, s7;
	s30 =	smul.u32 $0x28000, s6  }
0xb: {  	s26 =	sshrl.u32 s9, $0x1;
	s7 =	smul.u32 $0x500, s7;
	s31 =	sadd.s32 s28, s11  }
0xc: {  	s9 =	ssub.s32 s9, s26;
	s8 =	sadd.s32 s10, s8;
	s10 =	simm.s32 $0x80  }
0xd: {  	s4 =	sadd.s32 s5, s7;
	s29 =	sshll.u32 s8, $0xB;
	s5 =	smax.u32 s9, $0x1  }
0xe: {  	s8 =	sadd.s32 s30, s31;
	s9 =	simm.s32 $0x3;
	s7 =	sadd.s32 s29, s11  }
0xf: {  	s11 =	simm.s32 $0x2800;
	s6 =	sadd.s32 $0x1800, s7;
	s7 =	sadd.s32 $0x1000, s7  }
.LBB2_1:
0x10: {  	[tilespmem:s1], [sflag:$0x3] =	stream.linear.gather [hbm4b:s4+s1], $0x2800, $0x38;
	[tilespmem:$0x12800] =	vst v63  }
0x11: {  	_ =	swait.ge [sflag:s9], $0x2800  }
0x12: {  	[sflag:s9] =	ssyncset.done $0x0  }
0x13: {  	s18 =	simm.s32 $0x0;
	[sflag:s9] =	ssyncadd.s32 $0xFFFFD800  }
0x14: {  	[tilespmem:s11], [sflag:$0x1] =	stream.indirect.gather [hbm4b:s3+s10], $0x80, s18, s10, $0xb8;
	[tilespmem:$0x12800] =	vst v63  }
0x15: {  	s28 =	simm.s32 $0x80  }
0x16: {  	[tilespmem:s12], [sflag:$0x1] =	stream.indirect.gather [hbm4b:s3+s10], $0x80, s28, s10, $0xb8;
	[tilespmem:$0x12800] =	vst v63  }
0x17: {  	s29 =	simm.s32 $0x100  }
0x18: {  	[tilespmem:s13], [sflag:$0x1] =	stream.indirect.gather [hbm4b:s3+s10], $0x80, s29, s10, $0xb8;
	[tilespmem:$0x12800] =	vst v63  }
0x19: {  	s30 =	simm.s32 $0x180  }
0x1a: {  	[tilespmem:s14], [sflag:$0x1] =	stream.indirect.gather [hbm4b:s3+s10], $0x80, s30, s10, $0xb8;
	[tilespmem:$0x12800] =	vst v63  }
0x1b: {  	_ =	swait.ge [sflag:s15], $0x4000  }
0x1c: {  	[sflag:s15] =	ssyncset.done $0x0  }
0x1d: {  	[sflag:s15] =	ssyncadd.s32 $0xFFFFC000  }
0x1e: {  	[hbm4b:s8+s1] =	stream.linear.scatter [tilespmem:s11], [sflag:$0x2], $0x4000, $0x38;
	[tilespmem:$0x12800] =	vst v63  }
0x1f: {  	_ =	swait.ge [sflag:s15], $0x4000  }
0x20: {  	[sflag:s15] =	ssyncset.done $0x0  }
0x21: {  	s31 =	sadd.s32 $0xFFFFF000, s6;
	[sflag:s15] =	ssyncadd.s32 $0xFFFFC000  }
0x22: {  	[hbm4b:s31+s1] =	stream.linear.scatter [tilespmem:s12], [sflag:$0x2], $0x4000, $0x38;
	[tilespmem:$0x12800] =	vst v63  }
0x23: {  	_ =	swait.ge [sflag:s15], $0x4000  }
0x24: {  	[sflag:s15] =	ssyncset.done $0x0  }
0x25: {  	[sflag:s15] =	ssyncadd.s32 $0xFFFFC000  }
0x26: {  	[hbm4b:s7+s1] =	stream.linear.scatter [tilespmem:s13], [sflag:$0x2], $0x4000, $0x38;
	[tilespmem:$0x12800] =	vst v63  }
0x27: {  	_ =	swait.ge [sflag:s15], $0x4000  }
0x28: {  	[sflag:s15] =	ssyncset.done $0x0  }
0x29: {  	[sflag:s15] =	ssyncadd.s32 $0xFFFFC000  }
0x2a: {  	[hbm4b:s6+s1] =	stream.linear.scatter [tilespmem:s14], [sflag:$0x2], $0x4000, $0x38;
	[tilespmem:$0x12800] =	vst v63  }
0x2b: {  	_ =	swait.ge [sflag:s16], $0x4000  }
0x2c: {  	[sflag:s16] =	ssyncset.done $0x0  }
0x2d: {  	[sflag:s16] =	ssyncadd.s32 $0xFFFFC000  }
0x2e: {  	_ =	swait.ge [sflag:s16], $0x4000  }
0x2f: {  	[sflag:s16] =	ssyncset.done $0x0  }
0x30: {  	[sflag:s16] =	ssyncadd.s32 $0xFFFFC000  }
0x31: {  	_ =	swait.ge [sflag:s16], $0x4000  }
0x32: {  	[sflag:s16] =	ssyncset.done $0x0  }
0x33: {  	s21 =	simm.s32 $0x800;
	[sflag:s16] =	ssyncadd.s32 $0xFFFFC000  }
0x34: {  	s23 =	simm.s32 $0x1000;
	s20 =	sadd.s32 $0x2000, s8;
	_ =	swait.ge [sflag:s16], $0x4000  }
0x35: {  	s19 =	sadd.s32 $0x2000, s7;
	s18 =	sadd.s32 $0x2000, s6;
	[sflag:s16] =	ssyncset.done $0x0  }
.LBB2_2:
0x36: {  	s24 =	sshra.s32 s21, $0x2  }
0x37: {  	[sflag:s16] =	ssyncadd.s32 $0xFFFFC000;
	s21 =	smov.u32 s23;
	s22 =	sadd.s32 $0x800, s23  }
0x38: {  	[tilespmem:s11], [sflag:$0x1] =	stream.indirect.gather [hbm4b:s3+s10], $0x80, s24, s10, $0xb8;
	[tilespmem:$0x12800] =	vst v63  }
0x39: {  	p0 =	sne.s32 s23, $0x9800;
	s23 =	sadd.s32 $0x80, s24  }
0x3a: {  	[tilespmem:s12], [sflag:$0x1] =	stream.indirect.gather [hbm4b:s3+s10], $0x80, s23, s10, $0xb8;
	[tilespmem:$0x12800] =	vst v63  }
0x3b: {  	s23 =	sadd.s32 $0x100, s24  }
0x3c: {  	[tilespmem:s13], [sflag:$0x1] =	stream.indirect.gather [hbm4b:s3+s10], $0x80, s23, s10, $0xb8;
	[tilespmem:$0x12800] =	vst v63  }
0x3d: {  	s23 =	sadd.s32 $0x180, s24  }
0x3e: {  	[tilespmem:s14], [sflag:$0x1] =	stream.indirect.gather [hbm4b:s3+s10], $0x80, s23, s10, $0xb8;
	[tilespmem:$0x12800] =	vst v63  }
0x3f: {  	_ =	swait.ge [sflag:s15], $0x4000  }
0x40: {  	[sflag:s15] =	ssyncset.done $0x0  }
0x41: {  	[sflag:s15] =	ssyncadd.s32 $0xFFFFC000  }
0x42: {  	[hbm4b:s20+s1] =	stream.linear.scatter [tilespmem:s11], [sflag:$0x2], $0x4000, $0x38;
	[tilespmem:$0x12800] =	vst v63  }
0x43: {  	_ =	swait.ge [sflag:s15], $0x4000  }
0x44: {  	[sflag:s15] =	ssyncset.done $0x0  }
0x45: {  	s23 =	sadd.s32 $0xFFFFF000, s18;
	[sflag:s15] =	ssyncadd.s32 $0xFFFFC000  }
0x46: {  	[hbm4b:s23+s1] =	stream.linear.scatter [tilespmem:s12], [sflag:$0x2], $0x4000, $0x38;
	[tilespmem:$0x12800] =	vst v63  }
0x47: {  	_ =	swait.ge [sflag:s15], $0x4000  }
0x48: {  	[sflag:s15] =	ssyncset.done $0x0  }
0x49: {  	[sflag:s15] =	ssyncadd.s32 $0xFFFFC000  }
0x4a: {  	[hbm4b:s19+s1] =	stream.linear.scatter [tilespmem:s13], [sflag:$0x2], $0x4000, $0x38;
	[tilespmem:$0x12800] =	vst v63  }
0x4b: {  	_ =	swait.ge [sflag:s15], $0x4000  }
0x4c: {  	[sflag:s15] =	ssyncset.done $0x0  }
0x4d: {  	[sflag:s15] =	ssyncadd.s32 $0xFFFFC000  }
0x4e: {  	[hbm4b:s18+s1] =	stream.linear.scatter [tilespmem:s14], [sflag:$0x2], $0x4000, $0x38;
	[tilespmem:$0x12800] =	vst v63  }
0x4f: {  	_ =	swait.ge [sflag:s16], $0x4000  }
0x50: {  	[sflag:s16] =	ssyncset.done $0x0  }
0x51: {  	[sflag:s16] =	ssyncadd.s32 $0xFFFFC000  }
0x52: {  	_ =	swait.ge [sflag:s16], $0x4000  }
0x53: {  	[sflag:s16] =	ssyncset.done $0x0  }
0x54: {  	[sflag:s16] =	ssyncadd.s32 $0xFFFFC000  }
.Ltmp0:
0x55: {  	_ =	swait.ge [sflag:s16], $0x4000;
	(pc) =	sbr.rel @p0 .LBB2_2-.Ltmp0, $4  }
0x56: {  	[sflag:s16] =	ssyncset.done $0x0  }
0x57: {  	[sflag:s16] =	ssyncadd.s32 $0xFFFFC000  }
0x58: {  	s20 =	sadd.s32 $0x2000, s20;
	s23 =	smov.u32 s22;
	_ =	swait.ge [sflag:s16], $0x4000  }
0x59: {  	s19 =	sadd.s32 $0x2000, s19;
	s18 =	sadd.s32 $0x2000, s18;
	[sflag:s16] =	ssyncset.done $0x0  }
0x5a: {  	s21 =	sshra.s32 s21, $0x2;
	[sflag:s16] =	ssyncadd.s32 $0xFFFFC000  }
0x5b: {  	[tilespmem:s11], [sflag:$0x1] =	stream.indirect.gather [hbm4b:s3+s10], $0x80, s21, s10, $0xb8;
	[tilespmem:$0x12800] =	vst v63  }
0x5c: {  	s22 =	sadd.s32 $0x80, s21  }
0x5d: {  	[tilespmem:s12], [sflag:$0x1] =	stream.indirect.gather [hbm4b:s3+s10], $0x80, s22, s10, $0xb8;
	[tilespmem:$0x12800] =	vst v63  }
0x5e: {  	s30 =	sadd.s32 $0x100, s21  }
0x5f: {  	[tilespmem:s13], [sflag:$0x1] =	stream.indirect.gather [hbm4b:s3+s10], $0x80, s30, s10, $0xb8;
	[tilespmem:$0x12800] =	vst v63  }
0x60: {  	s21 =	sadd.s32 $0x180, s21  }
0x61: {  	[tilespmem:s14], [sflag:$0x1] =	stream.indirect.gather [hbm4b:s3+s10], $0x80, s21, s10, $0xb8;
	[tilespmem:$0x12800] =	vst v63  }
0x62: {  	_ =	swait.ge [sflag:s15], $0x4000  }
0x63: {  	[sflag:s15] =	ssyncset.done $0x0  }
0x64: {  	[sflag:s15] =	ssyncadd.s32 $0xFFFFC000  }
0x65: {  	[hbm4b:s20+s1] =	stream.linear.scatter [tilespmem:s11], [sflag:$0x2], $0x4000, $0x38;
	[tilespmem:$0x12800] =	vst v63  }
0x66: {  	_ =	swait.ge [sflag:s15], $0x4000  }
0x67: {  	[sflag:s15] =	ssyncset.done $0x0  }
0x68: {  	s31 =	sadd.s32 $0xFFFFF000, s18;
	[sflag:s15] =	ssyncadd.s32 $0xFFFFC000  }
0x69: {  	[hbm4b:s31+s1] =	stream.linear.scatter [tilespmem:s12], [sflag:$0x2], $0x4000, $0x38;
	[tilespmem:$0x12800] =	vst v63  }
0x6a: {  	_ =	swait.ge [sflag:s15], $0x4000  }
0x6b: {  	[sflag:s15] =	ssyncset.done $0x0  }
0x6c: {  	[sflag:s15] =	ssyncadd.s32 $0xFFFFC000  }
0x6d: {  	[hbm4b:s19+s1] =	stream.linear.scatter [tilespmem:s13], [sflag:$0x2], $0x4000, $0x38;
	[tilespmem:$0x12800] =	vst v63  }
0x6e: {  	_ =	swait.ge [sflag:s15], $0x4000  }
0x6f: {  	[sflag:s15] =	ssyncset.done $0x0  }
0x70: {  	[sflag:s15] =	ssyncadd.s32 $0xFFFFC000  }
0x71: {  	[hbm4b:s18+s1] =	stream.linear.scatter [tilespmem:s14], [sflag:$0x2], $0x4000, $0x38;
	[tilespmem:$0x12800] =	vst v63  }
0x72: {  	_ =	swait.ge [sflag:s16], $0x4000  }
0x73: {  	[sflag:s16] =	ssyncset.done $0x0  }
0x74: {  	[sflag:s16] =	ssyncadd.s32 $0xFFFFC000  }
0x75: {  	_ =	swait.ge [sflag:s16], $0x4000  }
0x76: {  	[sflag:s16] =	ssyncset.done $0x0  }
0x77: {  	s17 =	sadd.s32 $0x1, s17;
	[sflag:s16] =	ssyncadd.s32 $0xFFFFC000  }
0x78: {  	p0 =	sne.s32 s17, s5;
	_ =	swait.ge [sflag:s16], $0x4000  }
.Ltmp1:
0x79: {  	[sflag:s16] =	ssyncset.done $0x0;
	(pc) =	sbr.rel @p0 .LBB2_1-.Ltmp1, $4  }
0x7a: {  	[sflag:s16] =	ssyncadd.s32 $0xFFFFC000  }
0x7b: {  	_ =	swait.ge [sflag:s16], $0x4000  }
0x7c: {  	[sflag:s16] =	ssyncset.done $0x0  }
0x7d: {  	[sflag:s16] =	ssyncadd.s32 $0xFFFFC000  }
0x7e: {  	_ =	sfence.sel $0x180000  }
0x7f: {  	[bflag:$0x0] =	sbarrier.arrive $0xFFFF  }
0x80: {  	p0 =	sne.s32 s2, $0x0;
	_ =	strace $0x90000047  }
0x81: {  	s0 =	sadd.s32 @!p0 $0x100000, s0;
	[bflag:$0x2] =	sbarrier.arrive $0xFFFF  }
0x82: {  	[sflag:s0] =	ssyncadd.tile.s32 @!p0 $0x1;
	_ =	shalt  }
.Lfunc_end2:
_tile_overlayer_lowered:
.L_overlay_start_2:
0x83: {  	(tag) =	ssettag $0x2  }
0x84: {  	s0 =	rddreg [dreg:$0x0];
	s2 =	stileid.u32  }
0x85: {  	s1 =	rddreg [dreg:$0x1];
	p0 =	sne.s32 s2, $0x0  }
0x86: {  	s3 =	rddreg [dreg:$0x2];
	[bflag:$0x3] =	sbarrier.arrive $0xFFFF;
	s2 =	simm.s32 @!p0 $0x1C03  }
0x87: {  	[timem:s3], [sflag:s2] =	dma.local @!p0 [hbm:s0], s1  }
0x88: {  	s0 =	simm.s32 @!p0 $0x3  }
0x89: {  	_ =	swait.ge @!p0 [sflag:s0], s1  }
0x8a: {  	s1 =	ssub.s32 @!p0 $0x0, s1;
	[sflag:s0] =	ssyncset.done @!p0 $0x0  }
0x8b: {  	[sflag:s0] =	ssyncadd.s32 @!p0 s1  }
0x8c: {  	[bflag:$0x3] =	sbarrier.arrive $0xFFFF  }
0x8d: {  	_ =	shalt  }

// kernel: kernel.22.cloned.1.call-start
scs
__scs_entry_jumppad:
0x0: {  	(pc) =	sbr.rel $0x88, $3  }
0x1: {  	(tag) =	ssettag $0x0;
	lr =	simm.s32 $0x1  }
0x2: {  	[smem:$0x3F86] =	sst lr;
	_ =	strace $0xD0000000  }
0x3: {  	_ = 	snop  }
0x4: {  	_ = 	snop  }
0x5: {  	_ = 	snop  }
0x6: {  	_ = 	snop  }
0x7: {  	_ = 	snop  }
__scs_overlays_trampoline_lowered:
0x8: {  	[smem:$0x3F95] =	sst s0  }
0x9: {  	[smem:$0x3F96] =	sst s1  }
0xa: {  	[smem:$0x3F97] =	sst s2  }
0xb: {  	[smem:$0x3F98] =	sst s3  }
0xc: {  	[smem:$0x3F99] =	sst s4  }
0xd: {  	[smem:$0x3F9A] =	sst s5  }
0xe: {  	[smem:$0x3F9B] =	sst s6  }
0xf: {  	[smem:$0x3F9C] =	sst s7  }
0x10: {  	[smem:$0x3F9D] =	sst s8  }
0x11: {  	[smem:$0x3F9E] =	sst s9;
	s0 =	simm.s32 @!p0 $0x0  }
0x12: {  	s1 =	sld [smem:$0x3F84];
	s0 =	simm.s32 @p0 $0x1  }
0x13: {  	[smem:$0x3F9F] =	sst s0;
	s0 =	simm.s32 @!p1 $0x0  }
0x14: {  	s2 =	sld [smem:$0x3F83];
	s0 =	simm.s32 @p1 $0x1  }
0x15: {  	[smem:$0x3FA0] =	sst s0;
	s0 =	simm.s32 @!p2 $0x0  }
0x16: {  	s3 =	sld [smem:$0x3FDB];
	s0 =	simm.s32 @p2 $0x1  }
0x17: {  	s4 =	simm.s32 $0x1BF5;
	[smem:$0x3FA2] =	sst s0  }
0x18: {  	s0 =	sld [smem:$0x3F85];
	_ =	swait.ge [sflag:s4], $0x0  }
0x19: {  	s7 =	sld [smem:$0x3F86]  }
0x1a: {  	s8 =	sadd.s32 $0xFFFFE003, lr  }
0x1b: {  	s9 =	sadd.s32 $0xFFFFFEF7, lr;
	s5 =	simm.s32 $0xFFFFFFFF;
	p2 =	slt.u32 s8, $0xFFFFF086  }
0x1c: {  	p1 =	slt.u32 s9, $0xF7A;
	s5 =	simm.s32 @!p2 $0x0  }
0x1d: {  	s5 =	simm.s32 @p1 $0x1;
	p0 =	seq.s32 s7, s2  }
0x1e: {  	s7 =	smul.u32 @!p0 $0xF7A, s2;
	p2 =	seq.s32 @!p0 s5, $0x0  }
0x1f: {  	s9 =	smul.u32 $0xF7A, s1;
	s8 =	simm.s32 @!p0 $0x1BF5;
	p2 =	por !p2, p0  }
0x20: {  	[sflag:s8] =	ssyncset.s32 @!p0 $0xFFFFF086;
	s6 =	sadd.s32 @!p0 s3, s7;
	s7 =	simm.s32 @!p0 $0x108  }
0x21: {  	s3 =	sadd.s32 s3, s9;
	s6 =	sadd.s32 @!p0 $0x88, s6;
	s7 =	simm.s32 @p2 $0x1082  }
0x22: {  	[simem:s7], [sflag:s8] =	dma.local @!p0 [hbm:s6], $0xF7A  }
0x23: {  	s9 =	sor.u32 $0xD0000000, s2;
	s6 =	simm.s32 $0x108;
	_ =	swait.ge @!p0 [sflag:s8], $0x0  }
0x24: {  	s3 =	sadd.s32 $0x88, s3;
	s6 =	simm.s32 @!p1 $0x1082;
	[sflag:s4] =	ssyncset.s32 $0xFFFFF086  }
0x25: {  	[simem:s6], [sflag:s4] =	dma.local [hbm:s3], $0xF7A  }
0x26: {  	[smem:$0x3F86] =	sst s1;
	(tag) =	ssettag s2;
	_ =	strace s9  }
0x27: {  	s1 =	sld [smem:$0x3F96]  }
0x28: {  	s2 =	sld [smem:$0x3F97]  }
0x29: {  	s4 =	sld [smem:$0x3F99]  }
0x2a: {  	p0 =	seq.s32 s5, $0x0;
	s5 =	sld [smem:$0x3F9A]  }
0x2b: {  	s6 =	sld [smem:$0x3F9B]  }
0x2c: {  	s7 =	sld [smem:$0x3F9C]  }
0x2d: {  	s3 =	simm.s32 $0x108;
	s8 =	sld [smem:$0x3F9D]  }
0x2e: {  	s3 =	simm.s32 @!p0 $0x1082;
	s9 =	sld [smem:$0x3F9E]  }
0x2f: {  	lr =	sadd.s32 s0, s3;
	s0 =	sld [smem:$0x3F95]  }
0x30: {  	s3 =	sld [smem:$0x3F98]  }
0x31: {  	[smem:$0x3FA1] =	sst s10  }
0x32: {  	s10 =	sld [smem:$0x3F9F];
	_ =	sdelay $0x3  }
0x33: {  	p0 =	seq.s32 s10, $0x1;
	s10 =	sld [smem:$0x3FA1];
	_ =	sdelay $0x3  }
0x34: {  	[smem:$0x3FA1] =	sst s10  }
0x35: {  	s10 =	sld [smem:$0x3FA0];
	_ =	sdelay $0x3  }
0x36: {  	p1 =	seq.s32 s10, $0x1;
	s10 =	sld [smem:$0x3FA1];
	_ =	sdelay $0x3  }
0x37: {  	[smem:$0x3FA1] =	sst s10  }
0x38: {  	s10 =	sld [smem:$0x3FA2]  }
0x39: {  	_ = 	snop;
	(pc) =	sbr.ind lr, $3  }
0x3a: {  	_ = 	snop  }
0x3b: {  	_ = 	snop  }
0x3c: {  	p2 =	seq.s32 s10, $0x1;
	s10 =	sld [smem:$0x3FA1]  }
0x3d: {  	_ =	shalt  }
0x3e: {  	_ =	shalt  }
0x3f: {  	_ =	shalt  }
0x40: {  	_ =	shalt  }
0x41: {  	_ =	shalt  }
0x42: {  	_ =	shalt  }
0x43: {  	_ =	shalt  }
0x44: {  	_ =	shalt  }
0x45: {  	_ =	shalt  }
0x46: {  	_ =	shalt  }
0x47: {  	_ =	shalt  }
0x48: {  	_ =	shalt  }
0x49: {  	_ =	shalt  }
0x4a: {  	_ =	shalt  }
0x4b: {  	_ =	shalt  }
0x4c: {  	_ =	shalt  }
0x4d: {  	_ =	shalt  }
0x4e: {  	_ =	shalt  }
0x4f: {  	_ =	shalt  }
0x50: {  	_ =	shalt  }
0x51: {  	_ =	shalt  }
0x52: {  	_ =	shalt  }
0x53: {  	_ =	shalt  }
0x54: {  	_ =	shalt  }
0x55: {  	_ =	shalt  }
0x56: {  	_ =	shalt  }
0x57: {  	_ =	shalt  }
0x58: {  	_ =	shalt  }
0x59: {  	_ =	shalt  }
0x5a: {  	_ =	shalt  }
0x5b: {  	_ =	shalt  }
0x5c: {  	_ =	shalt  }
0x5d: {  	_ =	shalt  }
0x5e: {  	_ =	shalt  }
0x5f: {  	_ =	shalt  }
0x60: {  	_ =	shalt  }
0x61: {  	_ =	shalt  }
0x62: {  	_ =	shalt  }
0x63: {  	_ =	shalt  }
0x64: {  	_ =	shalt  }
0x65: {  	_ =	shalt  }
0x66: {  	_ =	shalt  }
0x67: {  	_ =	shalt  }
0x68: {  	_ =	shalt  }
0x69: {  	_ =	shalt  }
0x6a: {  	_ =	shalt  }
0x6b: {  	_ =	shalt  }
0x6c: {  	_ =	shalt  }
0x6d: {  	_ =	shalt  }
0x6e: {  	_ =	shalt  }
0x6f: {  	_ =	shalt  }
0x70: {  	_ =	shalt  }
0x71: {  	_ =	shalt  }
0x72: {  	_ =	shalt  }
0x73: {  	_ =	shalt  }
0x74: {  	_ =	shalt  }
0x75: {  	_ =	shalt  }
0x76: {  	_ =	shalt  }
0x77: {  	_ =	shalt  }
0x78: {  	_ =	shalt  }
0x79: {  	_ =	shalt  }
0x7a: {  	_ =	shalt  }
0x7b: {  	_ =	shalt  }
0x7c: {  	_ =	shalt  }
0x7d: {  	_ =	shalt  }
0x7e: {  	_ =	shalt  }
0x7f: {  	_ =	shalt  }
0x80: {  	_ =	shalt  }
0x81: {  	_ =	shalt  }
0x82: {  	_ =	shalt  }
0x83: {  	_ =	shalt  }
0x84: {  	_ =	shalt  }
0x85: {  	_ =	shalt  }
0x86: {  	_ =	shalt  }
0x87: {  	_ =	shalt  }
.Lfunc_end0:
.L_simem_size_0:
called_computation.2_lowered:
.L_overlay_start_0:
0x88: {  	s2 =	sld [smem:$0x3FD9]  }
0x89: {  	s3 =	sld [smem:$0x3FFE];
	_ =	sdelay $0x1  }
0x8a: {  	s1 =	srdreg.scid  }
0x8b: {  	s0 =	sand.u32 $0x1, s1  }
0x8c: {  	s17 =	sshll.u32 s0, $0xA;
	s2 =	sadd.s32 s3, s2  }
0x8d: {  	s2 =	sadd.s32 s2, s17  }
0x8e: {  	[smem:$0x3FAD] =	sst s2  }
0x8f: {  	_ = 	snop  }
0x90: {  	s18 =	sld [smem:$0x3FD0];
	(tm) =	ssettm $0x1  }
0x91: {  	s19 =	sld [smem:$0x3FFB];
	_ =	sdelay $0x3  }
0x92: {  	_ =	strace s19  }
0x93: {  	s2 =	sld [smem:$0x3FFC];
	_ =	sdelay $0x3  }
0x94: {  	_ =	strace s2  }
0x95: {  	s2 =	sld [smem:$0x3FFD];
	_ =	sdelay $0x3  }
0x96: {  	_ =	strace s2  }
0x97: {  	_ =	strace $0x8FFFFFFF  }
0x98: {  	s20 =	sld [smem:$0x3FDB];
	_ =	sdelay $0x1  }
0x99: {  	s4 =	simm.s32 $_scs_section_size  }
0x9a: {  	s5 =	simm.s32 $_size__tile_overlayer_lowered;
	s6 =	simm.s32 $_tile_overlayer_lowered  }
0x9b: {  	s7 =	simm.s32 $0x1BFF;
	s21 =	sshll.u32 s6, $0x1;
	s4 =	sadd.s32 s4, s20  }
0x9c: {  	s22 =	simm.s32 $0x0;
	s5 =	sshll.u32 s5, $0x1;
	s6 =	sadd.s32 s21, s4  }
0x9d: {  	[timem:s22], [sflag:s7] =	dma.local [hbm:s6], s5  }
0x9e: {  	_ =	swait.ge [sflag:s7], s5  }
0x9f: {  	s5 =	ssub.s32 $0x0, s5;
	[sflag:s7] =	ssyncset.done $0x0  }
0xa0: {  	[sflag:s7] =	ssyncadd.s32 s5;
	_ =	sdelay $0x1  }
0xa1: {  	s23 =	simm.s32 $0x1B8B  }
0xa2: {  	_ =	swait.ge [sflag:s23], $0x1  }
0xa3: {  	[sflag:s23] =	ssyncset.done $0x0  }
0xa4: {  	[sflag:s23] =	ssyncadd.s32 $0xFFFFFFFF  }
0xa5: {  	s5 =	sld [smem:$0x0]  }
0xa6: {  	s6 =	sand.u32 $0xFFFFFFFE, s1  }
0xa7: {  	p0 =	sne.s32 s1, s6  }
0xa8: {  	s6 =	sshll.u32 @p0 s6, $0xE  }
0xa9: {  	s6 =	sadd.s32 @p0 $0x11B8D, s6;
	s7 =	sshll.u32 @p0 s5, $0x11  }
0xaa: {  	s6 =	sor.u32 @p0 s7, s6  }
0xab: {  	[sflag:s6] =	ssyncadd.remote.s32 @p0 $0x1;
	_ =	sdelay $0x1  }
0xac: {  	s6 =	simm.s32 @p0 $0x1B8D  }
0xad: {  	_ =	swait.eq @p0 [sflag:s6], $0x1  }
0xae: {  	[sflag:s6] =	ssyncadd.s32 @p0 $0xFFFFFFFF  }
0xaf: {  	s7 =	sshll.u32 @!p0 s1, $0xE  }
0xb0: {  	s7 =	sor.u32 @!p0 $0x4000, s7;
	s6 =	simm.s32 @!p0 $0x1B8D  }
0xb1: {  	s5 =	sshll.u32 @!p0 s5, $0x11;
	s7 =	sadd.s32 @!p0 $0x11B8D, s7;
	_ =	swait.eq @!p0 [sflag:s6], $0x1  }
0xb2: {  	s5 =	sor.u32 @!p0 s5, s7;
	[sflag:s6] =	ssyncadd.s32 @!p0 $0xFFFFFFFF  }
0xb3: {  	s25 =	simm.s32 $0x1B8E;
	s24 =	sld [smem:$0x3FFE];
	[sflag:s5] =	ssyncadd.remote.s32 @!p0 $0x1  }
0xb4: {  	s26 =	simm.s32 $execute0_lowered;
	[smem:$0x3FD2] =	sst s25  }
0xb5: {  	s6 =	sshll.u32 s26, $0x1;
	_ =	strace $0x8000004C;
	[dreg:$0x1] =	wrdreg $0xFFFFFFFF  }
0xb6: {  	s28 =	simm.s32 $_size_execute0_lowered;
	s4 =	sadd.s32 s4, s6;
	[dreg:$0x0] =	wrdreg $0x0  }
0xb7: {  	s6 =	sshll.u32 s28, $0x1;
	[dreg:$0x2] =	wrdreg s4  }
0xb8: {  	[dreg:$0x3] =	wrdreg s6  }
0xb9: {  	[dreg:$0x4] =	wrdreg $0xC0  }
0xba: {  	_ =	task [dreg:s22], $0x5FFFF  }
0xbb: {  	[dreg:$0x1] =	wrdreg $0xFFFFFFFF  }
0xbc: {  	[dreg:$0x0] =	wrdreg $0x60  }
0xbd: {  	[dreg:$0x2] =	wrdreg s24  }
0xbe: {  	[dreg:$0x3] =	wrdreg s18  }
0xbf: {  	[dreg:$0x4] =	wrdreg $0xA  }
0xc0: {  	_ =	task.clear_ibuf [dreg:s22], $0x5FFFF;
	_ =	strace $0x9000004C  }
0xc1: {  	s29 =	simm.s32 $0xA;
	_ =	strace $0x8000004E  }
0xc2: {  	_ =	swait.ge [sflag:s29], $0x1  }
0xc3: {  	[sflag:s29] =	ssyncadd.s32 $0xFFFFFFFF  }
0xc4: {  	_ =	strace $0x9000004E  }
0xc5: {  	_ =	sfence  }
0xc6: {  	s30 =	sld [smem:$0x0];
	_ =	sdelay $0x2  }
0xc7: {  	s31 =	sshll.u32 s1, $0xD;
	s1 =	sshrl.u32 s1, $0x2  }
0xc8: {  	s4 =	sand.u32 $0x4000, s31;
	s1 =	sadd.s32 s1, s30  }
0xc9: {  	s0 =	sor.u32 s4, s0;
	s1 =	sshll.u32 s1, $0x11  }
0xca: {  	s0 =	sor.u32 s1, s0  }
0xcb: {  	s0 =	sadd.s32 $0x8F2B, s0  }
0xcc: {  	[sflag:s0] =	ssyncadd.remote.s32 $0x1  }
0xcd: {  	_ =	sfence.sel $0xFFFF  }
0xce: {  	[dreg:$0x0] =	wrdreg $0xFFFFFFFF;
	(pc) =	sbr.abs _section_cstart, $3  }
0xcf: {  	[dreg:$0x1] =	wrdreg $0xFFFFFFFF  }
0xd0: {  	_ =	task.clear_ibuf [dreg:s22], $0x2FFFF;
	_ =	strace $0x9FFFFFFF  }
0xd1: {  	(tm) =	ssettm $0x7FFFFFFF  }
tec
execute0_lowered:
.L_overlay_start_1:
0x0: {  	(tag) =	ssettag $0x1  }
0x1: {  	s4 =	rddreg [dreg:$0x0]  }
0x2: {  	s5 =	rddreg [dreg:$0x1]  }
0x3: {  	s0 =	rddreg [dreg:$0x2]  }
0x4: {  	s1 =	simm.s32 $0x0;
	s6 =	srdreg.scid;
	s2 =	stileid.u32  }
0x5: {  	s12 =	simm.s32 $0x6800;
	s13 =	simm.s32 $0xA800;
	s14 =	simm.s32 $0xE800  }
0x6: {  	s15 =	simm.s32 $0x1;
	s16 =	simm.s32 $0x2;
	s17 =	simm.s32 $0x0  }
0x7: {  	[smem:$0x7FF] =	sst s1;
	s3 =	sadd.s32 $0x32BE00, s4;
	s8 =	smul.u32 $0xA0, s2  }
0x8: {  	s6 =	sand.u32 $0x1, s6;
	s11 =	sadd.s32 $0xBABE00, s4;
	s28 =	smul.u32 $0x50000, s2  }
0x9: {  	s7 =	sshll.u32 s2, $0x1;
	_ =	strace $0x8000004D;
	s10 =	smul.u32 $0x50, s6  }
0xa: {  	s9 =	ssub.s32 $0x2, s6;
	s7 =	sor.u32 s6, s7;
	s30 =	smul.u32 $0x28000, s6  }
0xb: {  	s26 =	sshrl.u32 s9, $0x1;
	s7 =	smul.u32 $0x500, s7;
	s31 =	sadd.s32 s28, s11  }
0xc: {  	s9 =	ssub.s32 s9, s26;
	s8 =	sadd.s32 s10, s8;
	s10 =	simm.s32 $0x80  }
0xd: {  	s4 =	sadd.s32 s5, s7;
	s29 =	sshll.u32 s8, $0xB;
	s5 =	smax.u32 s9, $0x1  }
0xe: {  	s8 =	sadd.s32 s30, s31;
	s9 =	simm.s32 $0x3;
	s7 =	sadd.s32 s29, s11  }
0xf: {  	s11 =	simm.s32 $0x2800;
	s6 =	sadd.s32 $0x1800, s7;
	s7 =	sadd.s32 $0x1000, s7  }
.LBB2_1:
0x10: {  	[tilespmem:s1], [sflag:$0x3] =	stream.linear.gather [hbm4b:s4+s1], $0x2800, $0x38;
	[tilespmem:$0x12800] =	vst v63  }
0x11: {  	_ =	swait.ge [sflag:s9], $0x2800  }
0x12: {  	[sflag:s9] =	ssyncset.done $0x0  }
0x13: {  	s18 =	simm.s32 $0x0;
	[sflag:s9] =	ssyncadd.s32 $0xFFFFD800  }
0x14: {  	[tilespmem:s11], [sflag:$0x1] =	stream.indirect.gather [hbm4b:s3+s10], $0x80, s18, s10, $0xb8;
	[tilespmem:$0x12800] =	vst v63  }
0x15: {  	s28 =	simm.s32 $0x80  }
0x16: {  	[tilespmem:s12], [sflag:$0x1] =	stream.indirect.gather [hbm4b:s3+s10], $0x80, s28, s10, $0xb8;
	[tilespmem:$0x12800] =	vst v63  }
0x17: {  	s29 =	simm.s32 $0x100  }
0x18: {  	[tilespmem:s13], [sflag:$0x1] =	stream.indirect.gather [hbm4b:s3+s10], $0x80, s29, s10, $0xb8;
	[tilespmem:$0x12800] =	vst v63  }
0x19: {  	s30 =	simm.s32 $0x180  }
0x1a: {  	[tilespmem:s14], [sflag:$0x1] =	stream.indirect.gather [hbm4b:s3+s10], $0x80, s30, s10, $0xb8;
	[tilespmem:$0x12800] =	vst v63  }
0x1b: {  	_ =	swait.ge [sflag:s15], $0x4000  }
0x1c: {  	[sflag:s15] =	ssyncset.done $0x0  }
0x1d: {  	[sflag:s15] =	ssyncadd.s32 $0xFFFFC000  }
0x1e: {  	[hbm4b:s8+s1] =	stream.linear.scatter [tilespmem:s11], [sflag:$0x2], $0x4000, $0x38;
	[tilespmem:$0x12800] =	vst v63  }
0x1f: {  	_ =	swait.ge [sflag:s15], $0x4000  }
0x20: {  	[sflag:s15] =	ssyncset.done $0x0  }
0x21: {  	s31 =	sadd.s32 $0xFFFFF000, s6;
	[sflag:s15] =	ssyncadd.s32 $0xFFFFC000  }
0x22: {  	[hbm4b:s31+s1] =	stream.linear.scatter [tilespmem:s12], [sflag:$0x2], $0x4000, $0x38;
	[tilespmem:$0x12800] =	vst v63  }
0x23: {  	_ =	swait.ge [sflag:s15], $0x4000  }
0x24: {  	[sflag:s15] =	ssyncset.done $0x0  }
0x25: {  	[sflag:s15] =	ssyncadd.s32 $0xFFFFC000  }
0x26: {  	[hbm4b:s7+s1] =	stream.linear.scatter [tilespmem:s13], [sflag:$0x2], $0x4000, $0x38;
	[tilespmem:$0x12800] =	vst v63  }
0x27: {  	_ =	swait.ge [sflag:s15], $0x4000  }
0x28: {  	[sflag:s15] =	ssyncset.done $0x0  }
0x29: {  	[sflag:s15] =	ssyncadd.s32 $0xFFFFC000  }
0x2a: {  	[hbm4b:s6+s1] =	stream.linear.scatter [tilespmem:s14], [sflag:$0x2], $0x4000, $0x38;
	[tilespmem:$0x12800] =	vst v63  }
0x2b: {  	_ =	swait.ge [sflag:s16], $0x4000  }
0x2c: {  	[sflag:s16] =	ssyncset.done $0x0  }
0x2d: {  	[sflag:s16] =	ssyncadd.s32 $0xFFFFC000  }
0x2e: {  	_ =	swait.ge [sflag:s16], $0x4000  }
0x2f: {  	[sflag:s16] =	ssyncset.done $0x0  }
0x30: {  	[sflag:s16] =	ssyncadd.s32 $0xFFFFC000  }
0x31: {  	_ =	swait.ge [sflag:s16], $0x4000  }
0x32: {  	[sflag:s16] =	ssyncset.done $0x0  }
0x33: {  	s21 =	simm.s32 $0x800;
	[sflag:s16] =	ssyncadd.s32 $0xFFFFC000  }
0x34: {  	s23 =	simm.s32 $0x1000;
	s20 =	sadd.s32 $0x2000, s8;
	_ =	swait.ge [sflag:s16], $0x4000  }
0x35: {  	s19 =	sadd.s32 $0x2000, s7;
	s18 =	sadd.s32 $0x2000, s6;
	[sflag:s16] =	ssyncset.done $0x0  }
.LBB2_2:
0x36: {  	s24 =	sshra.s32 s21, $0x2  }
0x37: {  	[sflag:s16] =	ssyncadd.s32 $0xFFFFC000;
	s21 =	smov.u32 s23;
	s22 =	sadd.s32 $0x800, s23  }
0x38: {  	[tilespmem:s11], [sflag:$0x1] =	stream.indirect.gather [hbm4b:s3+s10], $0x80, s24, s10, $0xb8;
	[tilespmem:$0x12800] =	vst v63  }
0x39: {  	p0 =	sne.s32 s23, $0x9800;
	s23 =	sadd.s32 $0x80, s24  }
0x3a: {  	[tilespmem:s12], [sflag:$0x1] =	stream.indirect.gather [hbm4b:s3+s10], $0x80, s23, s10, $0xb8;
	[tilespmem:$0x12800] =	vst v63  }
0x3b: {  	s23 =	sadd.s32 $0x100, s24  }
0x3c: {  	[tilespmem:s13], [sflag:$0x1] =	stream.indirect.gather [hbm4b:s3+s10], $0x80, s23, s10, $0xb8;
	[tilespmem:$0x12800] =	vst v63  }
0x3d: {  	s23 =	sadd.s32 $0x180, s24  }
0x3e: {  	[tilespmem:s14], [sflag:$0x1] =	stream.indirect.gather [hbm4b:s3+s10], $0x80, s23, s10, $0xb8;
	[tilespmem:$0x12800] =	vst v63  }
0x3f: {  	_ =	swait.ge [sflag:s15], $0x4000  }
0x40: {  	[sflag:s15] =	ssyncset.done $0x0  }
0x41: {  	[sflag:s15] =	ssyncadd.s32 $0xFFFFC000  }
0x42: {  	[hbm4b:s20+s1] =	stream.linear.scatter [tilespmem:s11], [sflag:$0x2], $0x4000, $0x38;
	[tilespmem:$0x12800] =	vst v63  }
0x43: {  	_ =	swait.ge [sflag:s15], $0x4000  }
0x44: {  	[sflag:s15] =	ssyncset.done $0x0  }
0x45: {  	s23 =	sadd.s32 $0xFFFFF000, s18;
	[sflag:s15] =	ssyncadd.s32 $0xFFFFC000  }
0x46: {  	[hbm4b:s23+s1] =	stream.linear.scatter [tilespmem:s12], [sflag:$0x2], $0x4000, $0x38;
	[tilespmem:$0x12800] =	vst v63  }
0x47: {  	_ =	swait.ge [sflag:s15], $0x4000  }
0x48: {  	[sflag:s15] =	ssyncset.done $0x0  }
0x49: {  	[sflag:s15] =	ssyncadd.s32 $0xFFFFC000  }
0x4a: {  	[hbm4b:s19+s1] =	stream.linear.scatter [tilespmem:s13], [sflag:$0x2], $0x4000, $0x38;
	[tilespmem:$0x12800] =	vst v63  }
0x4b: {  	_ =	swait.ge [sflag:s15], $0x4000  }
0x4c: {  	[sflag:s15] =	ssyncset.done $0x0  }
0x4d: {  	[sflag:s15] =	ssyncadd.s32 $0xFFFFC000  }
0x4e: {  	[hbm4b:s18+s1] =	stream.linear.scatter [tilespmem:s14], [sflag:$0x2], $0x4000, $0x38;
	[tilespmem:$0x12800] =	vst v63  }
0x4f: {  	_ =	swait.ge [sflag:s16], $0x4000  }
0x50: {  	[sflag:s16] =	ssyncset.done $0x0  }
0x51: {  	[sflag:s16] =	ssyncadd.s32 $0xFFFFC000  }
0x52: {  	_ =	swait.ge [sflag:s16], $0x4000  }
0x53: {  	[sflag:s16] =	ssyncset.done $0x0  }
0x54: {  	[sflag:s16] =	ssyncadd.s32 $0xFFFFC000  }
.Ltmp0:
0x55: {  	_ =	swait.ge [sflag:s16], $0x4000;
	(pc) =	sbr.rel @p0 .LBB2_2-.Ltmp0, $4  }
0x56: {  	[sflag:s16] =	ssyncset.done $0x0  }
0x57: {  	[sflag:s16] =	ssyncadd.s32 $0xFFFFC000  }
0x58: {  	s20 =	sadd.s32 $0x2000, s20;
	s23 =	smov.u32 s22;
	_ =	swait.ge [sflag:s16], $0x4000  }
0x59: {  	s19 =	sadd.s32 $0x2000, s19;
	s18 =	sadd.s32 $0x2000, s18;
	[sflag:s16] =	ssyncset.done $0x0  }
0x5a: {  	s21 =	sshra.s32 s21, $0x2;
	[sflag:s16] =	ssyncadd.s32 $0xFFFFC000  }
0x5b: {  	[tilespmem:s11], [sflag:$0x1] =	stream.indirect.gather [hbm4b:s3+s10], $0x80, s21, s10, $0xb8;
	[tilespmem:$0x12800] =	vst v63  }
0x5c: {  	s22 =	sadd.s32 $0x80, s21  }
0x5d: {  	[tilespmem:s12], [sflag:$0x1] =	stream.indirect.gather [hbm4b:s3+s10], $0x80, s22, s10, $0xb8;
	[tilespmem:$0x12800] =	vst v63  }
0x5e: {  	s30 =	sadd.s32 $0x100, s21  }
0x5f: {  	[tilespmem:s13], [sflag:$0x1] =	stream.indirect.gather [hbm4b:s3+s10], $0x80, s30, s10, $0xb8;
	[tilespmem:$0x12800] =	vst v63  }
0x60: {  	s21 =	sadd.s32 $0x180, s21  }
0x61: {  	[tilespmem:s14], [sflag:$0x1] =	stream.indirect.gather [hbm4b:s3+s10], $0x80, s21, s10, $0xb8;
	[tilespmem:$0x12800] =	vst v63  }
0x62: {  	_ =	swait.ge [sflag:s15], $0x4000  }
0x63: {  	[sflag:s15] =	ssyncset.done $0x0  }
0x64: {  	[sflag:s15] =	ssyncadd.s32 $0xFFFFC000  }
0x65: {  	[hbm4b:s20+s1] =	stream.linear.scatter [tilespmem:s11], [sflag:$0x2], $0x4000, $0x38;
	[tilespmem:$0x12800] =	vst v63  }
0x66: {  	_ =	swait.ge [sflag:s15], $0x4000  }
0x67: {  	[sflag:s15] =	ssyncset.done $0x0  }
0x68: {  	s31 =	sadd.s32 $0xFFFFF000, s18;
	[sflag:s15] =	ssyncadd.s32 $0xFFFFC000  }
0x69: {  	[hbm4b:s31+s1] =	stream.linear.scatter [tilespmem:s12], [sflag:$0x2], $0x4000, $0x38;
	[tilespmem:$0x12800] =	vst v63  }
0x6a: {  	_ =	swait.ge [sflag:s15], $0x4000  }
0x6b: {  	[sflag:s15] =	ssyncset.done $0x0  }
0x6c: {  	[sflag:s15] =	ssyncadd.s32 $0xFFFFC000  }
0x6d: {  	[hbm4b:s19+s1] =	stream.linear.scatter [tilespmem:s13], [sflag:$0x2], $0x4000, $0x38;
	[tilespmem:$0x12800] =	vst v63  }
0x6e: {  	_ =	swait.ge [sflag:s15], $0x4000  }
0x6f: {  	[sflag:s15] =	ssyncset.done $0x0  }
0x70: {  	[sflag:s15] =	ssyncadd.s32 $0xFFFFC000  }
0x71: {  	[hbm4b:s18+s1] =	stream.linear.scatter [tilespmem:s14], [sflag:$0x2], $0x4000, $0x38;
	[tilespmem:$0x12800] =	vst v63  }
0x72: {  	_ =	swait.ge [sflag:s16], $0x4000  }
0x73: {  	[sflag:s16] =	ssyncset.done $0x0  }
0x74: {  	[sflag:s16] =	ssyncadd.s32 $0xFFFFC000  }
0x75: {  	_ =	swait.ge [sflag:s16], $0x4000  }
0x76: {  	[sflag:s16] =	ssyncset.done $0x0  }
0x77: {  	s17 =	sadd.s32 $0x1, s17;
	[sflag:s16] =	ssyncadd.s32 $0xFFFFC000  }
0x78: {  	p0 =	sne.s32 s17, s5;
	_ =	swait.ge [sflag:s16], $0x4000  }
.Ltmp1:
0x79: {  	[sflag:s16] =	ssyncset.done $0x0;
	(pc) =	sbr.rel @p0 .LBB2_1-.Ltmp1, $4  }
0x7a: {  	[sflag:s16] =	ssyncadd.s32 $0xFFFFC000  }
0x7b: {  	_ =	swait.ge [sflag:s16], $0x4000  }
0x7c: {  	[sflag:s16] =	ssyncset.done $0x0  }
0x7d: {  	[sflag:s16] =	ssyncadd.s32 $0xFFFFC000  }
0x7e: {  	_ =	sfence.sel $0x180000  }
0x7f: {  	[bflag:$0x0] =	sbarrier.arrive $0xFFFF  }
0x80: {  	p0 =	sne.s32 s2, $0x0;
	_ =	strace $0x9000004D  }
0x81: {  	s0 =	sadd.s32 @!p0 $0x100000, s0;
	[bflag:$0x2] =	sbarrier.arrive $0xFFFF  }
0x82: {  	[sflag:s0] =	ssyncadd.tile.s32 @!p0 $0x1;
	_ =	shalt  }
.Lfunc_end2:
_tile_overlayer_lowered:
.L_overlay_start_2:
0x83: {  	(tag) =	ssettag $0x2  }
0x84: {  	s0 =	rddreg [dreg:$0x0];
	s2 =	stileid.u32  }
0x85: {  	s1 =	rddreg [dreg:$0x1];
	p0 =	sne.s32 s2, $0x0  }
0x86: {  	s3 =	rddreg [dreg:$0x2];
	[bflag:$0x3] =	sbarrier.arrive $0xFFFF;
	s2 =	simm.s32 @!p0 $0x1C03  }
0x87: {  	[timem:s3], [sflag:s2] =	dma.local @!p0 [hbm:s0], s1  }
0x88: {  	s0 =	simm.s32 @!p0 $0x3  }
0x89: {  	_ =	swait.ge @!p0 [sflag:s0], s1  }
0x8a: {  	s1 =	ssub.s32 @!p0 $0x0, s1;
	[sflag:s0] =	ssyncset.done @!p0 $0x0  }
0x8b: {  	[sflag:s0] =	ssyncadd.s32 @!p0 s1  }
0x8c: {  	[bflag:$0x3] =	sbarrier.arrive $0xFFFF  }
0x8d: {  	_ =	shalt  }

// kernel: kernel.25.cloned.1.call-start
scs
__scs_entry_jumppad:
0x0: {  	(pc) =	sbr.rel $0x88, $3  }
0x1: {  	(tag) =	ssettag $0x0;
	lr =	simm.s32 $0x1  }
0x2: {  	[smem:$0x3F86] =	sst lr;
	_ =	strace $0xD0000000  }
0x3: {  	_ = 	snop  }
0x4: {  	_ = 	snop  }
0x5: {  	_ = 	snop  }
0x6: {  	_ = 	snop  }
0x7: {  	_ = 	snop  }
__scs_overlays_trampoline_lowered:
0x8: {  	[smem:$0x3F95] =	sst s0  }
0x9: {  	[smem:$0x3F96] =	sst s1  }
0xa: {  	[smem:$0x3F97] =	sst s2  }
0xb: {  	[smem:$0x3F98] =	sst s3  }
0xc: {  	[smem:$0x3F99] =	sst s4  }
0xd: {  	[smem:$0x3F9A] =	sst s5  }
0xe: {  	[smem:$0x3F9B] =	sst s6  }
0xf: {  	[smem:$0x3F9C] =	sst s7  }
0x10: {  	[smem:$0x3F9D] =	sst s8  }
0x11: {  	[smem:$0x3F9E] =	sst s9;
	s0 =	simm.s32 @!p0 $0x0  }
0x12: {  	s1 =	sld [smem:$0x3F84];
	s0 =	simm.s32 @p0 $0x1  }
0x13: {  	[smem:$0x3F9F] =	sst s0;
	s0 =	simm.s32 @!p1 $0x0  }
0x14: {  	s2 =	sld [smem:$0x3F83];
	s0 =	simm.s32 @p1 $0x1  }
0x15: {  	[smem:$0x3FA0] =	sst s0;
	s0 =	simm.s32 @!p2 $0x0  }
0x16: {  	s3 =	sld [smem:$0x3FDB];
	s0 =	simm.s32 @p2 $0x1  }
0x17: {  	s4 =	simm.s32 $0x1BF5;
	[smem:$0x3FA2] =	sst s0  }
0x18: {  	s0 =	sld [smem:$0x3F85];
	_ =	swait.ge [sflag:s4], $0x0  }
0x19: {  	s7 =	sld [smem:$0x3F86]  }
0x1a: {  	s8 =	sadd.s32 $0xFFFFE003, lr  }
0x1b: {  	s9 =	sadd.s32 $0xFFFFFEF7, lr;
	s5 =	simm.s32 $0xFFFFFFFF;
	p2 =	slt.u32 s8, $0xFFFFF086  }
0x1c: {  	p1 =	slt.u32 s9, $0xF7A;
	s5 =	simm.s32 @!p2 $0x0  }
0x1d: {  	s5 =	simm.s32 @p1 $0x1;
	p0 =	seq.s32 s7, s2  }
0x1e: {  	s7 =	smul.u32 @!p0 $0xF7A, s2;
	p2 =	seq.s32 @!p0 s5, $0x0  }
0x1f: {  	s9 =	smul.u32 $0xF7A, s1;
	s8 =	simm.s32 @!p0 $0x1BF5;
	p2 =	por !p2, p0  }
0x20: {  	[sflag:s8] =	ssyncset.s32 @!p0 $0xFFFFF086;
	s6 =	sadd.s32 @!p0 s3, s7;
	s7 =	simm.s32 @!p0 $0x108  }
0x21: {  	s3 =	sadd.s32 s3, s9;
	s6 =	sadd.s32 @!p0 $0x88, s6;
	s7 =	simm.s32 @p2 $0x1082  }
0x22: {  	[simem:s7], [sflag:s8] =	dma.local @!p0 [hbm:s6], $0xF7A  }
0x23: {  	s9 =	sor.u32 $0xD0000000, s2;
	s6 =	simm.s32 $0x108;
	_ =	swait.ge @!p0 [sflag:s8], $0x0  }
0x24: {  	s3 =	sadd.s32 $0x88, s3;
	s6 =	simm.s32 @!p1 $0x1082;
	[sflag:s4] =	ssyncset.s32 $0xFFFFF086  }
0x25: {  	[simem:s6], [sflag:s4] =	dma.local [hbm:s3], $0xF7A  }
0x26: {  	[smem:$0x3F86] =	sst s1;
	(tag) =	ssettag s2;
	_ =	strace s9  }
0x27: {  	s1 =	sld [smem:$0x3F96]  }
0x28: {  	s2 =	sld [smem:$0x3F97]  }
0x29: {  	s4 =	sld [smem:$0x3F99]  }
0x2a: {  	p0 =	seq.s32 s5, $0x0;
	s5 =	sld [smem:$0x3F9A]  }
0x2b: {  	s6 =	sld [smem:$0x3F9B]  }
0x2c: {  	s7 =	sld [smem:$0x3F9C]  }
0x2d: {  	s3 =	simm.s32 $0x108;
	s8 =	sld [smem:$0x3F9D]  }
0x2e: {  	s3 =	simm.s32 @!p0 $0x1082;
	s9 =	sld [smem:$0x3F9E]  }
0x2f: {  	lr =	sadd.s32 s0, s3;
	s0 =	sld [smem:$0x3F95]  }
0x30: {  	s3 =	sld [smem:$0x3F98]  }
0x31: {  	[smem:$0x3FA1] =	sst s10  }
0x32: {  	s10 =	sld [smem:$0x3F9F];
	_ =	sdelay $0x3  }
0x33: {  	p0 =	seq.s32 s10, $0x1;
	s10 =	sld [smem:$0x3FA1];
	_ =	sdelay $0x3  }
0x34: {  	[smem:$0x3FA1] =	sst s10  }
0x35: {  	s10 =	sld [smem:$0x3FA0];
	_ =	sdelay $0x3  }
0x36: {  	p1 =	seq.s32 s10, $0x1;
	s10 =	sld [smem:$0x3FA1];
	_ =	sdelay $0x3  }
0x37: {  	[smem:$0x3FA1] =	sst s10  }
0x38: {  	s10 =	sld [smem:$0x3FA2]  }
0x39: {  	_ = 	snop;
	(pc) =	sbr.ind lr, $3  }
0x3a: {  	_ = 	snop  }
0x3b: {  	_ = 	snop  }
0x3c: {  	p2 =	seq.s32 s10, $0x1;
	s10 =	sld [smem:$0x3FA1]  }
0x3d: {  	_ =	shalt  }
0x3e: {  	_ =	shalt  }
0x3f: {  	_ =	shalt  }
0x40: {  	_ =	shalt  }
0x41: {  	_ =	shalt  }
0x42: {  	_ =	shalt  }
0x43: {  	_ =	shalt  }
0x44: {  	_ =	shalt  }
0x45: {  	_ =	shalt  }
0x46: {  	_ =	shalt  }
0x47: {  	_ =	shalt  }
0x48: {  	_ =	shalt  }
0x49: {  	_ =	shalt  }
0x4a: {  	_ =	shalt  }
0x4b: {  	_ =	shalt  }
0x4c: {  	_ =	shalt  }
0x4d: {  	_ =	shalt  }
0x4e: {  	_ =	shalt  }
0x4f: {  	_ =	shalt  }
0x50: {  	_ =	shalt  }
0x51: {  	_ =	shalt  }
0x52: {  	_ =	shalt  }
0x53: {  	_ =	shalt  }
0x54: {  	_ =	shalt  }
0x55: {  	_ =	shalt  }
0x56: {  	_ =	shalt  }
0x57: {  	_ =	shalt  }
0x58: {  	_ =	shalt  }
0x59: {  	_ =	shalt  }
0x5a: {  	_ =	shalt  }
0x5b: {  	_ =	shalt  }
0x5c: {  	_ =	shalt  }
0x5d: {  	_ =	shalt  }
0x5e: {  	_ =	shalt  }
0x5f: {  	_ =	shalt  }
0x60: {  	_ =	shalt  }
0x61: {  	_ =	shalt  }
0x62: {  	_ =	shalt  }
0x63: {  	_ =	shalt  }
0x64: {  	_ =	shalt  }
0x65: {  	_ =	shalt  }
0x66: {  	_ =	shalt  }
0x67: {  	_ =	shalt  }
0x68: {  	_ =	shalt  }
0x69: {  	_ =	shalt  }
0x6a: {  	_ =	shalt  }
0x6b: {  	_ =	shalt  }
0x6c: {  	_ =	shalt  }
0x6d: {  	_ =	shalt  }
0x6e: {  	_ =	shalt  }
0x6f: {  	_ =	shalt  }
0x70: {  	_ =	shalt  }
0x71: {  	_ =	shalt  }
0x72: {  	_ =	shalt  }
0x73: {  	_ =	shalt  }
0x74: {  	_ =	shalt  }
0x75: {  	_ =	shalt  }
0x76: {  	_ =	shalt  }
0x77: {  	_ =	shalt  }
0x78: {  	_ =	shalt  }
0x79: {  	_ =	shalt  }
0x7a: {  	_ =	shalt  }
0x7b: {  	_ =	shalt  }
0x7c: {  	_ =	shalt  }
0x7d: {  	_ =	shalt  }
0x7e: {  	_ =	shalt  }
0x7f: {  	_ =	shalt  }
0x80: {  	_ =	shalt  }
0x81: {  	_ =	shalt  }
0x82: {  	_ =	shalt  }
0x83: {  	_ =	shalt  }
0x84: {  	_ =	shalt  }
0x85: {  	_ =	shalt  }
0x86: {  	_ =	shalt  }
0x87: {  	_ =	shalt  }
.Lfunc_end0:
.L_simem_size_0:
called_computation.3_lowered:
.L_overlay_start_0:
0x88: {  	s2 =	sld [smem:$0x3FD9]  }
0x89: {  	s3 =	sld [smem:$0x3FFE];
	_ =	sdelay $0x1  }
0x8a: {  	s1 =	srdreg.scid  }
0x8b: {  	s0 =	sand.u32 $0x1, s1  }
0x8c: {  	s17 =	sshll.u32 s0, $0xA;
	s2 =	sadd.s32 s3, s2  }
0x8d: {  	s2 =	sadd.s32 s2, s17  }
0x8e: {  	[smem:$0x3FAD] =	sst s2  }
0x8f: {  	_ = 	snop  }
0x90: {  	s2 =	sld [smem:$0x3FD0];
	(tm) =	ssettm $0x1  }
0x91: {  	s18 =	sld [smem:$0x3FFB];
	_ =	sdelay $0x3  }
0x92: {  	_ =	strace s18  }
0x93: {  	s3 =	sld [smem:$0x3FFC];
	_ =	sdelay $0x3  }
0x94: {  	_ =	strace s3  }
0x95: {  	s3 =	sld [smem:$0x3FFD];
	_ =	sdelay $0x3  }
0x96: {  	_ =	strace s3  }
0x97: {  	_ =	strace $0x8FFFFFFF  }
0x98: {  	s19 =	sld [smem:$0x3FDB];
	_ =	sdelay $0x1  }
0x99: {  	s4 =	simm.s32 $_scs_section_size  }
0x9a: {  	s5 =	simm.s32 $_size__tile_overlayer_lowered;
	s6 =	simm.s32 $_tile_overlayer_lowered  }
0x9b: {  	s22 =	simm.s32 $0x1BFF;
	s21 =	sshll.u32 s6, $0x1;
	s3 =	sadd.s32 s4, s19  }
0x9c: {  	s7 =	simm.s32 $0x0;
	s20 =	sshll.u32 s5, $0x1;
	s5 =	sadd.s32 s21, s3  }
0x9d: {  	[timem:s7], [sflag:s22] =	dma.local [hbm:s5], s20  }
0x9e: {  	_ =	swait.ge [sflag:s22], s20  }
0x9f: {  	s4 =	ssub.s32 $0x0, s20;
	[sflag:s22] =	ssyncset.done $0x0  }
0xa0: {  	[sflag:s22] =	ssyncadd.s32 s4;
	_ =	sdelay $0x1  }
0xa1: {  	s23 =	simm.s32 $0x1B8B  }
0xa2: {  	_ =	swait.ge [sflag:s23], $0x1  }
0xa3: {  	[sflag:s23] =	ssyncset.done $0x0  }
0xa4: {  	s25 =	simm.s32 $0x1B8E;
	s24 =	sld [smem:$0x3FFE];
	[sflag:s23] =	ssyncadd.s32 $0xFFFFFFFF  }
0xa5: {  	s26 =	simm.s32 $execute0_lowered;
	[smem:$0x3FD2] =	sst s25  }
0xa6: {  	s5 =	sshll.u32 s26, $0x1;
	_ =	strace $0x8000004F;
	[dreg:$0x1] =	wrdreg $0xFFFFFFFF  }
0xa7: {  	s28 =	simm.s32 $_size_execute0_lowered;
	s3 =	sadd.s32 s3, s5;
	[dreg:$0x0] =	wrdreg $0x0  }
0xa8: {  	s5 =	sshll.u32 s28, $0x1;
	[dreg:$0x2] =	wrdreg s3  }
0xa9: {  	[dreg:$0x3] =	wrdreg s5  }
0xaa: {  	[dreg:$0x4] =	wrdreg $0xC0  }
0xab: {  	_ =	task [dreg:s7], $0x5FFFF  }
0xac: {  	[dreg:$0x1] =	wrdreg $0xFFFFFFFF  }
0xad: {  	[dreg:$0x0] =	wrdreg $0x60  }
0xae: {  	[dreg:$0x2] =	wrdreg s24  }
0xaf: {  	[dreg:$0x3] =	wrdreg s2  }
0xb0: {  	[dreg:$0x4] =	wrdreg $0x9  }
0xb1: {  	_ =	task.clear_ibuf [dreg:s7], $0x5FFFF;
	_ =	strace $0x9000004F  }
0xb2: {  	s29 =	simm.s32 $0x9;
	_ =	strace $0x80000051  }
0xb3: {  	_ =	swait.ge [sflag:s29], $0x1  }
0xb4: {  	[sflag:s29] =	ssyncadd.s32 $0xFFFFFFFF  }
0xb5: {  	_ =	strace $0x90000051  }
0xb6: {  	_ =	sfence  }
0xb7: {  	s30 =	sld [smem:$0x0];
	_ =	sdelay $0x2  }
0xb8: {  	s31 =	sshll.u32 s1, $0xD;
	s1 =	sshrl.u32 s1, $0x2  }
0xb9: {  	s3 =	sand.u32 $0x4000, s31;
	s1 =	sadd.s32 s1, s30  }
0xba: {  	s0 =	sor.u32 s3, s0;
	s1 =	sshll.u32 s1, $0x11  }
0xbb: {  	s0 =	sor.u32 s1, s0  }
0xbc: {  	s0 =	sadd.s32 $0x8F2B, s0  }
0xbd: {  	[sflag:s0] =	ssyncadd.remote.s32 $0x1  }
0xbe: {  	_ =	sfence.sel $0xFFFF  }
0xbf: {  	[dreg:$0x0] =	wrdreg $0xFFFFFFFF;
	(pc) =	sbr.abs _section_cstart, $3  }
0xc0: {  	[dreg:$0x1] =	wrdreg $0xFFFFFFFF  }
0xc1: {  	_ =	task.clear_ibuf [dreg:s7], $0x2FFFF;
	_ =	strace $0x9FFFFFFF  }
0xc2: {  	(tm) =	ssettm $0x7FFFFFFF  }
0xc3: {  	_ =	shalt  }
tec
execute0_lowered:
.L_overlay_start_1:
0x0: {  	(tag) =	ssettag $0x1  }
0x1: {  	s4 =	rddreg [dreg:$0x0]  }
0x2: {  	s5 =	rddreg [dreg:$0x1]  }
0x3: {  	s0 =	rddreg [dreg:$0x2]  }
0x4: {  	s1 =	simm.s32 $0x0;
	s6 =	srdreg.scid;
	s2 =	stileid.u32  }
0x5: {  	s12 =	simm.s32 $0x6800;
	s13 =	simm.s32 $0xA800;
	s14 =	simm.s32 $0xE800  }
0x6: {  	s15 =	simm.s32 $0x1;
	s16 =	simm.s32 $0x2;
	s17 =	simm.s32 $0x0  }
0x7: {  	[smem:$0x7FF] =	sst s1;
	s3 =	sadd.s32 $0x8BE00, s4;
	s8 =	smul.u32 $0xA0, s2  }
0x8: {  	s6 =	sand.u32 $0x1, s6;
	s7 =	sshll.u32 s2, $0x1;
	s28 =	smul.u32 $0x50000, s2  }
0x9: {  	s11 =	sadd.s32 $0xCBE00, s4;
	_ =	strace $0x80000050;
	s10 =	smul.u32 $0x50, s6  }
0xa: {  	s9 =	ssub.s32 $0x2, s6;
	s7 =	sor.u32 s6, s7;
	s30 =	smul.u32 $0x28000, s6  }
0xb: {  	s26 =	sshrl.u32 s9, $0x1;
	s7 =	smul.u32 $0x500, s7;
	s31 =	sadd.s32 s28, s11  }
0xc: {  	s9 =	ssub.s32 s9, s26;
	s8 =	sadd.s32 s10, s8;
	s10 =	simm.s32 $0x80  }
0xd: {  	s4 =	sadd.s32 s5, s7;
	s29 =	sshll.u32 s8, $0xB;
	s5 =	smax.u32 s9, $0x1  }
0xe: {  	s8 =	sadd.s32 s30, s31;
	s9 =	simm.s32 $0x3;
	s7 =	sadd.s32 s29, s11  }
0xf: {  	s11 =	simm.s32 $0x2800;
	s6 =	sadd.s32 $0x1800, s7;
	s7 =	sadd.s32 $0x1000, s7  }
.LBB2_1:
0x10: {  	[tilespmem:s1], [sflag:$0x3] =	stream.linear.gather [hbm4b:s4+s1], $0x2800, $0x38;
	[tilespmem:$0x12800] =	vst v63  }
0x11: {  	_ =	swait.ge [sflag:s9], $0x2800  }
0x12: {  	[sflag:s9] =	ssyncset.done $0x0  }
0x13: {  	s18 =	simm.s32 $0x0;
	[sflag:s9] =	ssyncadd.s32 $0xFFFFD800  }
0x14: {  	[tilespmem:s11], [sflag:$0x1] =	stream.indirect.gather [hbm4b:s3+s10], $0x80, s18, s10, $0xb8;
	[tilespmem:$0x12800] =	vst v63  }
0x15: {  	s28 =	simm.s32 $0x80  }
0x16: {  	[tilespmem:s12], [sflag:$0x1] =	stream.indirect.gather [hbm4b:s3+s10], $0x80, s28, s10, $0xb8;
	[tilespmem:$0x12800] =	vst v63  }
0x17: {  	s29 =	simm.s32 $0x100  }
0x18: {  	[tilespmem:s13], [sflag:$0x1] =	stream.indirect.gather [hbm4b:s3+s10], $0x80, s29, s10, $0xb8;
	[tilespmem:$0x12800] =	vst v63  }
0x19: {  	s30 =	simm.s32 $0x180  }
0x1a: {  	[tilespmem:s14], [sflag:$0x1] =	stream.indirect.gather [hbm4b:s3+s10], $0x80, s30, s10, $0xb8;
	[tilespmem:$0x12800] =	vst v63  }
0x1b: {  	_ =	swait.ge [sflag:s15], $0x4000  }
0x1c: {  	[sflag:s15] =	ssyncset.done $0x0  }
0x1d: {  	[sflag:s15] =	ssyncadd.s32 $0xFFFFC000  }
0x1e: {  	[hbm4b:s8+s1] =	stream.linear.scatter [tilespmem:s11], [sflag:$0x2], $0x4000, $0x38;
	[tilespmem:$0x12800] =	vst v63  }
0x1f: {  	_ =	swait.ge [sflag:s15], $0x4000  }
0x20: {  	[sflag:s15] =	ssyncset.done $0x0  }
0x21: {  	s31 =	sadd.s32 $0xFFFFF000, s6;
	[sflag:s15] =	ssyncadd.s32 $0xFFFFC000  }
0x22: {  	[hbm4b:s31+s1] =	stream.linear.scatter [tilespmem:s12], [sflag:$0x2], $0x4000, $0x38;
	[tilespmem:$0x12800] =	vst v63  }
0x23: {  	_ =	swait.ge [sflag:s15], $0x4000  }
0x24: {  	[sflag:s15] =	ssyncset.done $0x0  }
0x25: {  	[sflag:s15] =	ssyncadd.s32 $0xFFFFC000  }
0x26: {  	[hbm4b:s7+s1] =	stream.linear.scatter [tilespmem:s13], [sflag:$0x2], $0x4000, $0x38;
	[tilespmem:$0x12800] =	vst v63  }
0x27: {  	_ =	swait.ge [sflag:s15], $0x4000  }
0x28: {  	[sflag:s15] =	ssyncset.done $0x0  }
0x29: {  	[sflag:s15] =	ssyncadd.s32 $0xFFFFC000  }
0x2a: {  	[hbm4b:s6+s1] =	stream.linear.scatter [tilespmem:s14], [sflag:$0x2], $0x4000, $0x38;
	[tilespmem:$0x12800] =	vst v63  }
0x2b: {  	_ =	swait.ge [sflag:s16], $0x4000  }
0x2c: {  	[sflag:s16] =	ssyncset.done $0x0  }
0x2d: {  	[sflag:s16] =	ssyncadd.s32 $0xFFFFC000  }
0x2e: {  	_ =	swait.ge [sflag:s16], $0x4000  }
0x2f: {  	[sflag:s16] =	ssyncset.done $0x0  }
0x30: {  	[sflag:s16] =	ssyncadd.s32 $0xFFFFC000  }
0x31: {  	_ =	swait.ge [sflag:s16], $0x4000  }
0x32: {  	[sflag:s16] =	ssyncset.done $0x0  }
0x33: {  	s21 =	simm.s32 $0x800;
	[sflag:s16] =	ssyncadd.s32 $0xFFFFC000  }
0x34: {  	s23 =	simm.s32 $0x1000;
	s20 =	sadd.s32 $0x2000, s8;
	_ =	swait.ge [sflag:s16], $0x4000  }
0x35: {  	s19 =	sadd.s32 $0x2000, s7;
	s18 =	sadd.s32 $0x2000, s6;
	[sflag:s16] =	ssyncset.done $0x0  }
.LBB2_2:
0x36: {  	s24 =	sshra.s32 s21, $0x2  }
0x37: {  	[sflag:s16] =	ssyncadd.s32 $0xFFFFC000;
	s21 =	smov.u32 s23;
	s22 =	sadd.s32 $0x800, s23  }
0x38: {  	[tilespmem:s11], [sflag:$0x1] =	stream.indirect.gather [hbm4b:s3+s10], $0x80, s24, s10, $0xb8;
	[tilespmem:$0x12800] =	vst v63  }
0x39: {  	p0 =	sne.s32 s23, $0x9800;
	s23 =	sadd.s32 $0x80, s24  }
0x3a: {  	[tilespmem:s12], [sflag:$0x1] =	stream.indirect.gather [hbm4b:s3+s10], $0x80, s23, s10, $0xb8;
	[tilespmem:$0x12800] =	vst v63  }
0x3b: {  	s23 =	sadd.s32 $0x100, s24  }
0x3c: {  	[tilespmem:s13], [sflag:$0x1] =	stream.indirect.gather [hbm4b:s3+s10], $0x80, s23, s10, $0xb8;
	[tilespmem:$0x12800] =	vst v63  }
0x3d: {  	s23 =	sadd.s32 $0x180, s24  }
0x3e: {  	[tilespmem:s14], [sflag:$0x1] =	stream.indirect.gather [hbm4b:s3+s10], $0x80, s23, s10, $0xb8;
	[tilespmem:$0x12800] =	vst v63  }
0x3f: {  	_ =	swait.ge [sflag:s15], $0x4000  }
0x40: {  	[sflag:s15] =	ssyncset.done $0x0  }
0x41: {  	[sflag:s15] =	ssyncadd.s32 $0xFFFFC000  }
0x42: {  	[hbm4b:s20+s1] =	stream.linear.scatter [tilespmem:s11], [sflag:$0x2], $0x4000, $0x38;
	[tilespmem:$0x12800] =	vst v63  }
0x43: {  	_ =	swait.ge [sflag:s15], $0x4000  }
0x44: {  	[sflag:s15] =	ssyncset.done $0x0  }
0x45: {  	s23 =	sadd.s32 $0xFFFFF000, s18;
	[sflag:s15] =	ssyncadd.s32 $0xFFFFC000  }
0x46: {  	[hbm4b:s23+s1] =	stream.linear.scatter [tilespmem:s12], [sflag:$0x2], $0x4000, $0x38;
	[tilespmem:$0x12800] =	vst v63  }
0x47: {  	_ =	swait.ge [sflag:s15], $0x4000  }
0x48: {  	[sflag:s15] =	ssyncset.done $0x0  }
0x49: {  	[sflag:s15] =	ssyncadd.s32 $0xFFFFC000  }
0x4a: {  	[hbm4b:s19+s1] =	stream.linear.scatter [tilespmem:s13], [sflag:$0x2], $0x4000, $0x38;
	[tilespmem:$0x12800] =	vst v63  }
0x4b: {  	_ =	swait.ge [sflag:s15], $0x4000  }
0x4c: {  	[sflag:s15] =	ssyncset.done $0x0  }
0x4d: {  	[sflag:s15] =	ssyncadd.s32 $0xFFFFC000  }
0x4e: {  	[hbm4b:s18+s1] =	stream.linear.scatter [tilespmem:s14], [sflag:$0x2], $0x4000, $0x38;
	[tilespmem:$0x12800] =	vst v63  }
0x4f: {  	_ =	swait.ge [sflag:s16], $0x4000  }
0x50: {  	[sflag:s16] =	ssyncset.done $0x0  }
0x51: {  	[sflag:s16] =	ssyncadd.s32 $0xFFFFC000  }
0x52: {  	_ =	swait.ge [sflag:s16], $0x4000  }
0x53: {  	[sflag:s16] =	ssyncset.done $0x0  }
0x54: {  	[sflag:s16] =	ssyncadd.s32 $0xFFFFC000  }
.Ltmp0:
0x55: {  	_ =	swait.ge [sflag:s16], $0x4000;
	(pc) =	sbr.rel @p0 .LBB2_2-.Ltmp0, $4  }
0x56: {  	[sflag:s16] =	ssyncset.done $0x0  }
0x57: {  	[sflag:s16] =	ssyncadd.s32 $0xFFFFC000  }
0x58: {  	s20 =	sadd.s32 $0x2000, s20;
	s23 =	smov.u32 s22;
	_ =	swait.ge [sflag:s16], $0x4000  }
0x59: {  	s19 =	sadd.s32 $0x2000, s19;
	s18 =	sadd.s32 $0x2000, s18;
	[sflag:s16] =	ssyncset.done $0x0  }
0x5a: {  	s21 =	sshra.s32 s21, $0x2;
	[sflag:s16] =	ssyncadd.s32 $0xFFFFC000  }
0x5b: {  	[tilespmem:s11], [sflag:$0x1] =	stream.indirect.gather [hbm4b:s3+s10], $0x80, s21, s10, $0xb8;
	[tilespmem:$0x12800] =	vst v63  }
0x5c: {  	s22 =	sadd.s32 $0x80, s21  }
0x5d: {  	[tilespmem:s12], [sflag:$0x1] =	stream.indirect.gather [hbm4b:s3+s10], $0x80, s22, s10, $0xb8;
	[tilespmem:$0x12800] =	vst v63  }
0x5e: {  	s30 =	sadd.s32 $0x100, s21  }
0x5f: {  	[tilespmem:s13], [sflag:$0x1] =	stream.indirect.gather [hbm4b:s3+s10], $0x80, s30, s10, $0xb8;
	[tilespmem:$0x12800] =	vst v63  }
0x60: {  	s21 =	sadd.s32 $0x180, s21  }
0x61: {  	[tilespmem:s14], [sflag:$0x1] =	stream.indirect.gather [hbm4b:s3+s10], $0x80, s21, s10, $0xb8;
	[tilespmem:$0x12800] =	vst v63  }
0x62: {  	_ =	swait.ge [sflag:s15], $0x4000  }
0x63: {  	[sflag:s15] =	ssyncset.done $0x0  }
0x64: {  	[sflag:s15] =	ssyncadd.s32 $0xFFFFC000  }
0x65: {  	[hbm4b:s20+s1] =	stream.linear.scatter [tilespmem:s11], [sflag:$0x2], $0x4000, $0x38;
	[tilespmem:$0x12800] =	vst v63  }
0x66: {  	_ =	swait.ge [sflag:s15], $0x4000  }
0x67: {  	[sflag:s15] =	ssyncset.done $0x0  }
0x68: {  	s31 =	sadd.s32 $0xFFFFF000, s18;
	[sflag:s15] =	ssyncadd.s32 $0xFFFFC000  }
0x69: {  	[hbm4b:s31+s1] =	stream.linear.scatter [tilespmem:s12], [sflag:$0x2], $0x4000, $0x38;
	[tilespmem:$0x12800] =	vst v63  }
0x6a: {  	_ =	swait.ge [sflag:s15], $0x4000  }
0x6b: {  	[sflag:s15] =	ssyncset.done $0x0  }
0x6c: {  	[sflag:s15] =	ssyncadd.s32 $0xFFFFC000  }
0x6d: {  	[hbm4b:s19+s1] =	stream.linear.scatter [tilespmem:s13], [sflag:$0x2], $0x4000, $0x38;
	[tilespmem:$0x12800] =	vst v63  }
0x6e: {  	_ =	swait.ge [sflag:s15], $0x4000  }
0x6f: {  	[sflag:s15] =	ssyncset.done $0x0  }
0x70: {  	[sflag:s15] =	ssyncadd.s32 $0xFFFFC000  }
0x71: {  	[hbm4b:s18+s1] =	stream.linear.scatter [tilespmem:s14], [sflag:$0x2], $0x4000, $0x38;
	[tilespmem:$0x12800] =	vst v63  }
0x72: {  	_ =	swait.ge [sflag:s16], $0x4000  }
0x73: {  	[sflag:s16] =	ssyncset.done $0x0  }
0x74: {  	[sflag:s16] =	ssyncadd.s32 $0xFFFFC000  }
0x75: {  	_ =	swait.ge [sflag:s16], $0x4000  }
0x76: {  	[sflag:s16] =	ssyncset.done $0x0  }
0x77: {  	s17 =	sadd.s32 $0x1, s17;
	[sflag:s16] =	ssyncadd.s32 $0xFFFFC000  }
0x78: {  	p0 =	sne.s32 s17, s5;
	_ =	swait.ge [sflag:s16], $0x4000  }
.Ltmp1:
0x79: {  	[sflag:s16] =	ssyncset.done $0x0;
	(pc) =	sbr.rel @p0 .LBB2_1-.Ltmp1, $4  }
0x7a: {  	[sflag:s16] =	ssyncadd.s32 $0xFFFFC000  }
0x7b: {  	_ =	swait.ge [sflag:s16], $0x4000  }
0x7c: {  	[sflag:s16] =	ssyncset.done $0x0  }
0x7d: {  	[sflag:s16] =	ssyncadd.s32 $0xFFFFC000  }
0x7e: {  	_ =	sfence.sel $0x180000  }
0x7f: {  	[bflag:$0x0] =	sbarrier.arrive $0xFFFF  }
0x80: {  	p0 =	sne.s32 s2, $0x0;
	_ =	strace $0x90000050  }
0x81: {  	s0 =	sadd.s32 @!p0 $0x100000, s0;
	[bflag:$0x2] =	sbarrier.arrive $0xFFFF  }
0x82: {  	[sflag:s0] =	ssyncadd.tile.s32 @!p0 $0x1;
	_ =	shalt  }
.Lfunc_end2:
_tile_overlayer_lowered:
.L_overlay_start_2:
0x83: {  	(tag) =	ssettag $0x2  }
0x84: {  	s0 =	rddreg [dreg:$0x0];
	s2 =	stileid.u32  }
0x85: {  	s1 =	rddreg [dreg:$0x1];
	p0 =	sne.s32 s2, $0x0  }
0x86: {  	s3 =	rddreg [dreg:$0x2];
	[bflag:$0x3] =	sbarrier.arrive $0xFFFF;
	s2 =	simm.s32 @!p0 $0x1C03  }
0x87: {  	[timem:s3], [sflag:s2] =	dma.local @!p0 [hbm:s0], s1  }
0x88: {  	s0 =	simm.s32 @!p0 $0x3  }
0x89: {  	_ =	swait.ge @!p0 [sflag:s0], s1  }
0x8a: {  	s1 =	ssub.s32 @!p0 $0x0, s1;
	[sflag:s0] =	ssyncset.done @!p0 $0x0  }
0x8b: {  	[sflag:s0] =	ssyncadd.s32 @!p0 s1  }
0x8c: {  	[bflag:$0x3] =	sbarrier.arrive $0xFFFF  }
0x8d: {  	_ =	shalt  }

// kernel: sparse-core-data-format-call.cloned.1.call-start
scs
called_computation_lowered:
.L_overlay_start_0:
0x0: {  	s1 =	sld [smem:$0x3FD9]  }
0x1: {  	s2 =	sld [smem:$0x3FFE];
	_ =	sdelay $0x1  }
0x2: {  	s3 =	srdreg.scid  }
0x3: {  	s0 =	sand.u32 $0x1, s3  }
0x4: {  	s17 =	sshll.u32 s0, $0xA;
	s1 =	sadd.s32 s2, s1  }
0x5: {  	s1 =	sadd.s32 s1, s17  }
0x6: {  	[smem:$0x3FAD] =	sst s1  }
0x7: {  	_ = 	snop  }
0x8: {  	(tm) =	ssettm $0x1  }
0x9: {  	s18 =	sld [smem:$0x3FFB];
	_ =	sdelay $0x3  }
0xa: {  	_ =	strace s18  }
0xb: {  	s1 =	sld [smem:$0x3FFC];
	_ =	sdelay $0x3  }
0xc: {  	_ =	strace s1  }
0xd: {  	s1 =	sld [smem:$0x3FFD];
	_ =	sdelay $0x3  }
0xe: {  	_ =	strace s1  }
0xf: {  	_ =	strace $0x8FFFFFFF  }
0x10: {  	s19 =	sld [smem:$0x3FDB];
	_ =	sdelay $0x1  }
0x11: {  	s20 =	simm.s32 $_scs_section_size  }
0x12: {  	s4 =	simm.s32 $_size__tile_overlayer_lowered;
	s5 =	simm.s32 $_tile_overlayer_lowered  }
0x13: {  	s23 =	simm.s32 $0x1BFF;
	s22 =	sshll.u32 s5, $0x1;
	s1 =	sadd.s32 s20, s19  }
0x14: {  	s6 =	simm.s32 $0x0;
	s21 =	sshll.u32 s4, $0x1;
	s4 =	sadd.s32 s22, s1  }
0x15: {  	[timem:s6], [sflag:s23] =	dma.local [hbm:s4], s21  }
0x16: {  	_ =	swait.ge [sflag:s23], s21  }
0x17: {  	s2 =	ssub.s32 $0x0, s21;
	[sflag:s23] =	ssyncset.done $0x0  }
0x18: {  	[sflag:s23] =	ssyncadd.s32 s2;
	_ =	sdelay $0x1  }
0x19: {  	s24 =	simm.s32 $0x1B8B  }
0x1a: {  	_ =	swait.ge [sflag:s24], $0x1  }
0x1b: {  	[sflag:s24] =	ssyncset.done $0x0  }
0x1c: {  	s26 =	simm.s32 $0x1B8E;
	s25 =	sld [smem:$0x3FFE];
	[sflag:s24] =	ssyncadd.s32 $0xFFFFFFFF  }
0x1d: {  	s27 =	simm.s32 $execute0_lowered;
	[smem:$0x3FD2] =	sst s26  }
0x1e: {  	s4 =	sshll.u32 s27, $0x1;
	_ =	strace $0x80000049;
	[dreg:$0x1] =	wrdreg $0xFFFFFFFF  }
0x1f: {  	s28 =	simm.s32 $_size_execute0_lowered;
	s1 =	sadd.s32 s1, s4;
	[dreg:$0x0] =	wrdreg $0x0  }
0x20: {  	s4 =	sshll.u32 s28, $0x1;
	[dreg:$0x2] =	wrdreg s1  }
0x21: {  	[dreg:$0x3] =	wrdreg s4  }
0x22: {  	[dreg:$0x4] =	wrdreg $0xC0  }
0x23: {  	_ =	task [dreg:s6], $0x5FFFF  }
0x24: {  	[dreg:$0x1] =	wrdreg $0xFFFFFFFF  }
0x25: {  	[dreg:$0x0] =	wrdreg $0x60  }
0x26: {  	[dreg:$0x2] =	wrdreg s25  }
0x27: {  	[dreg:$0x3] =	wrdreg $0x9  }
0x28: {  	_ =	task.clear_ibuf [dreg:s6], $0x4FFFF;
	_ =	strace $0x90000049  }
0x29: {  	s29 =	simm.s32 $0x9;
	_ =	strace $0x8000004B  }
0x2a: {  	_ =	swait.ge [sflag:s29], $0x1  }
0x2b: {  	[sflag:s29] =	ssyncadd.s32 $0xFFFFFFFF  }
0x2c: {  	_ =	strace $0x9000004B  }
0x2d: {  	_ =	sfence  }
0x2e: {  	s30 =	sld [smem:$0x0];
	_ =	sdelay $0x2  }
0x2f: {  	s31 =	sshll.u32 s3, $0xD;
	s3 =	sshrl.u32 s3, $0x2  }
0x30: {  	s2 =	sand.u32 $0x4000, s31;
	s1 =	sadd.s32 s3, s30  }
0x31: {  	s0 =	sor.u32 s2, s0;
	s1 =	sshll.u32 s1, $0x11  }
0x32: {  	s0 =	sor.u32 s1, s0  }
0x33: {  	s0 =	sadd.s32 $0x8F2B, s0  }
0x34: {  	[sflag:s0] =	ssyncadd.remote.s32 $0x1  }
0x35: {  	_ =	sfence.sel $0xFFFF  }
0x36: {  	[dreg:$0x0] =	wrdreg $0xFFFFFFFF;
	(pc) =	sbr.abs _section_cstart, $3  }
0x37: {  	[dreg:$0x1] =	wrdreg $0xFFFFFFFF  }
0x38: {  	_ =	task.clear_ibuf [dreg:s6], $0x2FFFF;
	_ =	strace $0x9FFFFFFF  }
0x39: {  	(tm) =	ssettm $0x7FFFFFFF  }
tec
execute0_lowered:
.L_overlay_start_1:
0x0: {  	(tag) =	ssettag $0x1  }
0x1: {  	s0 =	stileid.u32;
	s1 =	srdreg.scid  }
0x2: {  	s4 =	rddreg [dreg:$0x0];
	s2 =	sshll.u32 s0, $0x4;
	s1 =	sshll.u32 s1, $0x8  }
0x3: {  	s5 =	simm.s32 $0x1;
	s8 =	simm.s32 $0x2;
	s1 =	sor.u32 s2, s1  }
0x4: {  	s14 =	simm.s32 $0x0;
	s9 =	simm.s32 $0x4000;
	s2 =	sand.u32 $0x180, s1  }
0x5: {  	s15 =	simm.s32 $0x0;
	s16 =	simm.s32 $0x0;
	s3 =	ssub.s32 $0x800, s2  }
0x6: {  	s10 =	simm.s32 $0x0;
	s7 =	sand.u32 $0x7, s0;
	s31 =	sand.u32 $0x180, s3  }
0x7: {  	s13 =	simm.s32 $0x0;
	s12 =	smov.u32 s7;
	p0 =	sne.s32 s31, $0x0  }
.Ltmp0:
0x8: {  	s6 =	sshrl.u32 s3, $0x9;
	s5 =	simm.s32 @!p0 $0x0;
	(pc) =	sbr.rel .LBB1_1-.Ltmp0, $4  }
0x9: {  	s1 =	rddreg [dreg:$0x1];
	_ =	strace $0x8000004A;
	s6 =	sadd.s32 s5, s6  }
0xa: {  	s11 =	smov.u32 s2;
	s5 =	simm.s32 $0x1;
	s6 =	smul.u32 $0x14, s6  }
0xb: {  	s3 =	sadd.s32 $0x5ABE00, s4;
	s4 =	sadd.s32 $0xABE00, s4;
	[sflag:s5] =	ssyncpa.u1 $0x0  }
0xc: {  	p0 =	por $0x0, $0x0;
	[sflag:s8] =	ssyncpa.u1 $0x0;
	s8 =	sor.u32 $0x1, s6  }
.LBB1_4:
0xd: {  	s16 =	smul.u32 $0x50000, s16  }
0xe: {  	s19 =	sshll.u32 s15, $0x3;
	s20 =	sand.u32 $0x78, s15;
	s30 =	sand.u32 $0x3F00, s15  }
0xf: {  	s14 =	sshll.u32 s14, $0xE;
	s19 =	sand.u32 $0x400, s19;
	s16 =	sadd.s32 s4, s16  }
0x10: {  	[tilespmem:s18+$0x810 ss:$0x81] =	vst.msk $0xffff, v2;
	s31 =	sand.u32 $0x7, s15;
	s19 =	sor.u32 s20, s19;
	s16 =	sadd.s32 s30, s16  }
0x11: {  	[tilespmem:s18+$0x1020 ss:$0x81] =	vst.msk $0xffff, v0;
	s15 =	sshll.u32 s31, $0x12;
	s19 =	sshrl.u32 s19, $0x3;
	s14 =	sadd.s32 s14, s16  }
0x12: {  	[tilespmem:s18+$0x0 ss:$0x81] =	vst.msk $0xffff, v1;
	s15 =	sor.u32 $0x400, s15;
	s14 =	sadd.s32 s19, s14  }
0x13: {  	[hbm4b:s14+s15] =	stream.strided.scatter [tilespmem:s17], [sflag:$0x2], $0x2000, s9, s15, $0x20;
	[tilespmem:$0x8080] =	vst v63  }
.LBB1_5:
0x14: {  	s17 =	sadd.s32 $0x1, s10  }
0x15: {  	s14 =	sadd.s32 $0x200, s11;
	s18 =	smov.u32 s11;
	p2 =	sgt.s32 s17, $0x13  }
0x16: {  	s18 =	smov.u32 @p2 s14  }
0x17: {  	s20 =	smov.u32 s12;
	s14 =	sadd.s32 $0x8, s12;
	p3 =	sgt.s32 s18, $0x7FF  }
0x18: {  	s20 =	smov.u32 @p3 s14  }
0x19: {  	s17 =	simm.s32 @p2 $0x0;
	p2 =	sgt.s32 s20, $0x7  }
0x1a: {  	p1 =	slt.u32 s13, $0x2;
	s20 =	smov.u32 @p2 s7;
	p2 =	sne.s32 s13, s8  }
.Ltmp1:
0x1b: {  	s19 =	simm.s32 @!p1 $0x2;
	(pc) =	sbr.rel @!p2 .LBB1_6-.Ltmp1, $4  }
0x1c: {  	s15 =	smov.u32 s11;
	s16 =	smov.u32 s12;
	_ =	swait.ge @!p1 [sflag:s19], $0x2000  }
0x1d: {  	p0 =	por !p0, !p0;
	[sflag:s19] =	ssyncset.done @!p1 $0x0;
	s18 =	smov.u32 @p3 s2  }
0x1e: {  	s14 =	smov.u32 s10;
	[sflag:s19] =	ssyncadd.s32 @!p1 $0xFFFFE000;
	s10 =	smov.u32 s17  }
0x1f: {  	s11 =	smov.u32 s18;
	s13 =	sadd.s32 $0x1, s13;
	s12 =	smov.u32 s20  }
.LBB1_1:
0x20: {  	p1 =	sge.u32 s13, s6  }
0x21: {  	s17 =	sand.u32 @!p1 $0x1FFFFFF, s10;
	s19 =	smul.u32 @!p1 $0xC0000, s12  }
0x22: {  	s18 =	smulhi.u32 @!p1 $0xAAAAAAB, s17  }
0x23: {  	s21 =	smul.u32 @!p1 $0x180, s11  }
0x24: {  	s18 =	smul.u32 @!p1 $0x18, s18  }
0x25: {  	s31 =	sadd.s32 $0xFFFFFFFF, s13;
	s19 =	sadd.s32 @!p1 s3, s19  }
0x26: {  	s20 =	sxor.u32 @!p1 $0xFFFFFFFF, s13;
	s19 =	sadd.s32 @!p1 s21, s19;
	s17 =	ssub.s32 @!p1 s17, s18  }
0x27: {  	s18 =	sshll.u32 @!p1 s20, $0xD;
	s20 =	simm.s32 @!p1 $0xC00;
	s17 =	sshll.u32 @!p1 s17, $0x4  }
0x28: {  	s18 =	sand.u32 @!p1 $0x2000, s18;
	s17 =	sadd.s32 @!p1 s17, s19;
	s19 =	simm.s32 @!p1 $0x40  }
0x29: {  	[tilespmem:s18], [sflag:$0x1] =	stream.strided.gather @!p1 [hbm4b:s17+s19], $0x2000, s20, s19, $0x38;
	[tilespmem:$0x8080] =	vst v63  }
0x2a: {  	p1 =	sge.u32 s31, s6  }
.Ltmp2:
0x2b: {  	_ = 	snop;
	(pc) =	sbr.rel @p1 .LBB1_5-.Ltmp2, $1  }
0x2c: {  	_ =	sdelay $0x3  }
0x2d: {  	s17 =	simm.s32 $0x1  }
0x2e: {  	_ =	swait.ge [sflag:s5], $0x2000;
	s17 =	simm.s32 @!p0 $0x0  }
0x2f: {  	[sflag:s5] =	ssyncset.done $0x0;
	s18 =	sshll.u32 s17, $0xD  }
0x30: {  	[sflag:s5] =	ssyncadd.s32 $0xFFFFE000;
	s21 =	sor.u32 $0x20, s18  }
0x31: {  	s17 =	smul.u32 $0x8100, s17;
	v3 =	vld [tilespmem:s21+$0x10]  }
0x32: {  	s30 =	sand.u32 $0x1, s13;
	v2 =	vld [tilespmem:s21+$0xFFFFFFF0]  }
0x33: {  	s18 =	smul.u32 $0x8100, s30;
	s17 =	sshrl.u32 s17, $0x2;
	v0 =	vld [tilespmem:s21+$0x0]  }
0x34: {  	v1 =	vld [tilespmem:s21+$0xFFFFFFE0];
	s19 =	sor.u32 $0x4000, s17  }
0x35: {  	s31 =	sshrl.u32 s18, $0x2;
	s18 =	sadd.s32 $0x0, s19  }
0x36: {  	s20 =	simm.s32 $0x4;
	s21 =	sadd.s32 $0x40, s21;
	s17 =	sor.u32 $0x4000, s31;
	[tilespmem:s18+$0x1830 ss:$0x81] =	vst.msk $0xffff, v3  }
.LBB1_3:
0x37: {  	v3 =	vld [tilespmem:s21+$0x10];
	p1 =	sne.s32 s20, $0x1FC;
	[tilespmem:s18+$0x810 ss:$0x81] =	vst.msk $0xffff, v2;
	s22 =	smov.u32 s20;
	s20 =	sadd.s32 $0x4, s20  }
.Ltmp3:
0x38: {  	v2 =	vld [tilespmem:s21+$0xFFFFFFF0];
	[tilespmem:s18+$0x1020 ss:$0x81] =	vst.msk $0xffff, v0;
	(pc) =	sbr.rel @p1 .LBB1_3-.Ltmp3, $4  }
0x39: {  	v0 =	vld [tilespmem:s21+$0x0];
	[tilespmem:s18+$0x0 ss:$0x81] =	vst.msk $0xffff, v1  }
0x3a: {  	s18 =	sshra.s32 s22, $0x2;
	v1 =	vld [tilespmem:s21+$0xFFFFFFE0]  }
0x3b: {  	s18 =	sadd.s32 s18, s19  }
0x3c: {  	s21 =	sadd.s32 $0x40, s21;
	[tilespmem:s18+$0x1830 ss:$0x81] =	vst.msk $0xffff, v3  }
.Ltmp4:
0x3d: {  	_ = 	snop;
	(pc) =	sbr.rel .LBB1_4-.Ltmp4, $1  }
0x3e: {  	_ =	sdelay $0x3  }
.LBB1_6:
0x3f: {  	_ =	sfence.sel $0x180000  }
0x40: {  	s2 =	simm.s32 $0x1;
	[bflag:$0x0] =	sbarrier.arrive $0xFFFF  }
0x41: {  	s31 =	simm.s32 $0x2;
	[sflag:s2] =	ssyncpa.u1 $0x1  }
0x42: {  	[sflag:s31] =	ssyncpa.u1 $0x1  }
0x43: {  	p0 =	sne.s32 s0, $0x0;
	_ =	strace $0x9000004A  }
0x44: {  	s0 =	sadd.s32 @!p0 $0x100000, s1;
	[bflag:$0x2] =	sbarrier.arrive $0xFFFF  }
0x45: {  	[sflag:s0] =	ssyncadd.tile.s32 @!p0 $0x1;
	_ =	shalt  }
.Lfunc_end1:
_tile_overlayer_lowered:
.L_overlay_start_2:
0x46: {  	(tag) =	ssettag $0x2  }
0x47: {  	s0 =	rddreg [dreg:$0x0];
	s2 =	stileid.u32  }
0x48: {  	s1 =	rddreg [dreg:$0x1];
	p0 =	sne.s32 s2, $0x0  }
0x49: {  	s3 =	rddreg [dreg:$0x2];
	[bflag:$0x3] =	sbarrier.arrive $0xFFFF;
	s2 =	simm.s32 @!p0 $0x1C01  }
0x4a: {  	[timem:s3], [sflag:s2] =	dma.local @!p0 [hbm:s0], s1  }
0x4b: {  	s0 =	simm.s32 @!p0 $0x1  }
0x4c: {  	_ =	swait.ge @!p0 [sflag:s0], s1  }
0x4d: {  	s1 =	ssub.s32 @!p0 $0x0, s1;
	[sflag:s0] =	ssyncset.done @!p0 $0x0  }
0x4e: {  	[sflag:s0] =	ssyncadd.s32 @!p0 s1  }
0x4f: {  	[bflag:$0x3] =	sbarrier.arrive $0xFFFF  }
0x50: {  	_ =	shalt  }

</sc_bundles>
